<compile_context>
chip_gen: v7x
topology: tpu7x:2x2x1
jax: 0.10.2.dev20260603
libtpu: 0.0.44.dev20260713+nightly
codegen_flags: <defaults>
</compile_context>

<pallas_src>
import jax
import jax.numpy as jnp
from jax import lax
from jax.experimental import pallas as pl
from jax.experimental.pallas import tpu as pltpu
from jax.experimental.pallas import tpu_sc as plsc

NUM_POINTS = 100000
EMBED = 128
B = 4096
WALK_LEN = 50
NUM_NEG = 20
NEG_PAD = 32
LANES = 16
DC = EMBED // LANES


def _rsqrt16(x):
    i = plsc.bitcast(x, jnp.int32)
    i = jnp.int32(0x5F1FFFF9) - (i >> 1)
    y0 = plsc.bitcast(i, jnp.float32)
    y = (y0 * jnp.float32(0.703952253)) * (jnp.float32(2.38924456) - (x * y0) * y0)
    return jnp.minimum(jnp.float32(1.0), y)


def _row_chunks(ref, r):
    return [ref[r, pl.ds(c * LANES, LANES)] for c in range(DC)]


def _pairwise_dot(a_chunks, b_chunks):
    terms = [a_chunks[c] * b_chunks[c] for c in range(DC)]
    while len(terms) > 1:
        terms = [terms[i] + terms[i + 1] for i in range(0, len(terms), 2)]
    return terms[0]


def _norm_scale(chunks):
    nsq = jnp.sum(_pairwise_dot(chunks, chunks))
    return _rsqrt16(jnp.full((LANES,), nsq, jnp.float32))


WALK_ILV = 5
NEG_ILV = 4
PT_ILV = 4
GB = 4


def _sc_body(points_hbm, walks_hbm, negs_hbm, table_hbm,
             pe_out, hs_out, sims_out,
             pidx, widx, nidx, prows, wrows_a, nrows_a, wrows_b, nrows_b,
             hs_scr, sims_scr,
             sem_p, sem_wa, sem_na, sem_wb, sem_nb):
    info = plsc.get_sparse_core_info()
    nc = info.num_cores
    bpw = B // (nc * info.num_subcores)
    wid = lax.axis_index("s") * nc + lax.axis_index("c")
    base = pl.multiple_of(wid * bpw, bpw)

    cp = pltpu.async_copy(points_hbm.at[pl.ds(base, bpw)], pidx, sem_p)
    cw = pltpu.async_copy(
        walks_hbm.at[pl.ds(pl.multiple_of(base // 2, bpw // 2), bpw // 2)], widx, sem_wa
    )
    cn = pltpu.async_copy(
        negs_hbm.at[pl.ds(pl.multiple_of(base // GB, bpw // GB), bpw // GB)], nidx, sem_na
    )
    lane = lax.broadcasted_iota(jnp.int32, (LANES,), 0)
    wtr = GB // 2 * WALK_LEN
    dummy_w = table_hbm.at[widx.at[0]]
    dummy_n = table_hbm.at[nidx.at[0]]

    def issue(g, wbuf, nbuf, sw, sn):
        pltpu.async_copy(table_hbm.at[widx.at[2 * g]], wbuf.at[pl.ds(0, wtr)], sw)
        pltpu.async_copy(table_hbm.at[widx.at[2 * g + 1]], wbuf.at[pl.ds(wtr, wtr)], sw)
        pltpu.async_copy(table_hbm.at[nidx.at[g]], nbuf, sn)

    def drain(wbuf, nbuf, sw, sn):
        pltpu.make_async_copy(dummy_w, wbuf.at[pl.ds(0, wtr)], sw).wait()
        pltpu.make_async_copy(dummy_w, wbuf.at[pl.ds(wtr, wtr)], sw).wait()
        pltpu.make_async_copy(dummy_n, nbuf, sn).wait()

    zero = jnp.zeros((LANES,), jnp.float32)

    def compute_walks(b, wrows, woff):
        ph = _row_chunks(prows, b)

        zeros8 = tuple(zero for _ in range(DC))

        @plsc.parallel_loop(0, WALK_LEN, 1, unroll=WALK_ILV, carry=zeros8)
        def acc(l, acc):
            wc = _row_chunks(wrows, woff + l)
            s = _norm_scale(wc)
            return tuple(acc[c] + s * wc[c] for c in range(DC))
        hsum = jnp.full((LANES,), jnp.sum(_pairwise_dot(ph, acc)), jnp.float32)
        hs_scr[b // LANES] = jnp.where(lane == (b % LANES), hsum, hs_scr[b // LANES])

    def compute_negs(b, nrows, noff):
        ph = _row_chunks(prows, b)

        @plsc.parallel_loop(0, NUM_NEG, 1, unroll=NEG_ILV, carry=(zero, zero))
        def _negv(n, carry):
            v0, v1 = carry
            nch = _row_chunks(nrows, noff + n)
            s = _norm_scale(nch)
            dvn = _pairwise_dot(ph, nch)
            simv = jnp.full((LANES,), jnp.sum(dvn), jnp.float32) * s
            v0 = jnp.where(lane == n, simv, v0)
            v1 = jnp.where(lane == (n - LANES), simv, v1)
            return (v0, v1)

        v0, v1 = _negv
        sims_scr[b, pl.ds(0, LANES)] = v0
        sims_scr[b, pl.ds(LANES, LANES)] = v1

    def compute_group(g, wbuf, nbuf):
        def phase_body(p, _):
            b = g * GB + p
            compute_walks(b, wbuf, p * WALK_LEN)
            compute_negs(b, nbuf, p * NUM_NEG)
            return 0

        lax.fori_loop(0, GB, phase_body, 0)

    ngroups = bpw // GB
    cw.wait()
    cn.wait()
    issue(0, wrows_a, nrows_a, sem_wa, sem_na)
    issue(1, wrows_b, nrows_b, sem_wb, sem_nb)

    cp.wait()
    pltpu.async_copy(table_hbm.at[pidx], prows, sem_p).wait()

    @plsc.parallel_loop(0, bpw, 1, unroll=PT_ILV)
    def _(b):
        ch = _row_chunks(prows, b)
        s = _norm_scale(ch)
        for c in range(DC):
            prows[b, pl.ds(c * LANES, LANES)] = ch[c] * s
    cpe = pltpu.async_copy(prows, pe_out.at[pl.ds(base, bpw)], sem_p)

    def gpair(g2, _):
        g = g2 * 2
        not_last = g2 + 1 < ngroups // 2
        drain(wrows_a, nrows_a, sem_wa, sem_na)
        compute_group(g, wrows_a, nrows_a)

        @pl.when(not_last)
        def _():
            issue(g + 2, wrows_a, nrows_a, sem_wa, sem_na)

        drain(wrows_b, nrows_b, sem_wb, sem_nb)
        compute_group(g + 1, wrows_b, nrows_b)

        @pl.when(not_last)
        def _():
            issue(g + 3, wrows_b, nrows_b, sem_wb, sem_nb)

        return 0

    lax.fori_loop(0, ngroups // 2, gpair, 0)
    pltpu.sync_copy(
        hs_scr, hs_out.at[pl.ds(pl.multiple_of(base // LANES, bpw // LANES), bpw // LANES)]
    )
    pltpu.sync_copy(sims_scr, sims_out.at[pl.ds(base, bpw)])
    cpe.wait()


def _build_sc_kernel(bpw):
    mesh = plsc.VectorSubcoreMesh(core_axis_name="c", subcore_axis_name="s")
    return pl.kernel(
        _sc_body,
        mesh=mesh,
        compiler_params=pltpu.CompilerParams(needs_layout_passes=False),
        out_type=[
            jax.ShapeDtypeStruct((B, EMBED), jnp.float32),
            jax.ShapeDtypeStruct((B // LANES, LANES), jnp.float32),
            jax.ShapeDtypeStruct((B, NEG_PAD), jnp.float32),
        ],
        scratch_types=[
            pltpu.VMEM((bpw,), jnp.int32),
            pltpu.VMEM((bpw // 2, 2 * WALK_LEN), jnp.int32),
            pltpu.VMEM((bpw // GB, GB * NUM_NEG), jnp.int32),
            pltpu.VMEM((bpw, EMBED), jnp.float32),
            pltpu.VMEM((GB * WALK_LEN, EMBED), jnp.float32),
            pltpu.VMEM((GB * NUM_NEG, EMBED), jnp.float32),
            pltpu.VMEM((GB * WALK_LEN, EMBED), jnp.float32),
            pltpu.VMEM((GB * NUM_NEG, EMBED), jnp.float32),
            pltpu.VMEM((bpw // LANES, LANES), jnp.float32),
            pltpu.VMEM((bpw, NEG_PAD), jnp.float32),
            pltpu.SemaphoreType.DMA,
            pltpu.SemaphoreType.DMA,
            pltpu.SemaphoreType.DMA,
            pltpu.SemaphoreType.DMA,
            pltpu.SemaphoreType.DMA,
        ],
    )


def _loss_body(sims_ref, hs_ref, out_ref):
    sims = sims_ref[...]
    mask = lax.broadcasted_iota(jnp.int32, (B, NEG_PAD), 1) < NUM_NEG
    e = jnp.where(mask, jnp.exp(jnp.where(mask, sims, 0.0)), 0.0)
    negsum = jnp.sum(e, axis=1, keepdims=True)
    out_ref[...] = jnp.sum(jnp.log(negsum) - hs_ref[...]).reshape(1, 1)


def kernel(points, walks, neg_samples, table):
    points = points.astype(jnp.int32)
    walks = walks.astype(jnp.int32)
    neg_samples = neg_samples.astype(jnp.int32)
    table = table.astype(jnp.float32)

    info = plsc.get_sparse_core_info()
    bpw = B // (info.num_cores * info.num_subcores)
    pe, hs, sims = _build_sc_kernel(bpw)(
        points,
        walks.reshape(B // 2, 2 * WALK_LEN),
        neg_samples.reshape(B // GB, GB * NUM_NEG),
        table,
    )

    loss = pl.pallas_call(
        _loss_body,
        out_shape=jax.ShapeDtypeStruct((1, 1), jnp.float32),
    )(sims, hs.reshape(B, 1))
    return loss[0, 0], pe

# --- scband reference (transcript-rebuilt; emitter-appended) ---
"""Pipeline reference for scband-embedding-model-44109314130139 (READ-ONLY COPY).

The authoritative reference and input builder live on the scoring server;
editing this copy changes nothing except your own understanding.
"""

import jax, jax.numpy as jnp
import numpy as np

NUM_POINTS = 100000
EMBED = 128
B = 4096
WALK_LEN = 50
NUM_NEG = 20


def setup_inputs(seed: int = 0) -> dict:
    key = jax.random.key(seed)
    k1, k2, k3, k4 = jax.random.split(key, 4)
    points = jax.random.randint(k1, (B,), 0, NUM_POINTS)
    walks = jax.random.randint(k2, (B, WALK_LEN), 0, NUM_POINTS)
    neg_samples = jax.random.randint(k3, (B, NUM_NEG), 0, NUM_POINTS)
    table = jax.random.normal(k4, (NUM_POINTS, EMBED), dtype=jnp.float32)
    return {"points": points, "walks": walks, "neg_samples": neg_samples, "table": table}


def _clip_by_max_norm(e, max_norm=1.0):
    # tf.nn.embedding_lookup(..., max_norm=1.0): clip each looked-up row to L2 norm <= max_norm
    n = jnp.sqrt(jnp.sum(e * e, axis=-1, keepdims=True))
    scale = jnp.minimum(1.0, max_norm / jnp.maximum(n, 1e-12))
    return e * scale


def reference(points, walks, neg_samples, table):
    point_embeddings = _clip_by_max_norm(jnp.take(table, points, axis=0))          # [B, D]
    walk_embeddings = _clip_by_max_norm(jnp.take(table, walks, axis=0))            # [B, L, D]
    neg_sample_embeddings = _clip_by_max_norm(jnp.take(table, neg_samples, axis=0))  # [B, Nn, D]

    point_expanded = point_embeddings[:, None, :]                                   # [B, 1, D]
    walk_multiply = point_expanded * walk_embeddings                                # [B, L, D]
    neighborhood_sum = jnp.sum(walk_multiply, axis=(1, 2))                          # [B]

    neg_sample_similarity = jnp.sum(point_expanded * neg_sample_embeddings, axis=2)  # [B, Nn]
    neg_sample_sum = jnp.sum(jnp.exp(neg_sample_similarity), axis=1)                 # [B]

    loss = jnp.sum(jnp.log(neg_sample_sum) - neighborhood_sum)                       # scalar
    return loss, point_embeddings

if __name__ == "__main__":
    import jax
    _d = setup_inputs()
    print(jax.jit(kernel)(*tuple(_d.values())))

</pallas_src>

<mosaic_0001>
#map = affine_map<(d0, d1) -> (0)>
#map1 = affine_map<(d0, d1) -> (0, 0)>
module attributes {stable_mosaic.version = 14 : i64} {
  func.func @_sc_body(%arg0: i32, %arg1: i32, %arg2: memref<4096xi32, #tpu.memory_space<hbm>>, %arg3: memref<2048x100xi32, #tpu.memory_space<hbm>>, %arg4: memref<1024x80xi32, #tpu.memory_space<hbm>>, %arg5: memref<100000x128xf32, #tpu.memory_space<hbm>>, %arg6: memref<4096x128xf32, #tpu.memory_space<hbm>>, %arg7: memref<256x16xf32, #tpu.memory_space<hbm>>, %arg8: memref<4096x32xf32, #tpu.memory_space<hbm>>, %arg9: memref<128xi32, #tpu.memory_space<vmem>>, %arg10: memref<64x100xi32, #tpu.memory_space<vmem>>, %arg11: memref<32x80xi32, #tpu.memory_space<vmem>>, %arg12: memref<128x128xf32, #tpu.memory_space<vmem>>, %arg13: memref<200x128xf32, #tpu.memory_space<vmem>>, %arg14: memref<80x128xf32, #tpu.memory_space<vmem>>, %arg15: memref<200x128xf32, #tpu.memory_space<vmem>>, %arg16: memref<80x128xf32, #tpu.memory_space<vmem>>, %arg17: memref<8x16xf32, #tpu.memory_space<vmem>>, %arg18: memref<128x32xf32, #tpu.memory_space<vmem>>, %arg19: memref<!tpu.dma_semaphore, #tpu.memory_space<semaphore_mem>>, %arg20: memref<!tpu.dma_semaphore, #tpu.memory_space<semaphore_mem>>, %arg21: memref<!tpu.dma_semaphore, #tpu.memory_space<semaphore_mem>>, %arg22: memref<!tpu.dma_semaphore, #tpu.memory_space<semaphore_mem>>, %arg23: memref<!tpu.dma_semaphore, #tpu.memory_space<semaphore_mem>>) attributes {dimension_semantics = [#tpu.dimension_semantics<core_parallel>, #tpu.dimension_semantics<subcore_parallel>], iteration_bounds = array<i64: 2, 16>, scalar_prefetch = 0 : i64, scratch_operands = 15 : i64, tpu.core_type = #tpu.core_type<sc_vector_subcore>, window_params = [{transform_indices = #map}, {transform_indices = #map1}, {transform_indices = #map1}, {transform_indices = #map1}, {transform_indices = #map1}, {transform_indices = #map1}, {transform_indices = #map1}]} {
    %mul3A = arith.constant 2 : i32
    %mul3A_0 = arith.muli %arg1, %mul3A : i32
    %add3A = arith.addi %mul3A_0, %arg0 : i32
    %mul3A_1 = arith.constant 128 : i32
    %mul3A_2 = arith.muli %add3A, %mul3A_1 : i32
    %multiple_of3A = tpu.assume_multiple %mul3A_2, 128 : i32
    %dma_start3A = tpu.memref_slice %arg2[%multiple_of3A] : memref<4096xi32, #tpu.memory_space<hbm>> -> memref<128xi32, #tpu.memory_space<hbm>>
    %dma_start3A_3 = tpu.memref_slice %arg2[%multiple_of3A] : memref<4096xi32, #tpu.memory_space<hbm>> -> memref<128xi32, #tpu.memory_space<hbm>>
    tpu.enqueue_dma source(%dma_start3A_3 : memref<128xi32, #tpu.memory_space<hbm>>) target(%arg9 : memref<128xi32, #tpu.memory_space<vmem>>) target_semaphore(%arg19 : memref<!tpu.dma_semaphore, #tpu.memory_space<semaphore_mem>>)
    %jit3A = arith.constant 2 : i32
    %div3A = arith.divsi %multiple_of3A, %jit3A : i32
    %sign3A = arith.constant 0 : i32
    %sign3A_4 = arith.cmpi sgt, %multiple_of3A, %sign3A : i32
    %sign3A_5 = arith.extui %sign3A_4 : i1 to i32
    %sign3A_6 = arith.constant 0 : i32
    %sign3A_7 = arith.cmpi slt, %multiple_of3A, %sign3A_6 : i32
    %sign3A_8 = arith.extui %sign3A_7 : i1 to i32
    %sign3A_9 = arith.subi %sign3A_5, %sign3A_8 : i32
    %sign3A_10 = arith.constant 0 : i32
    %sign3A_11 = arith.cmpi sgt, %jit3A, %sign3A_10 : i32
    %sign3A_12 = arith.extui %sign3A_11 : i1 to i32
    %sign3A_13 = arith.constant 0 : i32
    %sign3A_14 = arith.cmpi slt, %jit3A, %sign3A_13 : i32
    %sign3A_15 = arith.extui %sign3A_14 : i1 to i32
    %sign3A_16 = arith.subi %sign3A_12, %sign3A_15 : i32
    %ne3A = arith.cmpi ne, %sign3A_9, %sign3A_16 : i32
    %rem3A = arith.remsi %multiple_of3A, %jit3A : i32
    %ne3A_17 = arith.constant 0 : i32
    %ne3A_18 = arith.cmpi ne, %rem3A, %ne3A_17 : i32
    %and3A = arith.andi %ne3A, %ne3A_18 : i1
    %sub3A = arith.constant 1 : i32
    %sub3A_19 = arith.subi %div3A, %sub3A : i32
    %select_n3A = arith.select %and3A, %sub3A_19, %div3A : i32
    %multiple_of3A_20 = tpu.assume_multiple %select_n3A, 64 : i32
    %dma_start3A_21 = arith.constant 0 : i32
    %dma_start3A_22 = tpu.memref_slice %arg3[%multiple_of3A_20, %dma_start3A_21] : memref<2048x100xi32, #tpu.memory_space<hbm>> -> memref<64x100xi32, #tpu.memory_space<hbm>>
    %dma_start3A_23 = arith.constant 0 : i32
    %dma_start3A_24 = tpu.memref_slice %arg3[%multiple_of3A_20, %dma_start3A_23] : memref<2048x100xi32, #tpu.memory_space<hbm>> -> memref<64x100xi32, #tpu.memory_space<hbm>>
    tpu.enqueue_dma source(%dma_start3A_24 : memref<64x100xi32, #tpu.memory_space<hbm>>) target(%arg10 : memref<64x100xi32, #tpu.memory_space<vmem>>) target_semaphore(%arg20 : memref<!tpu.dma_semaphore, #tpu.memory_space<semaphore_mem>>)
    %jit3A_25 = arith.constant 4 : i32
    %div3A_26 = arith.divsi %multiple_of3A, %jit3A_25 : i32
    %sign3A_27 = arith.constant 0 : i32
    %sign3A_28 = arith.cmpi sgt, %multiple_of3A, %sign3A_27 : i32
    %sign3A_29 = arith.extui %sign3A_28 : i1 to i32
    %sign3A_30 = arith.constant 0 : i32
    %sign3A_31 = arith.cmpi slt, %multiple_of3A, %sign3A_30 : i32
    %sign3A_32 = arith.extui %sign3A_31 : i1 to i32
    %sign3A_33 = arith.subi %sign3A_29, %sign3A_32 : i32
    %sign3A_34 = arith.constant 0 : i32
    %sign3A_35 = arith.cmpi sgt, %jit3A_25, %sign3A_34 : i32
    %sign3A_36 = arith.extui %sign3A_35 : i1 to i32
    %sign3A_37 = arith.constant 0 : i32
    %sign3A_38 = arith.cmpi slt, %jit3A_25, %sign3A_37 : i32
    %sign3A_39 = arith.extui %sign3A_38 : i1 to i32
    %sign3A_40 = arith.subi %sign3A_36, %sign3A_39 : i32
    %ne3A_41 = arith.cmpi ne, %sign3A_33, %sign3A_40 : i32
    %rem3A_42 = arith.remsi %multiple_of3A, %jit3A_25 : i32
    %ne3A_43 = arith.constant 0 : i32
    %ne3A_44 = arith.cmpi ne, %rem3A_42, %ne3A_43 : i32
    %and3A_45 = arith.andi %ne3A_41, %ne3A_44 : i1
    %sub3A_46 = arith.constant 1 : i32
    %sub3A_47 = arith.subi %div3A_26, %sub3A_46 : i32
    %select_n3A_48 = arith.select %and3A_45, %sub3A_47, %div3A_26 : i32
    %multiple_of3A_49 = tpu.assume_multiple %select_n3A_48, 32 : i32
    %dma_start3A_50 = arith.constant 0 : i32
    %dma_start3A_51 = tpu.memref_slice %arg4[%multiple_of3A_49, %dma_start3A_50] : memref<1024x80xi32, #tpu.memory_space<hbm>> -> memref<32x80xi32, #tpu.memory_space<hbm>>
    %dma_start3A_52 = arith.constant 0 : i32
    %dma_start3A_53 = tpu.memref_slice %arg4[%multiple_of3A_49, %dma_start3A_52] : memref<1024x80xi32, #tpu.memory_space<hbm>> -> memref<32x80xi32, #tpu.memory_space<hbm>>
    tpu.enqueue_dma source(%dma_start3A_53 : memref<32x80xi32, #tpu.memory_space<hbm>>) target(%arg11 : memref<32x80xi32, #tpu.memory_space<vmem>>) target_semaphore(%arg21 : memref<!tpu.dma_semaphore, #tpu.memory_space<semaphore_mem>>)
    %iota3A = tpu.iota {dimensions = array<i32: 0>} : vector<16xi32>
    %broadcast_in_dim3A = arith.constant 0.000000e+00 : f32
    %broadcast_in_dim3A_54 = vector.broadcast %broadcast_in_dim3A : f32 to vector<16xf32>
    %dma_wait3A = arith.constant 0 : i32
    %dma_wait3A_55 = tpu.memref_slice %arg3[%multiple_of3A_20, %dma_wait3A] : memref<2048x100xi32, #tpu.memory_space<hbm>> -> memref<64x100xi32, #tpu.memory_space<hbm>>
    %dma_wait3A_56 = arith.constant 0 : i32
    %dma_wait3A_57 = tpu.memref_slice %arg3[%multiple_of3A_20, %dma_wait3A_56] : memref<2048x100xi32, #tpu.memory_space<hbm>> -> memref<64x100xi32, #tpu.memory_space<hbm>>
    tpu.wait_dma2 semaphore(%arg20 : memref<!tpu.dma_semaphore, #tpu.memory_space<semaphore_mem>>) src(%dma_wait3A_57 : memref<64x100xi32, #tpu.memory_space<hbm>>) dst(%arg10 : memref<64x100xi32, #tpu.memory_space<vmem>>)
    %dma_wait3A_58 = arith.constant 0 : i32
    %dma_wait3A_59 = tpu.memref_slice %arg4[%multiple_of3A_49, %dma_wait3A_58] : memref<1024x80xi32, #tpu.memory_space<hbm>> -> memref<32x80xi32, #tpu.memory_space<hbm>>
    %dma_wait3A_60 = arith.constant 0 : i32
    %dma_wait3A_61 = tpu.memref_slice %arg4[%multiple_of3A_49, %dma_wait3A_60] : memref<1024x80xi32, #tpu.memory_space<hbm>> -> memref<32x80xi32, #tpu.memory_space<hbm>>
    tpu.wait_dma2 semaphore(%arg21 : memref<!tpu.dma_semaphore, #tpu.memory_space<semaphore_mem>>) src(%dma_wait3A_61 : memref<32x80xi32, #tpu.memory_space<hbm>>) dst(%arg11 : memref<32x80xi32, #tpu.memory_space<vmem>>)
    %dma_start3A_62 = arith.constant 0 : i32
    %dma_start3A_63 = arith.constant 0 : i32
    %dma_start3A_64 = arith.constant 0 : i32
    %dma_start3A_65 = tpu.memref_slice %arg13[%dma_start3A_63, %dma_start3A_64] : memref<200x128xf32, #tpu.memory_space<vmem>> -> memref<100x128xf32, #tpu.memory_space<vmem>>
    %dma_start3A_66 = arith.constant 0 : i32
    %dma_start3A_67 = tpu.memref_slice %arg10[%dma_start3A_62, %dma_start3A_66] : memref<64x100xi32, #tpu.memory_space<vmem>> -> memref<1x100xi32, #tpu.memory_space<vmem>>
    %dma_start3A_68 = tpu.memref_squeeze %dma_start3A_67 : memref<1x100xi32, #tpu.memory_space<vmem>> -> memref<100xi32, #tpu.memory_space<vmem>>
    %dma_start3A_69 = arith.constant 0 : i32
    %dma_start3A_70 = arith.constant 0 : i32
    %dma_start3A_71 = tpu.memref_slice %arg5[%dma_start3A_69, %dma_start3A_70] : memref<100000x128xf32, #tpu.memory_space<hbm>> -> memref<100000x128xf32, #tpu.memory_space<hbm>>
    tpu.enqueue_indirect_dma source(%dma_start3A_71 : memref<100000x128xf32, #tpu.memory_space<hbm>>) target(%dma_start3A_65 : memref<100x128xf32, #tpu.memory_space<vmem>>) offsets(%dma_start3A_68 : memref<100xi32, #tpu.memory_space<vmem>>) semaphore(%arg20 : memref<!tpu.dma_semaphore, #tpu.memory_space<semaphore_mem>>)
    %dma_start3A_72 = arith.constant 1 : i32
    %dma_start3A_73 = arith.constant 100 : i32
    %dma_start3A_74 = arith.constant 0 : i32
    %dma_start3A_75 = tpu.memref_slice %arg13[%dma_start3A_73, %dma_start3A_74] : memref<200x128xf32, #tpu.memory_space<vmem>> -> memref<100x128xf32, #tpu.memory_space<vmem>>
    %dma_start3A_76 = arith.constant 0 : i32
    %dma_start3A_77 = tpu.memref_slice %arg10[%dma_start3A_72, %dma_start3A_76] : memref<64x100xi32, #tpu.memory_space<vmem>> -> memref<1x100xi32, #tpu.memory_space<vmem>>
    %dma_start3A_78 = tpu.memref_squeeze %dma_start3A_77 : memref<1x100xi32, #tpu.memory_space<vmem>> -> memref<100xi32, #tpu.memory_space<vmem>>
    %dma_start3A_79 = arith.constant 0 : i32
    %dma_start3A_80 = arith.constant 0 : i32
    %dma_start3A_81 = tpu.memref_slice %arg5[%dma_start3A_79, %dma_start3A_80] : memref<100000x128xf32, #tpu.memory_space<hbm>> -> memref<100000x128xf32, #tpu.memory_space<hbm>>
    tpu.enqueue_indirect_dma source(%dma_start3A_81 : memref<100000x128xf32, #tpu.memory_space<hbm>>) target(%dma_start3A_75 : memref<100x128xf32, #tpu.memory_space<vmem>>) offsets(%dma_start3A_78 : memref<100xi32, #tpu.memory_space<vmem>>) semaphore(%arg20 : memref<!tpu.dma_semaphore, #tpu.memory_space<semaphore_mem>>)
    %dma_start3A_82 = arith.constant 0 : i32
    %dma_start3A_83 = arith.constant 0 : i32
    %dma_start3A_84 = tpu.memref_slice %arg11[%dma_start3A_82, %dma_start3A_83] : memref<32x80xi32, #tpu.memory_space<vmem>> -> memref<1x80xi32, #tpu.memory_space<vmem>>
    %dma_start3A_85 = tpu.memref_squeeze %dma_start3A_84 : memref<1x80xi32, #tpu.memory_space<vmem>> -> memref<80xi32, #tpu.memory_space<vmem>>
    %dma_start3A_86 = arith.constant 0 : i32
    %dma_start3A_87 = arith.constant 0 : i32
    %dma_start3A_88 = tpu.memref_slice %arg5[%dma_start3A_86, %dma_start3A_87] : memref<100000x128xf32, #tpu.memory_space<hbm>> -> memref<100000x128xf32, #tpu.memory_space<hbm>>
    tpu.enqueue_indirect_dma source(%dma_start3A_88 : memref<100000x128xf32, #tpu.memory_space<hbm>>) target(%arg14 : memref<80x128xf32, #tpu.memory_space<vmem>>) offsets(%dma_start3A_85 : memref<80xi32, #tpu.memory_space<vmem>>) semaphore(%arg21 : memref<!tpu.dma_semaphore, #tpu.memory_space<semaphore_mem>>)
    %dma_start3A_89 = arith.constant 2 : i32
    %dma_start3A_90 = arith.constant 0 : i32
    %dma_start3A_91 = arith.constant 0 : i32
    %dma_start3A_92 = tpu.memref_slice %arg15[%dma_start3A_90, %dma_start3A_91] : memref<200x128xf32, #tpu.memory_space<vmem>> -> memref<100x128xf32, #tpu.memory_space<vmem>>
    %dma_start3A_93 = arith.constant 0 : i32
    %dma_start3A_94 = tpu.memref_slice %arg10[%dma_start3A_89, %dma_start3A_93] : memref<64x100xi32, #tpu.memory_space<vmem>> -> memref<1x100xi32, #tpu.memory_space<vmem>>
    %dma_start3A_95 = tpu.memref_squeeze %dma_start3A_94 : memref<1x100xi32, #tpu.memory_space<vmem>> -> memref<100xi32, #tpu.memory_space<vmem>>
    %dma_start3A_96 = arith.constant 0 : i32
    %dma_start3A_97 = arith.constant 0 : i32
    %dma_start3A_98 = tpu.memref_slice %arg5[%dma_start3A_96, %dma_start3A_97] : memref<100000x128xf32, #tpu.memory_space<hbm>> -> memref<100000x128xf32, #tpu.memory_space<hbm>>
    tpu.enqueue_indirect_dma source(%dma_start3A_98 : memref<100000x128xf32, #tpu.memory_space<hbm>>) target(%dma_start3A_92 : memref<100x128xf32, #tpu.memory_space<vmem>>) offsets(%dma_start3A_95 : memref<100xi32, #tpu.memory_space<vmem>>) semaphore(%arg22 : memref<!tpu.dma_semaphore, #tpu.memory_space<semaphore_mem>>)
    %dma_start3A_99 = arith.constant 3 : i32
    %dma_start3A_100 = arith.constant 100 : i32
    %dma_start3A_101 = arith.constant 0 : i32
    %dma_start3A_102 = tpu.memref_slice %arg15[%dma_start3A_100, %dma_start3A_101] : memref<200x128xf32, #tpu.memory_space<vmem>> -> memref<100x128xf32, #tpu.memory_space<vmem>>
    %dma_start3A_103 = arith.constant 0 : i32
    %dma_start3A_104 = tpu.memref_slice %arg10[%dma_start3A_99, %dma_start3A_103] : memref<64x100xi32, #tpu.memory_space<vmem>> -> memref<1x100xi32, #tpu.memory_space<vmem>>
    %dma_start3A_105 = tpu.memref_squeeze %dma_start3A_104 : memref<1x100xi32, #tpu.memory_space<vmem>> -> memref<100xi32, #tpu.memory_space<vmem>>
    %dma_start3A_106 = arith.constant 0 : i32
    %dma_start3A_107 = arith.constant 0 : i32
    %dma_start3A_108 = tpu.memref_slice %arg5[%dma_start3A_106, %dma_start3A_107] : memref<100000x128xf32, #tpu.memory_space<hbm>> -> memref<100000x128xf32, #tpu.memory_space<hbm>>
    tpu.enqueue_indirect_dma source(%dma_start3A_108 : memref<100000x128xf32, #tpu.memory_space<hbm>>) target(%dma_start3A_102 : memref<100x128xf32, #tpu.memory_space<vmem>>) offsets(%dma_start3A_105 : memref<100xi32, #tpu.memory_space<vmem>>) semaphore(%arg22 : memref<!tpu.dma_semaphore, #tpu.memory_space<semaphore_mem>>)
    %dma_start3A_109 = arith.constant 1 : i32
    %dma_start3A_110 = arith.constant 0 : i32
    %dma_start3A_111 = tpu.memref_slice %arg11[%dma_start3A_109, %dma_start3A_110] : memref<32x80xi32, #tpu.memory_space<vmem>> -> memref<1x80xi32, #tpu.memory_space<vmem>>
    %dma_start3A_112 = tpu.memref_squeeze %dma_start3A_111 : memref<1x80xi32, #tpu.memory_space<vmem>> -> memref<80xi32, #tpu.memory_space<vmem>>
    %dma_start3A_113 = arith.constant 0 : i32
    %dma_start3A_114 = arith.constant 0 : i32
    %dma_start3A_115 = tpu.memref_slice %arg5[%dma_start3A_113, %dma_start3A_114] : memref<100000x128xf32, #tpu.memory_space<hbm>> -> memref<100000x128xf32, #tpu.memory_space<hbm>>
    tpu.enqueue_indirect_dma source(%dma_start3A_115 : memref<100000x128xf32, #tpu.memory_space<hbm>>) target(%arg16 : memref<80x128xf32, #tpu.memory_space<vmem>>) offsets(%dma_start3A_112 : memref<80xi32, #tpu.memory_space<vmem>>) semaphore(%arg23 : memref<!tpu.dma_semaphore, #tpu.memory_space<semaphore_mem>>)
    %dma_wait3A_116 = tpu.memref_slice %arg2[%multiple_of3A] : memref<4096xi32, #tpu.memory_space<hbm>> -> memref<128xi32, #tpu.memory_space<hbm>>
    %dma_wait3A_117 = tpu.memref_slice %arg2[%multiple_of3A] : memref<4096xi32, #tpu.memory_space<hbm>> -> memref<128xi32, #tpu.memory_space<hbm>>
    tpu.wait_dma2 semaphore(%arg19 : memref<!tpu.dma_semaphore, #tpu.memory_space<semaphore_mem>>) src(%dma_wait3A_117 : memref<128xi32, #tpu.memory_space<hbm>>) dst(%arg9 : memref<128xi32, #tpu.memory_space<vmem>>)
    %dma_start3A_118 = arith.constant 0 : i32
    %dma_start3A_119 = arith.constant 0 : i32
    %dma_start3A_120 = tpu.memref_slice %arg5[%dma_start3A_118, %dma_start3A_119] : memref<100000x128xf32, #tpu.memory_space<hbm>> -> memref<100000x128xf32, #tpu.memory_space<hbm>>
    tpu.enqueue_indirect_dma source(%dma_start3A_120 : memref<100000x128xf32, #tpu.memory_space<hbm>>) target(%arg12 : memref<128x128xf32, #tpu.memory_space<vmem>>) offsets(%arg9 : memref<128xi32, #tpu.memory_space<vmem>>) semaphore(%arg19 : memref<!tpu.dma_semaphore, #tpu.memory_space<semaphore_mem>>)
    %dma_wait3A_121 = arith.constant 0 : i32
    %dma_wait3A_122 = arith.constant 0 : i32
    %dma_wait3A_123 = tpu.memref_slice %arg5[%dma_wait3A_121, %dma_wait3A_122] : memref<100000x128xf32, #tpu.memory_space<hbm>> -> memref<100000x128xf32, #tpu.memory_space<hbm>>
    tpu.wait_indirect_dma semaphore(%arg19 : memref<!tpu.dma_semaphore, #tpu.memory_space<semaphore_mem>>) src(%dma_wait3A_123 : memref<100000x128xf32, #tpu.memory_space<hbm>>) dst(%arg12 : memref<128x128xf32, #tpu.memory_space<vmem>>)
    %parallel_loop3A = arith.constant 0 : i32
    %parallel_loop3A_124 = arith.constant 128 : i32
    %parallel_loop3A_125 = arith.constant 1 : i32
    scf.for %parallel_loop3A_167 = %parallel_loop3A to %parallel_loop3A_124 step %parallel_loop3A_125  : i32 {
      %parallel_loop3A_168 = arith.index_cast %parallel_loop3A_167 : i32 to index
      %parallel_loop3A_169 = arith.constant 0 : index
      %parallel_loop3A_170 = tpu.vector_load %arg12[%parallel_loop3A_168, %parallel_loop3A_169] {strides = array<i32>} : memref<128x128xf32, #tpu.memory_space<vmem>>, vector<16xf32>,
      %parallel_loop3A_171 = arith.index_cast %parallel_loop3A_167 : i32 to index
      %parallel_loop3A_172 = arith.constant 16 : index
      %parallel_loop3A_173 = tpu.vector_load %arg12[%parallel_loop3A_171, %parallel_loop3A_172] {strides = array<i32>} : memref<128x128xf32, #tpu.memory_space<vmem>>, vector<16xf32>,
      %parallel_loop3A_174 = arith.index_cast %parallel_loop3A_167 : i32 to index
      %parallel_loop3A_175 = arith.constant 32 : index
      %parallel_loop3A_176 = tpu.vector_load %arg12[%parallel_loop3A_174, %parallel_loop3A_175] {strides = array<i32>} : memref<128x128xf32, #tpu.memory_space<vmem>>, vector<16xf32>,
      %parallel_loop3A_177 = arith.index_cast %parallel_loop3A_167 : i32 to index
      %parallel_loop3A_178 = arith.constant 48 : index
      %parallel_loop3A_179 = tpu.vector_load %arg12[%parallel_loop3A_177, %parallel_loop3A_178] {strides = array<i32>} : memref<128x128xf32, #tpu.memory_space<vmem>>, vector<16xf32>,
      %parallel_loop3A_180 = arith.index_cast %parallel_loop3A_167 : i32 to index
      %parallel_loop3A_181 = arith.constant 64 : index
      %parallel_loop3A_182 = tpu.vector_load %arg12[%parallel_loop3A_180, %parallel_loop3A_181] {strides = array<i32>} : memref<128x128xf32, #tpu.memory_space<vmem>>, vector<16xf32>,
      %parallel_loop3A_183 = arith.index_cast %parallel_loop3A_167 : i32 to index
      %parallel_loop3A_184 = arith.constant 80 : index
      %parallel_loop3A_185 = tpu.vector_load %arg12[%parallel_loop3A_183, %parallel_loop3A_184] {strides = array<i32>} : memref<128x128xf32, #tpu.memory_space<vmem>>, vector<16xf32>,
      %parallel_loop3A_186 = arith.index_cast %parallel_loop3A_167 : i32 to index
      %parallel_loop3A_187 = arith.constant 96 : index
      %parallel_loop3A_188 = tpu.vector_load %arg12[%parallel_loop3A_186, %parallel_loop3A_187] {strides = array<i32>} : memref<128x128xf32, #tpu.memory_space<vmem>>, vector<16xf32>,
      %parallel_loop3A_189 = arith.index_cast %parallel_loop3A_167 : i32 to index
      %parallel_loop3A_190 = arith.constant 112 : index
      %parallel_loop3A_191 = tpu.vector_load %arg12[%parallel_loop3A_189, %parallel_loop3A_190] {strides = array<i32>} : memref<128x128xf32, #tpu.memory_space<vmem>>, vector<16xf32>,
      %parallel_loop3A_192 = arith.mulf %parallel_loop3A_170, %parallel_loop3A_170 : vector<16xf32>
      %parallel_loop3A_193 = arith.mulf %parallel_loop3A_173, %parallel_loop3A_173 : vector<16xf32>
      %parallel_loop3A_194 = arith.mulf %parallel_loop3A_176, %parallel_loop3A_176 : vector<16xf32>
      %parallel_loop3A_195 = arith.mulf %parallel_loop3A_179, %parallel_loop3A_179 : vector<16xf32>
      %parallel_loop3A_196 = arith.mulf %parallel_loop3A_182, %parallel_loop3A_182 : vector<16xf32>
      %parallel_loop3A_197 = arith.mulf %parallel_loop3A_185, %parallel_loop3A_185 : vector<16xf32>
      %parallel_loop3A_198 = arith.mulf %parallel_loop3A_188, %parallel_loop3A_188 : vector<16xf32>
      %parallel_loop3A_199 = arith.mulf %parallel_loop3A_191, %parallel_loop3A_191 : vector<16xf32>
      %parallel_loop3A_200 = arith.addf %parallel_loop3A_192, %parallel_loop3A_193 : vector<16xf32>
      %parallel_loop3A_201 = arith.addf %parallel_loop3A_194, %parallel_loop3A_195 : vector<16xf32>
      %parallel_loop3A_202 = arith.addf %parallel_loop3A_196, %parallel_loop3A_197 : vector<16xf32>
      %parallel_loop3A_203 = arith.addf %parallel_loop3A_198, %parallel_loop3A_199 : vector<16xf32>
      %parallel_loop3A_204 = arith.addf %parallel_loop3A_200, %parallel_loop3A_201 : vector<16xf32>
      %parallel_loop3A_205 = arith.addf %parallel_loop3A_202, %parallel_loop3A_203 : vector<16xf32>
      %parallel_loop3A_206 = arith.addf %parallel_loop3A_204, %parallel_loop3A_205 : vector<16xf32>
      %parallel_loop3A_207 = arith.constant true
      %parallel_loop3A_208 = vector.broadcast %parallel_loop3A_207 : i1 to vector<16xi1>
      %parallel_loop3A_209 = tpu.scan <sum>, %parallel_loop3A_206 masked %parallel_loop3A_208 : vector<16xf32>, vector<16xi1> -> vector<16xf32>
      %parallel_loop3A_210 = vector.extract %parallel_loop3A_209[15] : f32 from vector<16xf32>
      %parallel_loop3A_211 = vector.broadcast %parallel_loop3A_210 : f32 to vector<16xf32>
      %parallel_loop3A_212 = vector.bitcast %parallel_loop3A_211 : vector<16xf32> to vector<16xi32>
      %parallel_loop3A_213 = arith.constant 1 : i32
      %parallel_loop3A_214 = vector.broadcast %parallel_loop3A_213 : i32 to vector<16xi32>
      %parallel_loop3A_215 = arith.shrsi %parallel_loop3A_212, %parallel_loop3A_214 : vector<16xi32>
      %parallel_loop3A_216 = arith.constant 1595932665 : i32
      %parallel_loop3A_217 = vector.broadcast %parallel_loop3A_216 : i32 to vector<16xi32>
      %parallel_loop3A_218 = arith.subi %parallel_loop3A_217, %parallel_loop3A_215 : vector<16xi32>
      %parallel_loop3A_219 = vector.bitcast %parallel_loop3A_218 : vector<16xi32> to vector<16xf32>
      %parallel_loop3A_220 = arith.constant 0.703952252 : f32
      %parallel_loop3A_221 = vector.broadcast %parallel_loop3A_220 : f32 to vector<16xf32>
      %parallel_loop3A_222 = arith.mulf %parallel_loop3A_219, %parallel_loop3A_221 : vector<16xf32>
      %parallel_loop3A_223 = arith.mulf %parallel_loop3A_211, %parallel_loop3A_219 : vector<16xf32>
      %parallel_loop3A_224 = arith.mulf %parallel_loop3A_223, %parallel_loop3A_219 : vector<16xf32>
      %parallel_loop3A_225 = arith.constant 2.38924456 : f32
      %parallel_loop3A_226 = vector.broadcast %parallel_loop3A_225 : f32 to vector<16xf32>
      %parallel_loop3A_227 = arith.subf %parallel_loop3A_226, %parallel_loop3A_224 : vector<16xf32>
      %parallel_loop3A_228 = arith.mulf %parallel_loop3A_222, %parallel_loop3A_227 : vector<16xf32>
      %parallel_loop3A_229 = arith.constant 1.000000e+00 : f32
      %parallel_loop3A_230 = vector.broadcast %parallel_loop3A_229 : f32 to vector<16xf32>
      %parallel_loop3A_231 = arith.minimumf %parallel_loop3A_230, %parallel_loop3A_228 : vector<16xf32>
      %parallel_loop3A_232 = arith.mulf %parallel_loop3A_170, %parallel_loop3A_231 : vector<16xf32>
      %parallel_loop3A_233 = arith.index_cast %parallel_loop3A_167 : i32 to index
      %parallel_loop3A_234 = arith.constant 0 : index
      %parallel_loop3A_235 = tpu.vector_load %arg12[%parallel_loop3A_233, %parallel_loop3A_234] {strides = array<i32>} : memref<128x128xf32, #tpu.memory_space<vmem>>, vector<16xf32>,
      tpu.vector_store %arg12[%parallel_loop3A_233, %parallel_loop3A_234], %parallel_loop3A_232 {strides = array<i32>} : memref<128x128xf32, #tpu.memory_space<vmem>>, vector<16xf32>,
      %parallel_loop3A_236 = arith.mulf %parallel_loop3A_173, %parallel_loop3A_231 : vector<16xf32>
      %parallel_loop3A_237 = arith.index_cast %parallel_loop3A_167 : i32 to index
      %parallel_loop3A_238 = arith.constant 16 : index
      %parallel_loop3A_239 = tpu.vector_load %arg12[%parallel_loop3A_237, %parallel_loop3A_238] {strides = array<i32>} : memref<128x128xf32, #tpu.memory_space<vmem>>, vector<16xf32>,
      tpu.vector_store %arg12[%parallel_loop3A_237, %parallel_loop3A_238], %parallel_loop3A_236 {strides = array<i32>} : memref<128x128xf32, #tpu.memory_space<vmem>>, vector<16xf32>,
      %parallel_loop3A_240 = arith.mulf %parallel_loop3A_176, %parallel_loop3A_231 : vector<16xf32>
      %parallel_loop3A_241 = arith.index_cast %parallel_loop3A_167 : i32 to index
      %parallel_loop3A_242 = arith.constant 32 : index
      %parallel_loop3A_243 = tpu.vector_load %arg12[%parallel_loop3A_241, %parallel_loop3A_242] {strides = array<i32>} : memref<128x128xf32, #tpu.memory_space<vmem>>, vector<16xf32>,
      tpu.vector_store %arg12[%parallel_loop3A_241, %parallel_loop3A_242], %parallel_loop3A_240 {strides = array<i32>} : memref<128x128xf32, #tpu.memory_space<vmem>>, vector<16xf32>,
      %parallel_loop3A_244 = arith.mulf %parallel_loop3A_179, %parallel_loop3A_231 : vector<16xf32>
      %parallel_loop3A_245 = arith.index_cast %parallel_loop3A_167 : i32 to index
      %parallel_loop3A_246 = arith.constant 48 : index
      %parallel_loop3A_247 = tpu.vector_load %arg12[%parallel_loop3A_245, %parallel_loop3A_246] {strides = array<i32>} : memref<128x128xf32, #tpu.memory_space<vmem>>, vector<16xf32>,
      tpu.vector_store %arg12[%parallel_loop3A_245, %parallel_loop3A_246], %parallel_loop3A_244 {strides = array<i32>} : memref<128x128xf32, #tpu.memory_space<vmem>>, vector<16xf32>,
      %parallel_loop3A_248 = arith.mulf %parallel_loop3A_182, %parallel_loop3A_231 : vector<16xf32>
      %parallel_loop3A_249 = arith.index_cast %parallel_loop3A_167 : i32 to index
      %parallel_loop3A_250 = arith.constant 64 : index
      %parallel_loop3A_251 = tpu.vector_load %arg12[%parallel_loop3A_249, %parallel_loop3A_250] {strides = array<i32>} : memref<128x128xf32, #tpu.memory_space<vmem>>, vector<16xf32>,
      tpu.vector_store %arg12[%parallel_loop3A_249, %parallel_loop3A_250], %parallel_loop3A_248 {strides = array<i32>} : memref<128x128xf32, #tpu.memory_space<vmem>>, vector<16xf32>,
      %parallel_loop3A_252 = arith.mulf %parallel_loop3A_185, %parallel_loop3A_231 : vector<16xf32>
      %parallel_loop3A_253 = arith.index_cast %parallel_loop3A_167 : i32 to index
      %parallel_loop3A_254 = arith.constant 80 : index
      %parallel_loop3A_255 = tpu.vector_load %arg12[%parallel_loop3A_253, %parallel_loop3A_254] {strides = array<i32>} : memref<128x128xf32, #tpu.memory_space<vmem>>, vector<16xf32>,
      tpu.vector_store %arg12[%parallel_loop3A_253, %parallel_loop3A_254], %parallel_loop3A_252 {strides = array<i32>} : memref<128x128xf32, #tpu.memory_space<vmem>>, vector<16xf32>,
      %parallel_loop3A_256 = arith.mulf %parallel_loop3A_188, %parallel_loop3A_231 : vector<16xf32>
      %parallel_loop3A_257 = arith.index_cast %parallel_loop3A_167 : i32 to index
      %parallel_loop3A_258 = arith.constant 96 : index
      %parallel_loop3A_259 = tpu.vector_load %arg12[%parallel_loop3A_257, %parallel_loop3A_258] {strides = array<i32>} : memref<128x128xf32, #tpu.memory_space<vmem>>, vector<16xf32>,
      tpu.vector_store %arg12[%parallel_loop3A_257, %parallel_loop3A_258], %parallel_loop3A_256 {strides = array<i32>} : memref<128x128xf32, #tpu.memory_space<vmem>>, vector<16xf32>,
      %parallel_loop3A_260 = arith.mulf %parallel_loop3A_191, %parallel_loop3A_231 : vector<16xf32>
      %parallel_loop3A_261 = arith.index_cast %parallel_loop3A_167 : i32 to index
      %parallel_loop3A_262 = arith.constant 112 : index
      %parallel_loop3A_263 = tpu.vector_load %arg12[%parallel_loop3A_261, %parallel_loop3A_262] {strides = array<i32>} : memref<128x128xf32, #tpu.memory_space<vmem>>, vector<16xf32>,
      tpu.vector_store %arg12[%parallel_loop3A_261, %parallel_loop3A_262], %parallel_loop3A_260 {strides = array<i32>} : memref<128x128xf32, #tpu.memory_space<vmem>>, vector<16xf32>,
    } {sc.loop_unroll_factor = 4 : i64, sc.parallel_access}
    %dma_start3A_126 = arith.constant 0 : i32
    %dma_start3A_127 = tpu.memref_slice %arg6[%multiple_of3A, %dma_start3A_126] : memref<4096x128xf32, #tpu.memory_space<hbm>> -> memref<128x128xf32, #tpu.memory_space<hbm>>
    %dma_start3A_128 = arith.constant 0 : i32
    %dma_start3A_129 = tpu.memref_slice %arg6[%multiple_of3A, %dma_start3A_128] : memref<4096x128xf32, #tpu.memory_space<hbm>> -> memref<128x128xf32, #tpu.memory_space<hbm>>
    tpu.enqueue_dma source(%arg12 : memref<128x128xf32, #tpu.memory_space<vmem>>) target(%dma_start3A_129 : memref<128x128xf32, #tpu.memory_space<hbm>>) target_semaphore(%arg19 : memref<!tpu.dma_semaphore, #tpu.memory_space<semaphore_mem>>)
    %scan3A = arith.constant 0 : i32
    %scan3A_130 = arith.constant 0 : i32
    %scan3A_131 = arith.constant 0 : i32
    %scan3A_132 = arith.constant 0 : i32
    %scan3A_133 = arith.constant 16 : i32
    %scan3A_134 = arith.addi %scan3A_132, %scan3A_133 : i32
    %scan3A_135 = arith.constant 1 : i32
    %scan3A_136 = scf.for %scan3A_167 = %scan3A_132 to %scan3A_134 step %scan3A_135 iter_args(%scan3A_168 = %scan3A_131) -> (i32)  : i32 {
      %mul3A_169 = arith.constant 2 : i32
      %mul3A_170 = arith.muli %scan3A_167, %mul3A_169 : i32
      %add3A_171 = arith.constant 1 : i32
      %add3A_172 = arith.addi %scan3A_167, %add3A_171 : i32
      %lt3A = arith.constant 16 : i32
      %lt3A_173 = arith.cmpi slt, %add3A_172, %lt3A : i32
      %dma_wait3A_174 = arith.constant 0 : i32
      %dma_wait3A_175 = arith.constant 0 : i32
      %dma_wait3A_176 = tpu.memref_slice %arg13[%dma_wait3A_174, %dma_wait3A_175] : memref<200x128xf32, #tpu.memory_space<vmem>> -> memref<100x128xf32, #tpu.memory_space<vmem>>
      %dma_wait3A_177 = arith.constant 0 : i32
      %dma_wait3A_178 = tpu.memref_slice %arg10[%scan3A, %dma_wait3A_177] : memref<64x100xi32, #tpu.memory_space<vmem>> -> memref<1x100xi32, #tpu.memory_space<vmem>>
      %dma_wait3A_179 = tpu.memref_squeeze %dma_wait3A_178 : memref<1x100xi32, #tpu.memory_space<vmem>> -> memref<100xi32, #tpu.memory_space<vmem>>
      %dma_wait3A_180 = arith.constant 0 : i32
      %dma_wait3A_181 = arith.constant 0 : i32
      %dma_wait3A_182 = tpu.memref_slice %arg5[%dma_wait3A_180, %dma_wait3A_181] : memref<100000x128xf32, #tpu.memory_space<hbm>> -> memref<100000x128xf32, #tpu.memory_space<hbm>>
      tpu.wait_indirect_dma semaphore(%arg20 : memref<!tpu.dma_semaphore, #tpu.memory_space<semaphore_mem>>) src(%dma_wait3A_182 : memref<100000x128xf32, #tpu.memory_space<hbm>>) dst(%dma_wait3A_176 : memref<100x128xf32, #tpu.memory_space<vmem>>)
      %dma_wait3A_183 = arith.constant 100 : i32
      %dma_wait3A_184 = arith.constant 0 : i32
      %dma_wait3A_185 = tpu.memref_slice %arg13[%dma_wait3A_183, %dma_wait3A_184] : memref<200x128xf32, #tpu.memory_space<vmem>> -> memref<100x128xf32, #tpu.memory_space<vmem>>
      %dma_wait3A_186 = arith.constant 0 : i32
      %dma_wait3A_187 = tpu.memref_slice %arg10[%scan3A, %dma_wait3A_186] : memref<64x100xi32, #tpu.memory_space<vmem>> -> memref<1x100xi32, #tpu.memory_space<vmem>>
      %dma_wait3A_188 = tpu.memref_squeeze %dma_wait3A_187 : memref<1x100xi32, #tpu.memory_space<vmem>> -> memref<100xi32, #tpu.memory_space<vmem>>
      %dma_wait3A_189 = arith.constant 0 : i32
      %dma_wait3A_190 = arith.constant 0 : i32
      %dma_wait3A_191 = tpu.memref_slice %arg5[%dma_wait3A_189, %dma_wait3A_190] : memref<100000x128xf32, #tpu.memory_space<hbm>> -> memref<100000x128xf32, #tpu.memory_space<hbm>>
      tpu.wait_indirect_dma semaphore(%arg20 : memref<!tpu.dma_semaphore, #tpu.memory_space<semaphore_mem>>) src(%dma_wait3A_191 : memref<100000x128xf32, #tpu.memory_space<hbm>>) dst(%dma_wait3A_185 : memref<100x128xf32, #tpu.memory_space<vmem>>)
      %dma_wait3A_192 = arith.constant 0 : i32
      %dma_wait3A_193 = tpu.memref_slice %arg11[%scan3A_130, %dma_wait3A_192] : memref<32x80xi32, #tpu.memory_space<vmem>> -> memref<1x80xi32, #tpu.memory_space<vmem>>
      %dma_wait3A_194 = tpu.memref_squeeze %dma_wait3A_193 : memref<1x80xi32, #tpu.memory_space<vmem>> -> memref<80xi32, #tpu.memory_space<vmem>>
      %dma_wait3A_195 = arith.constant 0 : i32
      %dma_wait3A_196 = arith.constant 0 : i32
      %dma_wait3A_197 = tpu.memref_slice %arg5[%dma_wait3A_195, %dma_wait3A_196] : memref<100000x128xf32, #tpu.memory_space<hbm>> -> memref<100000x128xf32, #tpu.memory_space<hbm>>
      tpu.wait_indirect_dma semaphore(%arg21 : memref<!tpu.dma_semaphore, #tpu.memory_space<semaphore_mem>>) src(%dma_wait3A_197 : memref<100000x128xf32, #tpu.memory_space<hbm>>) dst(%arg14 : memref<80x128xf32, #tpu.memory_space<vmem>>)
      %scan3A_198 = arith.constant 0 : i32
      %scan3A_199 = arith.constant 0 : i32
      %scan3A_200 = arith.constant 4 : i32
      %scan3A_201 = arith.addi %scan3A_199, %scan3A_200 : i32
      %scan3A_202 = arith.constant 1 : i32
      %scan3A_203 = scf.for %scan3A_243 = %scan3A_199 to %scan3A_201 step %scan3A_202 iter_args(%scan3A_244 = %scan3A_198) -> (i32)  : i32 {
        %mul3A_245 = arith.constant 4 : i32
        %mul3A_246 = arith.muli %mul3A_170, %mul3A_245 : i32
        %add3A_247 = arith.addi %mul3A_246, %scan3A_243 : i32
        %mul3A_248 = arith.constant 50 : i32
        %mul3A_249 = arith.muli %scan3A_243, %mul3A_248 : i32
        %get3A = arith.index_cast %add3A_247 : i32 to index
        %get3A_250 = arith.constant 0 : index
        %get3A_251 = tpu.vector_load %arg12[%get3A, %get3A_250] {strides = array<i32>} : memref<128x128xf32, #tpu.memory_space<vmem>>, vector<16xf32>,
        %get3A_252 = arith.index_cast %add3A_247 : i32 to index
        %get3A_253 = arith.constant 16 : index
        %get3A_254 = tpu.vector_load %arg12[%get3A_252, %get3A_253] {strides = array<i32>} : memref<128x128xf32, #tpu.memory_space<vmem>>, vector<16xf32>,
        %get3A_255 = arith.index_cast %add3A_247 : i32 to index
        %get3A_256 = arith.constant 32 : index
        %get3A_257 = tpu.vector_load %arg12[%get3A_255, %get3A_256] {strides = array<i32>} : memref<128x128xf32, #tpu.memory_space<vmem>>, vector<16xf32>,
        %get3A_258 = arith.index_cast %add3A_247 : i32 to index
        %get3A_259 = arith.constant 48 : index
        %get3A_260 = tpu.vector_load %arg12[%get3A_258, %get3A_259] {strides = array<i32>} : memref<128x128xf32, #tpu.memory_space<vmem>>, vector<16xf32>,
        %get3A_261 = arith.index_cast %add3A_247 : i32 to index
        %get3A_262 = arith.constant 64 : index
        %get3A_263 = tpu.vector_load %arg12[%get3A_261, %get3A_262] {strides = array<i32>} : memref<128x128xf32, #tpu.memory_space<vmem>>, vector<16xf32>,
        %get3A_264 = arith.index_cast %add3A_247 : i32 to index
        %get3A_265 = arith.constant 80 : index
        %get3A_266 = tpu.vector_load %arg12[%get3A_264, %get3A_265] {strides = array<i32>} : memref<128x128xf32, #tpu.memory_space<vmem>>, vector<16xf32>,
        %get3A_267 = arith.index_cast %add3A_247 : i32 to index
        %get3A_268 = arith.constant 96 : index
        %get3A_269 = tpu.vector_load %arg12[%get3A_267, %get3A_268] {strides = array<i32>} : memref<128x128xf32, #tpu.memory_space<vmem>>, vector<16xf32>,
        %get3A_270 = arith.index_cast %add3A_247 : i32 to index
        %get3A_271 = arith.constant 112 : index
        %get3A_272 = tpu.vector_load %arg12[%get3A_270, %get3A_271] {strides = array<i32>} : memref<128x128xf32, #tpu.memory_space<vmem>>, vector<16xf32>,
        %parallel_loop3A_273 = arith.constant 0 : i32
        %parallel_loop3A_274 = arith.constant 50 : i32
        %parallel_loop3A_275 = arith.constant 1 : i32
        %parallel_loop3A_276:8 = scf.for %parallel_loop3A_404 = %parallel_loop3A_273 to %parallel_loop3A_274 step %parallel_loop3A_275 iter_args(%parallel_loop3A_405 = %broadcast_in_dim3A_54, %parallel_loop3A_406 = %broadcast_in_dim3A_54, %parallel_loop3A_407 = %broadcast_in_dim3A_54, %parallel_loop3A_408 = %broadcast_in_dim3A_54, %parallel_loop3A_409 = %broadcast_in_dim3A_54, %parallel_loop3A_410 = %broadcast_in_dim3A_54, %parallel_loop3A_411 = %broadcast_in_dim3A_54, %parallel_loop3A_412 = %broadcast_in_dim3A_54) -> (vector<16xf32>, vector<16xf32>, vector<16xf32>, vector<16xf32>, vector<16xf32>, vector<16xf32>, vector<16xf32>, vector<16xf32>)  : i32 {
          %parallel_loop3A_413 = arith.addi %mul3A_249, %parallel_loop3A_404 : i32
          %parallel_loop3A_414 = arith.index_cast %parallel_loop3A_413 : i32 to index
          %parallel_loop3A_415 = arith.constant 0 : index
          %parallel_loop3A_416 = tpu.vector_load %arg13[%parallel_loop3A_414, %parallel_loop3A_415] {strides = array<i32>} : memref<200x128xf32, #tpu.memory_space<vmem>>, vector<16xf32>,
          %parallel_loop3A_417 = arith.index_cast %parallel_loop3A_413 : i32 to index
          %parallel_loop3A_418 = arith.constant 16 : index
          %parallel_loop3A_419 = tpu.vector_load %arg13[%parallel_loop3A_417, %parallel_loop3A_418] {strides = array<i32>} : memref<200x128xf32, #tpu.memory_space<vmem>>, vector<16xf32>,
          %parallel_loop3A_420 = arith.index_cast %parallel_loop3A_413 : i32 to index
          %parallel_loop3A_421 = arith.constant 32 : index
          %parallel_loop3A_422 = tpu.vector_load %arg13[%parallel_loop3A_420, %parallel_loop3A_421] {strides = array<i32>} : memref<200x128xf32, #tpu.memory_space<vmem>>, vector<16xf32>,
          %parallel_loop3A_423 = arith.index_cast %parallel_loop3A_413 : i32 to index
          %parallel_loop3A_424 = arith.constant 48 : index
          %parallel_loop3A_425 = tpu.vector_load %arg13[%parallel_loop3A_423, %parallel_loop3A_424] {strides = array<i32>} : memref<200x128xf32, #tpu.memory_space<vmem>>, vector<16xf32>,
          %parallel_loop3A_426 = arith.index_cast %parallel_loop3A_413 : i32 to index
          %parallel_loop3A_427 = arith.constant 64 : index
          %parallel_loop3A_428 = tpu.vector_load %arg13[%parallel_loop3A_426, %parallel_loop3A_427] {strides = array<i32>} : memref<200x128xf32, #tpu.memory_space<vmem>>, vector<16xf32>,
          %parallel_loop3A_429 = arith.index_cast %parallel_loop3A_413 : i32 to index
          %parallel_loop3A_430 = arith.constant 80 : index
          %parallel_loop3A_431 = tpu.vector_load %arg13[%parallel_loop3A_429, %parallel_loop3A_430] {strides = array<i32>} : memref<200x128xf32, #tpu.memory_space<vmem>>, vector<16xf32>,
          %parallel_loop3A_432 = arith.index_cast %parallel_loop3A_413 : i32 to index
          %parallel_loop3A_433 = arith.constant 96 : index
          %parallel_loop3A_434 = tpu.vector_load %arg13[%parallel_loop3A_432, %parallel_loop3A_433] {strides = array<i32>} : memref<200x128xf32, #tpu.memory_space<vmem>>, vector<16xf32>,
          %parallel_loop3A_435 = arith.index_cast %parallel_loop3A_413 : i32 to index
          %parallel_loop3A_436 = arith.constant 112 : index
          %parallel_loop3A_437 = tpu.vector_load %arg13[%parallel_loop3A_435, %parallel_loop3A_436] {strides = array<i32>} : memref<200x128xf32, #tpu.memory_space<vmem>>, vector<16xf32>,
          %parallel_loop3A_438 = arith.mulf %parallel_loop3A_416, %parallel_loop3A_416 : vector<16xf32>
          %parallel_loop3A_439 = arith.mulf %parallel_loop3A_419, %parallel_loop3A_419 : vector<16xf32>
          %parallel_loop3A_440 = arith.mulf %parallel_loop3A_422, %parallel_loop3A_422 : vector<16xf32>
          %parallel_loop3A_441 = arith.mulf %parallel_loop3A_425, %parallel_loop3A_425 : vector<16xf32>
          %parallel_loop3A_442 = arith.mulf %parallel_loop3A_428, %parallel_loop3A_428 : vector<16xf32>
          %parallel_loop3A_443 = arith.mulf %parallel_loop3A_431, %parallel_loop3A_431 : vector<16xf32>
          %parallel_loop3A_444 = arith.mulf %parallel_loop3A_434, %parallel_loop3A_434 : vector<16xf32>
          %parallel_loop3A_445 = arith.mulf %parallel_loop3A_437, %parallel_loop3A_437 : vector<16xf32>
          %parallel_loop3A_446 = arith.addf %parallel_loop3A_438, %parallel_loop3A_439 : vector<16xf32>
          %parallel_loop3A_447 = arith.addf %parallel_loop3A_440, %parallel_loop3A_441 : vector<16xf32>
          %parallel_loop3A_448 = arith.addf %parallel_loop3A_442, %parallel_loop3A_443 : vector<16xf32>
          %parallel_loop3A_449 = arith.addf %parallel_loop3A_444, %parallel_loop3A_445 : vector<16xf32>
          %parallel_loop3A_450 = arith.addf %parallel_loop3A_446, %parallel_loop3A_447 : vector<16xf32>
          %parallel_loop3A_451 = arith.addf %parallel_loop3A_448, %parallel_loop3A_449 : vector<16xf32>
          %parallel_loop3A_452 = arith.addf %parallel_loop3A_450, %parallel_loop3A_451 : vector<16xf32>
          %parallel_loop3A_453 = arith.constant true
          %parallel_loop3A_454 = vector.broadcast %parallel_loop3A_453 : i1 to vector<16xi1>
          %parallel_loop3A_455 = tpu.scan <sum>, %parallel_loop3A_452 masked %parallel_loop3A_454 : vector<16xf32>, vector<16xi1> -> vector<16xf32>
          %parallel_loop3A_456 = vector.extract %parallel_loop3A_455[15] : f32 from vector<16xf32>
          %parallel_loop3A_457 = vector.broadcast %parallel_loop3A_456 : f32 to vector<16xf32>
          %parallel_loop3A_458 = vector.bitcast %parallel_loop3A_457 : vector<16xf32> to vector<16xi32>
          %parallel_loop3A_459 = arith.constant 1 : i32
          %parallel_loop3A_460 = vector.broadcast %parallel_loop3A_459 : i32 to vector<16xi32>
          %parallel_loop3A_461 = arith.shrsi %parallel_loop3A_458, %parallel_loop3A_460 : vector<16xi32>
          %parallel_loop3A_462 = arith.constant 1595932665 : i32
          %parallel_loop3A_463 = vector.broadcast %parallel_loop3A_462 : i32 to vector<16xi32>
          %parallel_loop3A_464 = arith.subi %parallel_loop3A_463, %parallel_loop3A_461 : vector<16xi32>
          %parallel_loop3A_465 = vector.bitcast %parallel_loop3A_464 : vector<16xi32> to vector<16xf32>
          %parallel_loop3A_466 = arith.constant 0.703952252 : f32
          %parallel_loop3A_467 = vector.broadcast %parallel_loop3A_466 : f32 to vector<16xf32>
          %parallel_loop3A_468 = arith.mulf %parallel_loop3A_465, %parallel_loop3A_467 : vector<16xf32>
          %parallel_loop3A_469 = arith.mulf %parallel_loop3A_457, %parallel_loop3A_465 : vector<16xf32>
          %parallel_loop3A_470 = arith.mulf %parallel_loop3A_469, %parallel_loop3A_465 : vector<16xf32>
          %parallel_loop3A_471 = arith.constant 2.38924456 : f32
          %parallel_loop3A_472 = vector.broadcast %parallel_loop3A_471 : f32 to vector<16xf32>
          %parallel_loop3A_473 = arith.subf %parallel_loop3A_472, %parallel_loop3A_470 : vector<16xf32>
          %parallel_loop3A_474 = arith.mulf %parallel_loop3A_468, %parallel_loop3A_473 : vector<16xf32>
          %parallel_loop3A_475 = arith.constant 1.000000e+00 : f32
          %parallel_loop3A_476 = vector.broadcast %parallel_loop3A_475 : f32 to vector<16xf32>
          %parallel_loop3A_477 = arith.minimumf %parallel_loop3A_476, %parallel_loop3A_474 : vector<16xf32>
          %parallel_loop3A_478 = arith.mulf %parallel_loop3A_477, %parallel_loop3A_416 : vector<16xf32>
          %parallel_loop3A_479 = arith.addf %parallel_loop3A_405, %parallel_loop3A_478 : vector<16xf32>
          %parallel_loop3A_480 = arith.mulf %parallel_loop3A_477, %parallel_loop3A_419 : vector<16xf32>
          %parallel_loop3A_481 = arith.addf %parallel_loop3A_406, %parallel_loop3A_480 : vector<16xf32>
          %parallel_loop3A_482 = arith.mulf %parallel_loop3A_477, %parallel_loop3A_422 : vector<16xf32>
          %parallel_loop3A_483 = arith.addf %parallel_loop3A_407, %parallel_loop3A_482 : vector<16xf32>
          %parallel_loop3A_484 = arith.mulf %parallel_loop3A_477, %parallel_loop3A_425 : vector<16xf32>
          %parallel_loop3A_485 = arith.addf %parallel_loop3A_408, %parallel_loop3A_484 : vector<16xf32>
          %parallel_loop3A_486 = arith.mulf %parallel_loop3A_477, %parallel_loop3A_428 : vector<16xf32>
          %parallel_loop3A_487 = arith.addf %parallel_loop3A_409, %parallel_loop3A_486 : vector<16xf32>
          %parallel_loop3A_488 = arith.mulf %parallel_loop3A_477, %parallel_loop3A_431 : vector<16xf32>
          %parallel_loop3A_489 = arith.addf %parallel_loop3A_410, %parallel_loop3A_488 : vector<16xf32>
          %parallel_loop3A_490 = arith.mulf %parallel_loop3A_477, %parallel_loop3A_434 : vector<16xf32>
          %parallel_loop3A_491 = arith.addf %parallel_loop3A_411, %parallel_loop3A_490 : vector<16xf32>
          %parallel_loop3A_492 = arith.mulf %parallel_loop3A_477, %parallel_loop3A_437 : vector<16xf32>
          %parallel_loop3A_493 = arith.addf %parallel_loop3A_412, %parallel_loop3A_492 : vector<16xf32>
          scf.yield %parallel_loop3A_479, %parallel_loop3A_481, %parallel_loop3A_483, %parallel_loop3A_485, %parallel_loop3A_487, %parallel_loop3A_489, %parallel_loop3A_491, %parallel_loop3A_493 : vector<16xf32>, vector<16xf32>, vector<16xf32>, vector<16xf32>, vector<16xf32>, vector<16xf32>, vector<16xf32>, vector<16xf32>
        } {sc.loop_unroll_factor = 5 : i64, sc.parallel_access}
        %mul3A_277 = arith.mulf %get3A_251, %parallel_loop3A_276#0 : vector<16xf32>
        %mul3A_278 = arith.mulf %get3A_254, %parallel_loop3A_276#1 : vector<16xf32>
        %mul3A_279 = arith.mulf %get3A_257, %parallel_loop3A_276#2 : vector<16xf32>
        %mul3A_280 = arith.mulf %get3A_260, %parallel_loop3A_276#3 : vector<16xf32>
        %mul3A_281 = arith.mulf %get3A_263, %parallel_loop3A_276#4 : vector<16xf32>
        %mul3A_282 = arith.mulf %get3A_266, %parallel_loop3A_276#5 : vector<16xf32>
        %mul3A_283 = arith.mulf %get3A_269, %parallel_loop3A_276#6 : vector<16xf32>
        %mul3A_284 = arith.mulf %get3A_272, %parallel_loop3A_276#7 : vector<16xf32>
        %add3A_285 = arith.addf %mul3A_277, %mul3A_278 : vector<16xf32>
        %add3A_286 = arith.addf %mul3A_279, %mul3A_280 : vector<16xf32>
        %add3A_287 = arith.addf %mul3A_281, %mul3A_282 : vector<16xf32>
        %add3A_288 = arith.addf %mul3A_283, %mul3A_284 : vector<16xf32>
        %add3A_289 = arith.addf %add3A_285, %add3A_286 : vector<16xf32>
        %add3A_290 = arith.addf %add3A_287, %add3A_288 : vector<16xf32>
        %add3A_291 = arith.addf %add3A_289, %add3A_290 : vector<16xf32>
        %reduce_sum3A = arith.constant true
        %reduce_sum3A_292 = vector.broadcast %reduce_sum3A : i1 to vector<16xi1>
        %reduce_sum3A_293 = tpu.scan <sum>, %add3A_291 masked %reduce_sum3A_292 : vector<16xf32>, vector<16xi1> -> vector<16xf32>
        %reduce_sum3A_294 = vector.extract %reduce_sum3A_293[15] : f32 from vector<16xf32>
        %broadcast_in_dim3A_295 = vector.broadcast %reduce_sum3A_294 : f32 to vector<16xf32>
        %jit3A_296 = arith.constant 16 : i32
        %eq3A = arith.constant 0 : i32
        %eq3A_297 = arith.cmpi eq, %jit3A_296, %eq3A : i32
        %jit3A_298 = arith.constant 1 : i32
        %select_n3A_299 = arith.select %eq3A_297, %jit3A_298, %jit3A_296 : i32
        %rem3A_300 = arith.remsi %add3A_247, %select_n3A_299 : i32
        %ne3A_301 = arith.constant 0 : i32
        %ne3A_302 = arith.cmpi ne, %rem3A_300, %ne3A_301 : i32
        %lt3A_303 = arith.constant 0 : i32
        %lt3A_304 = arith.cmpi slt, %rem3A_300, %lt3A_303 : i32
        %lt3A_305 = arith.constant 0 : i32
        %lt3A_306 = arith.cmpi slt, %select_n3A_299, %lt3A_305 : i32
        %ne3A_307 = arith.xori %lt3A_304, %lt3A_306 : i1
        %and3A_308 = arith.andi %ne3A_307, %ne3A_302 : i1
        %add3A_309 = arith.addi %rem3A_300, %select_n3A_299 : i32
        %select_n3A_310 = arith.select %and3A_308, %add3A_309, %rem3A_300 : i32
        %eq3A_311 = vector.broadcast %select_n3A_310 : i32 to vector<16xi32>
        %eq3A_312 = arith.cmpi eq, %iota3A, %eq3A_311 : vector<16xi32>
        %jit3A_313 = arith.constant 16 : i32
        %div3A_314 = arith.divsi %add3A_247, %jit3A_313 : i32
        %sign3A_315 = arith.constant 0 : i32
        %sign3A_316 = arith.cmpi sgt, %add3A_247, %sign3A_315 : i32
        %sign3A_317 = arith.extui %sign3A_316 : i1 to i32
        %sign3A_318 = arith.constant 0 : i32
        %sign3A_319 = arith.cmpi slt, %add3A_247, %sign3A_318 : i32
        %sign3A_320 = arith.extui %sign3A_319 : i1 to i32
        %sign3A_321 = arith.subi %sign3A_317, %sign3A_320 : i32
        %sign3A_322 = arith.constant 0 : i32
        %sign3A_323 = arith.cmpi sgt, %jit3A_313, %sign3A_322 : i32
        %sign3A_324 = arith.extui %sign3A_323 : i1 to i32
        %sign3A_325 = arith.constant 0 : i32
        %sign3A_326 = arith.cmpi slt, %jit3A_313, %sign3A_325 : i32
        %sign3A_327 = arith.extui %sign3A_326 : i1 to i32
        %sign3A_328 = arith.subi %sign3A_324, %sign3A_327 : i32
        %ne3A_329 = arith.cmpi ne, %sign3A_321, %sign3A_328 : i32
        %rem3A_330 = arith.remsi %add3A_247, %jit3A_313 : i32
        %ne3A_331 = arith.constant 0 : i32
        %ne3A_332 = arith.cmpi ne, %rem3A_330, %ne3A_331 : i32
        %and3A_333 = arith.andi %ne3A_329, %ne3A_332 : i1
        %sub3A_334 = arith.constant 1 : i32
        %sub3A_335 = arith.subi %div3A_314, %sub3A_334 : i32
        %select_n3A_336 = arith.select %and3A_333, %sub3A_335, %div3A_314 : i32
        %get3A_337 = arith.index_cast %select_n3A_336 : i32 to index
        %get3A_338 = arith.constant 0 : index
        %get3A_339 = tpu.vector_load %arg17[%get3A_337, %get3A_338] {strides = array<i32>} : memref<8x16xf32, #tpu.memory_space<vmem>>, vector<16xf32>,
        %select_n3A_340 = arith.select %eq3A_312, %broadcast_in_dim3A_295, %get3A_339 : vector<16xi1>, vector<16xf32>
        %jit3A_341 = arith.constant 16 : i32
        %div3A_342 = arith.divsi %add3A_247, %jit3A_341 : i32
        %sign3A_343 = arith.constant 0 : i32
        %sign3A_344 = arith.cmpi sgt, %add3A_247, %sign3A_343 : i32
        %sign3A_345 = arith.extui %sign3A_344 : i1 to i32
        %sign3A_346 = arith.constant 0 : i32
        %sign3A_347 = arith.cmpi slt, %add3A_247, %sign3A_346 : i32
        %sign3A_348 = arith.extui %sign3A_347 : i1 to i32
        %sign3A_349 = arith.subi %sign3A_345, %sign3A_348 : i32
        %sign3A_350 = arith.constant 0 : i32
        %sign3A_351 = arith.cmpi sgt, %jit3A_341, %sign3A_350 : i32
        %sign3A_352 = arith.extui %sign3A_351 : i1 to i32
        %sign3A_353 = arith.constant 0 : i32
        %sign3A_354 = arith.cmpi slt, %jit3A_341, %sign3A_353 : i32
        %sign3A_355 = arith.extui %sign3A_354 : i1 to i32
        %sign3A_356 = arith.subi %sign3A_352, %sign3A_355 : i32
        %ne3A_357 = arith.cmpi ne, %sign3A_349, %sign3A_356 : i32
        %rem3A_358 = arith.remsi %add3A_247, %jit3A_341 : i32
        %ne3A_359 = arith.constant 0 : i32
        %ne3A_360 = arith.cmpi ne, %rem3A_358, %ne3A_359 : i32
        %and3A_361 = arith.andi %ne3A_357, %ne3A_360 : i1
        %sub3A_362 = arith.constant 1 : i32
        %sub3A_363 = arith.subi %div3A_342, %sub3A_362 : i32
        %select_n3A_364 = arith.select %and3A_361, %sub3A_363, %div3A_342 : i32
        %swap3A = arith.index_cast %select_n3A_364 : i32 to index
        %swap3A_365 = arith.constant 0 : index
        %swap3A_366 = tpu.vector_load %arg17[%swap3A, %swap3A_365] {strides = array<i32>} : memref<8x16xf32, #tpu.memory_space<vmem>>, vector<16xf32>,
        tpu.vector_store %arg17[%swap3A, %swap3A_365], %select_n3A_340 {strides = array<i32>} : memref<8x16xf32, #tpu.memory_space<vmem>>, vector<16xf32>,
        %mul3A_367 = arith.constant 20 : i32
        %mul3A_368 = arith.muli %scan3A_243, %mul3A_367 : i32
        %get3A_369 = arith.index_cast %add3A_247 : i32 to index
        %get3A_370 = arith.constant 0 : index
        %get3A_371 = tpu.vector_load %arg12[%get3A_369, %get3A_370] {strides = array<i32>} : memref<128x128xf32, #tpu.memory_space<vmem>>, vector<16xf32>,
        %get3A_372 = arith.index_cast %add3A_247 : i32 to index
        %get3A_373 = arith.constant 16 : index
        %get3A_374 = tpu.vector_load %arg12[%get3A_372, %get3A_373] {strides = array<i32>} : memref<128x128xf32, #tpu.memory_space<vmem>>, vector<16xf32>,
        %get3A_375 = arith.index_cast %add3A_247 : i32 to index
        %get3A_376 = arith.constant 32 : index
        %get3A_377 = tpu.vector_load %arg12[%get3A_375, %get3A_376] {strides = array<i32>} : memref<128x128xf32, #tpu.memory_space<vmem>>, vector<16xf32>,
        %get3A_378 = arith.index_cast %add3A_247 : i32 to index
        %get3A_379 = arith.constant 48 : index
        %get3A_380 = tpu.vector_load %arg12[%get3A_378, %get3A_379] {strides = array<i32>} : memref<128x128xf32, #tpu.memory_space<vmem>>, vector<16xf32>,
        %get3A_381 = arith.index_cast %add3A_247 : i32 to index
        %get3A_382 = arith.constant 64 : index
        %get3A_383 = tpu.vector_load %arg12[%get3A_381, %get3A_382] {strides = array<i32>} : memref<128x128xf32, #tpu.memory_space<vmem>>, vector<16xf32>,
        %get3A_384 = arith.index_cast %add3A_247 : i32 to index
        %get3A_385 = arith.constant 80 : index
        %get3A_386 = tpu.vector_load %arg12[%get3A_384, %get3A_385] {strides = array<i32>} : memref<128x128xf32, #tpu.memory_space<vmem>>, vector<16xf32>,
        %get3A_387 = arith.index_cast %add3A_247 : i32 to index
        %get3A_388 = arith.constant 96 : index
        %get3A_389 = tpu.vector_load %arg12[%get3A_387, %get3A_388] {strides = array<i32>} : memref<128x128xf32, #tpu.memory_space<vmem>>, vector<16xf32>,
        %get3A_390 = arith.index_cast %add3A_247 : i32 to index
        %get3A_391 = arith.constant 112 : index
        %get3A_392 = tpu.vector_load %arg12[%get3A_390, %get3A_391] {strides = array<i32>} : memref<128x128xf32, #tpu.memory_space<vmem>>, vector<16xf32>,
        %parallel_loop3A_393 = arith.constant 0 : i32
        %parallel_loop3A_394 = arith.constant 20 : i32
        %parallel_loop3A_395 = arith.constant 1 : i32
        %parallel_loop3A_396:2 = scf.for %parallel_loop3A_404 = %parallel_loop3A_393 to %parallel_loop3A_394 step %parallel_loop3A_395 iter_args(%parallel_loop3A_405 = %broadcast_in_dim3A_54, %parallel_loop3A_406 = %broadcast_in_dim3A_54) -> (vector<16xf32>, vector<16xf32>)  : i32 {
          %parallel_loop3A_407 = arith.addi %mul3A_368, %parallel_loop3A_404 : i32
          %parallel_loop3A_408 = arith.index_cast %parallel_loop3A_407 : i32 to index
          %parallel_loop3A_409 = arith.constant 0 : index
          %parallel_loop3A_410 = tpu.vector_load %arg14[%parallel_loop3A_408, %parallel_loop3A_409] {strides = array<i32>} : memref<80x128xf32, #tpu.memory_space<vmem>>, vector<16xf32>,
          %parallel_loop3A_411 = arith.index_cast %parallel_loop3A_407 : i32 to index
          %parallel_loop3A_412 = arith.constant 16 : index
          %parallel_loop3A_413 = tpu.vector_load %arg14[%parallel_loop3A_411, %parallel_loop3A_412] {strides = array<i32>} : memref<80x128xf32, #tpu.memory_space<vmem>>, vector<16xf32>,
          %parallel_loop3A_414 = arith.index_cast %parallel_loop3A_407 : i32 to index
          %parallel_loop3A_415 = arith.constant 32 : index
          %parallel_loop3A_416 = tpu.vector_load %arg14[%parallel_loop3A_414, %parallel_loop3A_415] {strides = array<i32>} : memref<80x128xf32, #tpu.memory_space<vmem>>, vector<16xf32>,
          %parallel_loop3A_417 = arith.index_cast %parallel_loop3A_407 : i32 to index
          %parallel_loop3A_418 = arith.constant 48 : index
          %parallel_loop3A_419 = tpu.vector_load %arg14[%parallel_loop3A_417, %parallel_loop3A_418] {strides = array<i32>} : memref<80x128xf32, #tpu.memory_space<vmem>>, vector<16xf32>,
          %parallel_loop3A_420 = arith.index_cast %parallel_loop3A_407 : i32 to index
          %parallel_loop3A_421 = arith.constant 64 : index
          %parallel_loop3A_422 = tpu.vector_load %arg14[%parallel_loop3A_420, %parallel_loop3A_421] {strides = array<i32>} : memref<80x128xf32, #tpu.memory_space<vmem>>, vector<16xf32>,
          %parallel_loop3A_423 = arith.index_cast %parallel_loop3A_407 : i32 to index
          %parallel_loop3A_424 = arith.constant 80 : index
          %parallel_loop3A_425 = tpu.vector_load %arg14[%parallel_loop3A_423, %parallel_loop3A_424] {strides = array<i32>} : memref<80x128xf32, #tpu.memory_space<vmem>>, vector<16xf32>,
          %parallel_loop3A_426 = arith.index_cast %parallel_loop3A_407 : i32 to index
          %parallel_loop3A_427 = arith.constant 96 : index
          %parallel_loop3A_428 = tpu.vector_load %arg14[%parallel_loop3A_426, %parallel_loop3A_427] {strides = array<i32>} : memref<80x128xf32, #tpu.memory_space<vmem>>, vector<16xf32>,
          %parallel_loop3A_429 = arith.index_cast %parallel_loop3A_407 : i32 to index
          %parallel_loop3A_430 = arith.constant 112 : index
          %parallel_loop3A_431 = tpu.vector_load %arg14[%parallel_loop3A_429, %parallel_loop3A_430] {strides = array<i32>} : memref<80x128xf32, #tpu.memory_space<vmem>>, vector<16xf32>,
          %parallel_loop3A_432 = arith.mulf %parallel_loop3A_410, %parallel_loop3A_410 : vector<16xf32>
          %parallel_loop3A_433 = arith.mulf %parallel_loop3A_413, %parallel_loop3A_413 : vector<16xf32>
          %parallel_loop3A_434 = arith.mulf %parallel_loop3A_416, %parallel_loop3A_416 : vector<16xf32>
          %parallel_loop3A_435 = arith.mulf %parallel_loop3A_419, %parallel_loop3A_419 : vector<16xf32>
          %parallel_loop3A_436 = arith.mulf %parallel_loop3A_422, %parallel_loop3A_422 : vector<16xf32>
          %parallel_loop3A_437 = arith.mulf %parallel_loop3A_425, %parallel_loop3A_425 : vector<16xf32>
          %parallel_loop3A_438 = arith.mulf %parallel_loop3A_428, %parallel_loop3A_428 : vector<16xf32>
          %parallel_loop3A_439 = arith.mulf %parallel_loop3A_431, %parallel_loop3A_431 : vector<16xf32>
          %parallel_loop3A_440 = arith.addf %parallel_loop3A_432, %parallel_loop3A_433 : vector<16xf32>
          %parallel_loop3A_441 = arith.addf %parallel_loop3A_434, %parallel_loop3A_435 : vector<16xf32>
          %parallel_loop3A_442 = arith.addf %parallel_loop3A_436, %parallel_loop3A_437 : vector<16xf32>
          %parallel_loop3A_443 = arith.addf %parallel_loop3A_438, %parallel_loop3A_439 : vector<16xf32>
          %parallel_loop3A_444 = arith.addf %parallel_loop3A_440, %parallel_loop3A_441 : vector<16xf32>
          %parallel_loop3A_445 = arith.addf %parallel_loop3A_442, %parallel_loop3A_443 : vector<16xf32>
          %parallel_loop3A_446 = arith.addf %parallel_loop3A_444, %parallel_loop3A_445 : vector<16xf32>
          %parallel_loop3A_447 = arith.constant true
          %parallel_loop3A_448 = vector.broadcast %parallel_loop3A_447 : i1 to vector<16xi1>
          %parallel_loop3A_449 = tpu.scan <sum>, %parallel_loop3A_446 masked %parallel_loop3A_448 : vector<16xf32>, vector<16xi1> -> vector<16xf32>
          %parallel_loop3A_450 = vector.extract %parallel_loop3A_449[15] : f32 from vector<16xf32>
          %parallel_loop3A_451 = vector.broadcast %parallel_loop3A_450 : f32 to vector<16xf32>
          %parallel_loop3A_452 = vector.bitcast %parallel_loop3A_451 : vector<16xf32> to vector<16xi32>
          %parallel_loop3A_453 = arith.constant 1 : i32
          %parallel_loop3A_454 = vector.broadcast %parallel_loop3A_453 : i32 to vector<16xi32>
          %parallel_loop3A_455 = arith.shrsi %parallel_loop3A_452, %parallel_loop3A_454 : vector<16xi32>
          %parallel_loop3A_456 = arith.constant 1595932665 : i32
          %parallel_loop3A_457 = vector.broadcast %parallel_loop3A_456 : i32 to vector<16xi32>
          %parallel_loop3A_458 = arith.subi %parallel_loop3A_457, %parallel_loop3A_455 : vector<16xi32>
          %parallel_loop3A_459 = vector.bitcast %parallel_loop3A_458 : vector<16xi32> to vector<16xf32>
          %parallel_loop3A_460 = arith.constant 0.703952252 : f32
          %parallel_loop3A_461 = vector.broadcast %parallel_loop3A_460 : f32 to vector<16xf32>
          %parallel_loop3A_462 = arith.mulf %parallel_loop3A_459, %parallel_loop3A_461 : vector<16xf32>
          %parallel_loop3A_463 = arith.mulf %parallel_loop3A_451, %parallel_loop3A_459 : vector<16xf32>
          %parallel_loop3A_464 = arith.mulf %parallel_loop3A_463, %parallel_loop3A_459 : vector<16xf32>
          %parallel_loop3A_465 = arith.constant 2.38924456 : f32
          %parallel_loop3A_466 = vector.broadcast %parallel_loop3A_465 : f32 to vector<16xf32>
          %parallel_loop3A_467 = arith.subf %parallel_loop3A_466, %parallel_loop3A_464 : vector<16xf32>
          %parallel_loop3A_468 = arith.mulf %parallel_loop3A_462, %parallel_loop3A_467 : vector<16xf32>
          %parallel_loop3A_469 = arith.constant 1.000000e+00 : f32
          %parallel_loop3A_470 = vector.broadcast %parallel_loop3A_469 : f32 to vector<16xf32>
          %parallel_loop3A_471 = arith.minimumf %parallel_loop3A_470, %parallel_loop3A_468 : vector<16xf32>
          %parallel_loop3A_472 = arith.mulf %get3A_371, %parallel_loop3A_410 : vector<16xf32>
          %parallel_loop3A_473 = arith.mulf %get3A_374, %parallel_loop3A_413 : vector<16xf32>
          %parallel_loop3A_474 = arith.mulf %get3A_377, %parallel_loop3A_416 : vector<16xf32>
          %parallel_loop3A_475 = arith.mulf %get3A_380, %parallel_loop3A_419 : vector<16xf32>
          %parallel_loop3A_476 = arith.mulf %get3A_383, %parallel_loop3A_422 : vector<16xf32>
          %parallel_loop3A_477 = arith.mulf %get3A_386, %parallel_loop3A_425 : vector<16xf32>
          %parallel_loop3A_478 = arith.mulf %get3A_389, %parallel_loop3A_428 : vector<16xf32>
          %parallel_loop3A_479 = arith.mulf %get3A_392, %parallel_loop3A_431 : vector<16xf32>
          %parallel_loop3A_480 = arith.addf %parallel_loop3A_472, %parallel_loop3A_473 : vector<16xf32>
          %parallel_loop3A_481 = arith.addf %parallel_loop3A_474, %parallel_loop3A_475 : vector<16xf32>
          %parallel_loop3A_482 = arith.addf %parallel_loop3A_476, %parallel_loop3A_477 : vector<16xf32>
          %parallel_loop3A_483 = arith.addf %parallel_loop3A_478, %parallel_loop3A_479 : vector<16xf32>
          %parallel_loop3A_484 = arith.addf %parallel_loop3A_480, %parallel_loop3A_481 : vector<16xf32>
          %parallel_loop3A_485 = arith.addf %parallel_loop3A_482, %parallel_loop3A_483 : vector<16xf32>
          %parallel_loop3A_486 = arith.addf %parallel_loop3A_484, %parallel_loop3A_485 : vector<16xf32>
          %parallel_loop3A_487 = arith.constant true
          %parallel_loop3A_488 = vector.broadcast %parallel_loop3A_487 : i1 to vector<16xi1>
          %parallel_loop3A_489 = tpu.scan <sum>, %parallel_loop3A_486 masked %parallel_loop3A_488 : vector<16xf32>, vector<16xi1> -> vector<16xf32>
          %parallel_loop3A_490 = vector.extract %parallel_loop3A_489[15] : f32 from vector<16xf32>
          %parallel_loop3A_491 = vector.broadcast %parallel_loop3A_490 : f32 to vector<16xf32>
          %parallel_loop3A_492 = arith.mulf %parallel_loop3A_491, %parallel_loop3A_471 : vector<16xf32>
          %parallel_loop3A_493 = vector.broadcast %parallel_loop3A_404 : i32 to vector<16xi32>
          %parallel_loop3A_494 = arith.cmpi eq, %iota3A, %parallel_loop3A_493 : vector<16xi32>
          %parallel_loop3A_495 = arith.select %parallel_loop3A_494, %parallel_loop3A_492, %parallel_loop3A_405 : vector<16xi1>, vector<16xf32>
          %parallel_loop3A_496 = arith.constant 16 : i32
          %parallel_loop3A_497 = arith.subi %parallel_loop3A_404, %parallel_loop3A_496 : i32
          %parallel_loop3A_498 = vector.broadcast %parallel_loop3A_497 : i32 to vector<16xi32>
          %parallel_loop3A_499 = arith.cmpi eq, %iota3A, %parallel_loop3A_498 : vector<16xi32>
          %parallel_loop3A_500 = arith.select %parallel_loop3A_499, %parallel_loop3A_492, %parallel_loop3A_406 : vector<16xi1>, vector<16xf32>
          scf.yield %parallel_loop3A_495, %parallel_loop3A_500 : vector<16xf32>, vector<16xf32>
        } {sc.loop_unroll_factor = 4 : i64, sc.parallel_access}
        %swap3A_397 = arith.index_cast %add3A_247 : i32 to index
        %swap3A_398 = arith.constant 0 : index
        %swap3A_399 = tpu.vector_load %arg18[%swap3A_397, %swap3A_398] {strides = array<i32>} : memref<128x32xf32, #tpu.memory_space<vmem>>, vector<16xf32>,
        tpu.vector_store %arg18[%swap3A_397, %swap3A_398], %parallel_loop3A_396#0 {strides = array<i32>} : memref<128x32xf32, #tpu.memory_space<vmem>>, vector<16xf32>,
        %swap3A_400 = arith.index_cast %add3A_247 : i32 to index
        %swap3A_401 = arith.constant 16 : index
        %swap3A_402 = tpu.vector_load %arg18[%swap3A_400, %swap3A_401] {strides = array<i32>} : memref<128x32xf32, #tpu.memory_space<vmem>>, vector<16xf32>,
        tpu.vector_store %arg18[%swap3A_400, %swap3A_401], %parallel_loop3A_396#1 {strides = array<i32>} : memref<128x32xf32, #tpu.memory_space<vmem>>, vector<16xf32>,
        %scan3A_403 = arith.constant 0 : i32
        scf.yield %scan3A_403 : i32
      }
      %scan3A_204 = arith.constant 4 : i32
      %convert_element_type3A = arith.extui %lt3A_173 : i1 to i32
      %cond3A = arith.constant 0 : i32
      %cond3A_205 = arith.cmpi ne, %convert_element_type3A, %cond3A : i32
      scf.if %cond3A_205 {
        %add3A_243 = arith.constant 2 : i32
        %add3A_244 = arith.addi %mul3A_170, %add3A_243 : i32
        %mul3A_245 = arith.constant 2 : i32
        %mul3A_246 = arith.muli %mul3A_245, %add3A_244 : i32
        %dma_start3A_247 = arith.constant 0 : i32
        %dma_start3A_248 = arith.constant 0 : i32
        %dma_start3A_249 = tpu.memref_slice %arg13[%dma_start3A_247, %dma_start3A_248] : memref<200x128xf32, #tpu.memory_space<vmem>> -> memref<100x128xf32, #tpu.memory_space<vmem>>
        %dma_start3A_250 = arith.constant 0 : i32
        %dma_start3A_251 = tpu.memref_slice %arg10[%mul3A_246, %dma_start3A_250] : memref<64x100xi32, #tpu.memory_space<vmem>> -> memref<1x100xi32, #tpu.memory_space<vmem>>
        %dma_start3A_252 = tpu.memref_squeeze %dma_start3A_251 : memref<1x100xi32, #tpu.memory_space<vmem>> -> memref<100xi32, #tpu.memory_space<vmem>>
        %dma_start3A_253 = arith.constant 0 : i32
        %dma_start3A_254 = arith.constant 0 : i32
        %dma_start3A_255 = tpu.memref_slice %arg5[%dma_start3A_253, %dma_start3A_254] : memref<100000x128xf32, #tpu.memory_space<hbm>> -> memref<100000x128xf32, #tpu.memory_space<hbm>>
        tpu.enqueue_indirect_dma source(%dma_start3A_255 : memref<100000x128xf32, #tpu.memory_space<hbm>>) target(%dma_start3A_249 : memref<100x128xf32, #tpu.memory_space<vmem>>) offsets(%dma_start3A_252 : memref<100xi32, #tpu.memory_space<vmem>>) semaphore(%arg20 : memref<!tpu.dma_semaphore, #tpu.memory_space<semaphore_mem>>)
        %mul3A_256 = arith.constant 2 : i32
        %mul3A_257 = arith.muli %mul3A_256, %add3A_244 : i32
        %add3A_258 = arith.constant 1 : i32
        %add3A_259 = arith.addi %mul3A_257, %add3A_258 : i32
        %dma_start3A_260 = arith.constant 100 : i32
        %dma_start3A_261 = arith.constant 0 : i32
        %dma_start3A_262 = tpu.memref_slice %arg13[%dma_start3A_260, %dma_start3A_261] : memref<200x128xf32, #tpu.memory_space<vmem>> -> memref<100x128xf32, #tpu.memory_space<vmem>>
        %dma_start3A_263 = arith.constant 0 : i32
        %dma_start3A_264 = tpu.memref_slice %arg10[%add3A_259, %dma_start3A_263] : memref<64x100xi32, #tpu.memory_space<vmem>> -> memref<1x100xi32, #tpu.memory_space<vmem>>
        %dma_start3A_265 = tpu.memref_squeeze %dma_start3A_264 : memref<1x100xi32, #tpu.memory_space<vmem>> -> memref<100xi32, #tpu.memory_space<vmem>>
        %dma_start3A_266 = arith.constant 0 : i32
        %dma_start3A_267 = arith.constant 0 : i32
        %dma_start3A_268 = tpu.memref_slice %arg5[%dma_start3A_266, %dma_start3A_267] : memref<100000x128xf32, #tpu.memory_space<hbm>> -> memref<100000x128xf32, #tpu.memory_space<hbm>>
        tpu.enqueue_indirect_dma source(%dma_start3A_268 : memref<100000x128xf32, #tpu.memory_space<hbm>>) target(%dma_start3A_262 : memref<100x128xf32, #tpu.memory_space<vmem>>) offsets(%dma_start3A_265 : memref<100xi32, #tpu.memory_space<vmem>>) semaphore(%arg20 : memref<!tpu.dma_semaphore, #tpu.memory_space<semaphore_mem>>)
        %dma_start3A_269 = arith.constant 0 : i32
        %dma_start3A_270 = tpu.memref_slice %arg11[%add3A_244, %dma_start3A_269] : memref<32x80xi32, #tpu.memory_space<vmem>> -> memref<1x80xi32, #tpu.memory_space<vmem>>
        %dma_start3A_271 = tpu.memref_squeeze %dma_start3A_270 : memref<1x80xi32, #tpu.memory_space<vmem>> -> memref<80xi32, #tpu.memory_space<vmem>>
        %dma_start3A_272 = arith.constant 0 : i32
        %dma_start3A_273 = arith.constant 0 : i32
        %dma_start3A_274 = tpu.memref_slice %arg5[%dma_start3A_272, %dma_start3A_273] : memref<100000x128xf32, #tpu.memory_space<hbm>> -> memref<100000x128xf32, #tpu.memory_space<hbm>>
        tpu.enqueue_indirect_dma source(%dma_start3A_274 : memref<100000x128xf32, #tpu.memory_space<hbm>>) target(%arg14 : memref<80x128xf32, #tpu.memory_space<vmem>>) offsets(%dma_start3A_271 : memref<80xi32, #tpu.memory_space<vmem>>) semaphore(%arg21 : memref<!tpu.dma_semaphore, #tpu.memory_space<semaphore_mem>>)
      } else {
      }
      %dma_wait3A_206 = arith.constant 0 : i32
      %dma_wait3A_207 = arith.constant 0 : i32
      %dma_wait3A_208 = tpu.memref_slice %arg15[%dma_wait3A_206, %dma_wait3A_207] : memref<200x128xf32, #tpu.memory_space<vmem>> -> memref<100x128xf32, #tpu.memory_space<vmem>>
      %dma_wait3A_209 = arith.constant 0 : i32
      %dma_wait3A_210 = tpu.memref_slice %arg10[%scan3A, %dma_wait3A_209] : memref<64x100xi32, #tpu.memory_space<vmem>> -> memref<1x100xi32, #tpu.memory_space<vmem>>
      %dma_wait3A_211 = tpu.memref_squeeze %dma_wait3A_210 : memref<1x100xi32, #tpu.memory_space<vmem>> -> memref<100xi32, #tpu.memory_space<vmem>>
      %dma_wait3A_212 = arith.constant 0 : i32
      %dma_wait3A_213 = arith.constant 0 : i32
      %dma_wait3A_214 = tpu.memref_slice %arg5[%dma_wait3A_212, %dma_wait3A_213] : memref<100000x128xf32, #tpu.memory_space<hbm>> -> memref<100000x128xf32, #tpu.memory_space<hbm>>
      tpu.wait_indirect_dma semaphore(%arg22 : memref<!tpu.dma_semaphore, #tpu.memory_space<semaphore_mem>>) src(%dma_wait3A_214 : memref<100000x128xf32, #tpu.memory_space<hbm>>) dst(%dma_wait3A_208 : memref<100x128xf32, #tpu.memory_space<vmem>>)
      %dma_wait3A_215 = arith.constant 100 : i32
      %dma_wait3A_216 = arith.constant 0 : i32
      %dma_wait3A_217 = tpu.memref_slice %arg15[%dma_wait3A_215, %dma_wait3A_216] : memref<200x128xf32, #tpu.memory_space<vmem>> -> memref<100x128xf32, #tpu.memory_space<vmem>>
      %dma_wait3A_218 = arith.constant 0 : i32
      %dma_wait3A_219 = tpu.memref_slice %arg10[%scan3A, %dma_wait3A_218] : memref<64x100xi32, #tpu.memory_space<vmem>> -> memref<1x100xi32, #tpu.memory_space<vmem>>
      %dma_wait3A_220 = tpu.memref_squeeze %dma_wait3A_219 : memref<1x100xi32, #tpu.memory_space<vmem>> -> memref<100xi32, #tpu.memory_space<vmem>>
      %dma_wait3A_221 = arith.constant 0 : i32
      %dma_wait3A_222 = arith.constant 0 : i32
      %dma_wait3A_223 = tpu.memref_slice %arg5[%dma_wait3A_221, %dma_wait3A_222] : memref<100000x128xf32, #tpu.memory_space<hbm>> -> memref<100000x128xf32, #tpu.memory_space<hbm>>
      tpu.wait_indirect_dma semaphore(%arg22 : memref<!tpu.dma_semaphore, #tpu.memory_space<semaphore_mem>>) src(%dma_wait3A_223 : memref<100000x128xf32, #tpu.memory_space<hbm>>) dst(%dma_wait3A_217 : memref<100x128xf32, #tpu.memory_space<vmem>>)
      %dma_wait3A_224 = arith.constant 0 : i32
      %dma_wait3A_225 = tpu.memref_slice %arg11[%scan3A_130, %dma_wait3A_224] : memref<32x80xi32, #tpu.memory_space<vmem>> -> memref<1x80xi32, #tpu.memory_space<vmem>>
      %dma_wait3A_226 = tpu.memref_squeeze %dma_wait3A_225 : memref<1x80xi32, #tpu.memory_space<vmem>> -> memref<80xi32, #tpu.memory_space<vmem>>
      %dma_wait3A_227 = arith.constant 0 : i32
      %dma_wait3A_228 = arith.constant 0 : i32
      %dma_wait3A_229 = tpu.memref_slice %arg5[%dma_wait3A_227, %dma_wait3A_228] : memref<100000x128xf32, #tpu.memory_space<hbm>> -> memref<100000x128xf32, #tpu.memory_space<hbm>>
      tpu.wait_indirect_dma semaphore(%arg23 : memref<!tpu.dma_semaphore, #tpu.memory_space<semaphore_mem>>) src(%dma_wait3A_229 : memref<100000x128xf32, #tpu.memory_space<hbm>>) dst(%arg16 : memref<80x128xf32, #tpu.memory_space<vmem>>)
      %add3A_230 = arith.constant 1 : i32
      %add3A_231 = arith.addi %mul3A_170, %add3A_230 : i32
      %scan3A_232 = arith.constant 0 : i32
      %scan3A_233 = arith.constant 0 : i32
      %scan3A_234 = arith.constant 4 : i32
      %scan3A_235 = arith.addi %scan3A_233, %scan3A_234 : i32
      %scan3A_236 = arith.constant 1 : i32
      %scan3A_237 = scf.for %scan3A_243 = %scan3A_233 to %scan3A_235 step %scan3A_236 iter_args(%scan3A_244 = %scan3A_232) -> (i32)  : i32 {
        %mul3A_245 = arith.constant 4 : i32
        %mul3A_246 = arith.muli %add3A_231, %mul3A_245 : i32
        %add3A_247 = arith.addi %mul3A_246, %scan3A_243 : i32
        %mul3A_248 = arith.constant 50 : i32
        %mul3A_249 = arith.muli %scan3A_243, %mul3A_248 : i32
        %get3A = arith.index_cast %add3A_247 : i32 to index
        %get3A_250 = arith.constant 0 : index
        %get3A_251 = tpu.vector_load %arg12[%get3A, %get3A_250] {strides = array<i32>} : memref<128x128xf32, #tpu.memory_space<vmem>>, vector<16xf32>,
        %get3A_252 = arith.index_cast %add3A_247 : i32 to index
        %get3A_253 = arith.constant 16 : index
        %get3A_254 = tpu.vector_load %arg12[%get3A_252, %get3A_253] {strides = array<i32>} : memref<128x128xf32, #tpu.memory_space<vmem>>, vector<16xf32>,
        %get3A_255 = arith.index_cast %add3A_247 : i32 to index
        %get3A_256 = arith.constant 32 : index
        %get3A_257 = tpu.vector_load %arg12[%get3A_255, %get3A_256] {strides = array<i32>} : memref<128x128xf32, #tpu.memory_space<vmem>>, vector<16xf32>,
        %get3A_258 = arith.index_cast %add3A_247 : i32 to index
        %get3A_259 = arith.constant 48 : index
        %get3A_260 = tpu.vector_load %arg12[%get3A_258, %get3A_259] {strides = array<i32>} : memref<128x128xf32, #tpu.memory_space<vmem>>, vector<16xf32>,
        %get3A_261 = arith.index_cast %add3A_247 : i32 to index
        %get3A_262 = arith.constant 64 : index
        %get3A_263 = tpu.vector_load %arg12[%get3A_261, %get3A_262] {strides = array<i32>} : memref<128x128xf32, #tpu.memory_space<vmem>>, vector<16xf32>,
        %get3A_264 = arith.index_cast %add3A_247 : i32 to index
        %get3A_265 = arith.constant 80 : index
        %get3A_266 = tpu.vector_load %arg12[%get3A_264, %get3A_265] {strides = array<i32>} : memref<128x128xf32, #tpu.memory_space<vmem>>, vector<16xf32>,
        %get3A_267 = arith.index_cast %add3A_247 : i32 to index
        %get3A_268 = arith.constant 96 : index
        %get3A_269 = tpu.vector_load %arg12[%get3A_267, %get3A_268] {strides = array<i32>} : memref<128x128xf32, #tpu.memory_space<vmem>>, vector<16xf32>,
        %get3A_270 = arith.index_cast %add3A_247 : i32 to index
        %get3A_271 = arith.constant 112 : index
        %get3A_272 = tpu.vector_load %arg12[%get3A_270, %get3A_271] {strides = array<i32>} : memref<128x128xf32, #tpu.memory_space<vmem>>, vector<16xf32>,
        %parallel_loop3A_273 = arith.constant 0 : i32
        %parallel_loop3A_274 = arith.constant 50 : i32
        %parallel_loop3A_275 = arith.constant 1 : i32
        %parallel_loop3A_276:8 = scf.for %parallel_loop3A_404 = %parallel_loop3A_273 to %parallel_loop3A_274 step %parallel_loop3A_275 iter_args(%parallel_loop3A_405 = %broadcast_in_dim3A_54, %parallel_loop3A_406 = %broadcast_in_dim3A_54, %parallel_loop3A_407 = %broadcast_in_dim3A_54, %parallel_loop3A_408 = %broadcast_in_dim3A_54, %parallel_loop3A_409 = %broadcast_in_dim3A_54, %parallel_loop3A_410 = %broadcast_in_dim3A_54, %parallel_loop3A_411 = %broadcast_in_dim3A_54, %parallel_loop3A_412 = %broadcast_in_dim3A_54) -> (vector<16xf32>, vector<16xf32>, vector<16xf32>, vector<16xf32>, vector<16xf32>, vector<16xf32>, vector<16xf32>, vector<16xf32>)  : i32 {
          %parallel_loop3A_413 = arith.addi %mul3A_249, %parallel_loop3A_404 : i32
          %parallel_loop3A_414 = arith.index_cast %parallel_loop3A_413 : i32 to index
          %parallel_loop3A_415 = arith.constant 0 : index
          %parallel_loop3A_416 = tpu.vector_load %arg15[%parallel_loop3A_414, %parallel_loop3A_415] {strides = array<i32>} : memref<200x128xf32, #tpu.memory_space<vmem>>, vector<16xf32>,
          %parallel_loop3A_417 = arith.index_cast %parallel_loop3A_413 : i32 to index
          %parallel_loop3A_418 = arith.constant 16 : index
          %parallel_loop3A_419 = tpu.vector_load %arg15[%parallel_loop3A_417, %parallel_loop3A_418] {strides = array<i32>} : memref<200x128xf32, #tpu.memory_space<vmem>>, vector<16xf32>,
          %parallel_loop3A_420 = arith.index_cast %parallel_loop3A_413 : i32 to index
          %parallel_loop3A_421 = arith.constant 32 : index
          %parallel_loop3A_422 = tpu.vector_load %arg15[%parallel_loop3A_420, %parallel_loop3A_421] {strides = array<i32>} : memref<200x128xf32, #tpu.memory_space<vmem>>, vector<16xf32>,
          %parallel_loop3A_423 = arith.index_cast %parallel_loop3A_413 : i32 to index
          %parallel_loop3A_424 = arith.constant 48 : index
          %parallel_loop3A_425 = tpu.vector_load %arg15[%parallel_loop3A_423, %parallel_loop3A_424] {strides = array<i32>} : memref<200x128xf32, #tpu.memory_space<vmem>>, vector<16xf32>,
          %parallel_loop3A_426 = arith.index_cast %parallel_loop3A_413 : i32 to index
          %parallel_loop3A_427 = arith.constant 64 : index
          %parallel_loop3A_428 = tpu.vector_load %arg15[%parallel_loop3A_426, %parallel_loop3A_427] {strides = array<i32>} : memref<200x128xf32, #tpu.memory_space<vmem>>, vector<16xf32>,
          %parallel_loop3A_429 = arith.index_cast %parallel_loop3A_413 : i32 to index
          %parallel_loop3A_430 = arith.constant 80 : index
          %parallel_loop3A_431 = tpu.vector_load %arg15[%parallel_loop3A_429, %parallel_loop3A_430] {strides = array<i32>} : memref<200x128xf32, #tpu.memory_space<vmem>>, vector<16xf32>,
          %parallel_loop3A_432 = arith.index_cast %parallel_loop3A_413 : i32 to index
          %parallel_loop3A_433 = arith.constant 96 : index
          %parallel_loop3A_434 = tpu.vector_load %arg15[%parallel_loop3A_432, %parallel_loop3A_433] {strides = array<i32>} : memref<200x128xf32, #tpu.memory_space<vmem>>, vector<16xf32>,
          %parallel_loop3A_435 = arith.index_cast %parallel_loop3A_413 : i32 to index
          %parallel_loop3A_436 = arith.constant 112 : index
          %parallel_loop3A_437 = tpu.vector_load %arg15[%parallel_loop3A_435, %parallel_loop3A_436] {strides = array<i32>} : memref<200x128xf32, #tpu.memory_space<vmem>>, vector<16xf32>,
          %parallel_loop3A_438 = arith.mulf %parallel_loop3A_416, %parallel_loop3A_416 : vector<16xf32>
          %parallel_loop3A_439 = arith.mulf %parallel_loop3A_419, %parallel_loop3A_419 : vector<16xf32>
          %parallel_loop3A_440 = arith.mulf %parallel_loop3A_422, %parallel_loop3A_422 : vector<16xf32>
          %parallel_loop3A_441 = arith.mulf %parallel_loop3A_425, %parallel_loop3A_425 : vector<16xf32>
          %parallel_loop3A_442 = arith.mulf %parallel_loop3A_428, %parallel_loop3A_428 : vector<16xf32>
          %parallel_loop3A_443 = arith.mulf %parallel_loop3A_431, %parallel_loop3A_431 : vector<16xf32>
          %parallel_loop3A_444 = arith.mulf %parallel_loop3A_434, %parallel_loop3A_434 : vector<16xf32>
          %parallel_loop3A_445 = arith.mulf %parallel_loop3A_437, %parallel_loop3A_437 : vector<16xf32>
          %parallel_loop3A_446 = arith.addf %parallel_loop3A_438, %parallel_loop3A_439 : vector<16xf32>
          %parallel_loop3A_447 = arith.addf %parallel_loop3A_440, %parallel_loop3A_441 : vector<16xf32>
          %parallel_loop3A_448 = arith.addf %parallel_loop3A_442, %parallel_loop3A_443 : vector<16xf32>
          %parallel_loop3A_449 = arith.addf %parallel_loop3A_444, %parallel_loop3A_445 : vector<16xf32>
          %parallel_loop3A_450 = arith.addf %parallel_loop3A_446, %parallel_loop3A_447 : vector<16xf32>
          %parallel_loop3A_451 = arith.addf %parallel_loop3A_448, %parallel_loop3A_449 : vector<16xf32>
          %parallel_loop3A_452 = arith.addf %parallel_loop3A_450, %parallel_loop3A_451 : vector<16xf32>
          %parallel_loop3A_453 = arith.constant true
          %parallel_loop3A_454 = vector.broadcast %parallel_loop3A_453 : i1 to vector<16xi1>
          %parallel_loop3A_455 = tpu.scan <sum>, %parallel_loop3A_452 masked %parallel_loop3A_454 : vector<16xf32>, vector<16xi1> -> vector<16xf32>
          %parallel_loop3A_456 = vector.extract %parallel_loop3A_455[15] : f32 from vector<16xf32>
          %parallel_loop3A_457 = vector.broadcast %parallel_loop3A_456 : f32 to vector<16xf32>
          %parallel_loop3A_458 = vector.bitcast %parallel_loop3A_457 : vector<16xf32> to vector<16xi32>
          %parallel_loop3A_459 = arith.constant 1 : i32
          %parallel_loop3A_460 = vector.broadcast %parallel_loop3A_459 : i32 to vector<16xi32>
          %parallel_loop3A_461 = arith.shrsi %parallel_loop3A_458, %parallel_loop3A_460 : vector<16xi32>
          %parallel_loop3A_462 = arith.constant 1595932665 : i32
          %parallel_loop3A_463 = vector.broadcast %parallel_loop3A_462 : i32 to vector<16xi32>
          %parallel_loop3A_464 = arith.subi %parallel_loop3A_463, %parallel_loop3A_461 : vector<16xi32>
          %parallel_loop3A_465 = vector.bitcast %parallel_loop3A_464 : vector<16xi32> to vector<16xf32>
          %parallel_loop3A_466 = arith.constant 0.703952252 : f32
          %parallel_loop3A_467 = vector.broadcast %parallel_loop3A_466 : f32 to vector<16xf32>
          %parallel_loop3A_468 = arith.mulf %parallel_loop3A_465, %parallel_loop3A_467 : vector<16xf32>
          %parallel_loop3A_469 = arith.mulf %parallel_loop3A_457, %parallel_loop3A_465 : vector<16xf32>
          %parallel_loop3A_470 = arith.mulf %parallel_loop3A_469, %parallel_loop3A_465 : vector<16xf32>
          %parallel_loop3A_471 = arith.constant 2.38924456 : f32
          %parallel_loop3A_472 = vector.broadcast %parallel_loop3A_471 : f32 to vector<16xf32>
          %parallel_loop3A_473 = arith.subf %parallel_loop3A_472, %parallel_loop3A_470 : vector<16xf32>
          %parallel_loop3A_474 = arith.mulf %parallel_loop3A_468, %parallel_loop3A_473 : vector<16xf32>
          %parallel_loop3A_475 = arith.constant 1.000000e+00 : f32
          %parallel_loop3A_476 = vector.broadcast %parallel_loop3A_475 : f32 to vector<16xf32>
          %parallel_loop3A_477 = arith.minimumf %parallel_loop3A_476, %parallel_loop3A_474 : vector<16xf32>
          %parallel_loop3A_478 = arith.mulf %parallel_loop3A_477, %parallel_loop3A_416 : vector<16xf32>
          %parallel_loop3A_479 = arith.addf %parallel_loop3A_405, %parallel_loop3A_478 : vector<16xf32>
          %parallel_loop3A_480 = arith.mulf %parallel_loop3A_477, %parallel_loop3A_419 : vector<16xf32>
          %parallel_loop3A_481 = arith.addf %parallel_loop3A_406, %parallel_loop3A_480 : vector<16xf32>
          %parallel_loop3A_482 = arith.mulf %parallel_loop3A_477, %parallel_loop3A_422 : vector<16xf32>
          %parallel_loop3A_483 = arith.addf %parallel_loop3A_407, %parallel_loop3A_482 : vector<16xf32>
          %parallel_loop3A_484 = arith.mulf %parallel_loop3A_477, %parallel_loop3A_425 : vector<16xf32>
          %parallel_loop3A_485 = arith.addf %parallel_loop3A_408, %parallel_loop3A_484 : vector<16xf32>
          %parallel_loop3A_486 = arith.mulf %parallel_loop3A_477, %parallel_loop3A_428 : vector<16xf32>
          %parallel_loop3A_487 = arith.addf %parallel_loop3A_409, %parallel_loop3A_486 : vector<16xf32>
          %parallel_loop3A_488 = arith.mulf %parallel_loop3A_477, %parallel_loop3A_431 : vector<16xf32>
          %parallel_loop3A_489 = arith.addf %parallel_loop3A_410, %parallel_loop3A_488 : vector<16xf32>
          %parallel_loop3A_490 = arith.mulf %parallel_loop3A_477, %parallel_loop3A_434 : vector<16xf32>
          %parallel_loop3A_491 = arith.addf %parallel_loop3A_411, %parallel_loop3A_490 : vector<16xf32>
          %parallel_loop3A_492 = arith.mulf %parallel_loop3A_477, %parallel_loop3A_437 : vector<16xf32>
          %parallel_loop3A_493 = arith.addf %parallel_loop3A_412, %parallel_loop3A_492 : vector<16xf32>
          scf.yield %parallel_loop3A_479, %parallel_loop3A_481, %parallel_loop3A_483, %parallel_loop3A_485, %parallel_loop3A_487, %parallel_loop3A_489, %parallel_loop3A_491, %parallel_loop3A_493 : vector<16xf32>, vector<16xf32>, vector<16xf32>, vector<16xf32>, vector<16xf32>, vector<16xf32>, vector<16xf32>, vector<16xf32>
        } {sc.loop_unroll_factor = 5 : i64, sc.parallel_access}
        %mul3A_277 = arith.mulf %get3A_251, %parallel_loop3A_276#0 : vector<16xf32>
        %mul3A_278 = arith.mulf %get3A_254, %parallel_loop3A_276#1 : vector<16xf32>
        %mul3A_279 = arith.mulf %get3A_257, %parallel_loop3A_276#2 : vector<16xf32>
        %mul3A_280 = arith.mulf %get3A_260, %parallel_loop3A_276#3 : vector<16xf32>
        %mul3A_281 = arith.mulf %get3A_263, %parallel_loop3A_276#4 : vector<16xf32>
        %mul3A_282 = arith.mulf %get3A_266, %parallel_loop3A_276#5 : vector<16xf32>
        %mul3A_283 = arith.mulf %get3A_269, %parallel_loop3A_276#6 : vector<16xf32>
        %mul3A_284 = arith.mulf %get3A_272, %parallel_loop3A_276#7 : vector<16xf32>
        %add3A_285 = arith.addf %mul3A_277, %mul3A_278 : vector<16xf32>
        %add3A_286 = arith.addf %mul3A_279, %mul3A_280 : vector<16xf32>
        %add3A_287 = arith.addf %mul3A_281, %mul3A_282 : vector<16xf32>
        %add3A_288 = arith.addf %mul3A_283, %mul3A_284 : vector<16xf32>
        %add3A_289 = arith.addf %add3A_285, %add3A_286 : vector<16xf32>
        %add3A_290 = arith.addf %add3A_287, %add3A_288 : vector<16xf32>
        %add3A_291 = arith.addf %add3A_289, %add3A_290 : vector<16xf32>
        %reduce_sum3A = arith.constant true
        %reduce_sum3A_292 = vector.broadcast %reduce_sum3A : i1 to vector<16xi1>
        %reduce_sum3A_293 = tpu.scan <sum>, %add3A_291 masked %reduce_sum3A_292 : vector<16xf32>, vector<16xi1> -> vector<16xf32>
        %reduce_sum3A_294 = vector.extract %reduce_sum3A_293[15] : f32 from vector<16xf32>
        %broadcast_in_dim3A_295 = vector.broadcast %reduce_sum3A_294 : f32 to vector<16xf32>
        %jit3A_296 = arith.constant 16 : i32
        %eq3A = arith.constant 0 : i32
        %eq3A_297 = arith.cmpi eq, %jit3A_296, %eq3A : i32
        %jit3A_298 = arith.constant 1 : i32
        %select_n3A_299 = arith.select %eq3A_297, %jit3A_298, %jit3A_296 : i32
        %rem3A_300 = arith.remsi %add3A_247, %select_n3A_299 : i32
        %ne3A_301 = arith.constant 0 : i32
        %ne3A_302 = arith.cmpi ne, %rem3A_300, %ne3A_301 : i32
        %lt3A_303 = arith.constant 0 : i32
        %lt3A_304 = arith.cmpi slt, %rem3A_300, %lt3A_303 : i32
        %lt3A_305 = arith.constant 0 : i32
        %lt3A_306 = arith.cmpi slt, %select_n3A_299, %lt3A_305 : i32
        %ne3A_307 = arith.xori %lt3A_304, %lt3A_306 : i1
        %and3A_308 = arith.andi %ne3A_307, %ne3A_302 : i1
        %add3A_309 = arith.addi %rem3A_300, %select_n3A_299 : i32
        %select_n3A_310 = arith.select %and3A_308, %add3A_309, %rem3A_300 : i32
        %eq3A_311 = vector.broadcast %select_n3A_310 : i32 to vector<16xi32>
        %eq3A_312 = arith.cmpi eq, %iota3A, %eq3A_311 : vector<16xi32>
        %jit3A_313 = arith.constant 16 : i32
        %div3A_314 = arith.divsi %add3A_247, %jit3A_313 : i32
        %sign3A_315 = arith.constant 0 : i32
        %sign3A_316 = arith.cmpi sgt, %add3A_247, %sign3A_315 : i32
        %sign3A_317 = arith.extui %sign3A_316 : i1 to i32
        %sign3A_318 = arith.constant 0 : i32
        %sign3A_319 = arith.cmpi slt, %add3A_247, %sign3A_318 : i32
        %sign3A_320 = arith.extui %sign3A_319 : i1 to i32
        %sign3A_321 = arith.subi %sign3A_317, %sign3A_320 : i32
        %sign3A_322 = arith.constant 0 : i32
        %sign3A_323 = arith.cmpi sgt, %jit3A_313, %sign3A_322 : i32
        %sign3A_324 = arith.extui %sign3A_323 : i1 to i32
        %sign3A_325 = arith.constant 0 : i32
        %sign3A_326 = arith.cmpi slt, %jit3A_313, %sign3A_325 : i32
        %sign3A_327 = arith.extui %sign3A_326 : i1 to i32
        %sign3A_328 = arith.subi %sign3A_324, %sign3A_327 : i32
        %ne3A_329 = arith.cmpi ne, %sign3A_321, %sign3A_328 : i32
        %rem3A_330 = arith.remsi %add3A_247, %jit3A_313 : i32
        %ne3A_331 = arith.constant 0 : i32
        %ne3A_332 = arith.cmpi ne, %rem3A_330, %ne3A_331 : i32
        %and3A_333 = arith.andi %ne3A_329, %ne3A_332 : i1
        %sub3A_334 = arith.constant 1 : i32
        %sub3A_335 = arith.subi %div3A_314, %sub3A_334 : i32
        %select_n3A_336 = arith.select %and3A_333, %sub3A_335, %div3A_314 : i32
        %get3A_337 = arith.index_cast %select_n3A_336 : i32 to index
        %get3A_338 = arith.constant 0 : index
        %get3A_339 = tpu.vector_load %arg17[%get3A_337, %get3A_338] {strides = array<i32>} : memref<8x16xf32, #tpu.memory_space<vmem>>, vector<16xf32>,
        %select_n3A_340 = arith.select %eq3A_312, %broadcast_in_dim3A_295, %get3A_339 : vector<16xi1>, vector<16xf32>
        %jit3A_341 = arith.constant 16 : i32
        %div3A_342 = arith.divsi %add3A_247, %jit3A_341 : i32
        %sign3A_343 = arith.constant 0 : i32
        %sign3A_344 = arith.cmpi sgt, %add3A_247, %sign3A_343 : i32
        %sign3A_345 = arith.extui %sign3A_344 : i1 to i32
        %sign3A_346 = arith.constant 0 : i32
        %sign3A_347 = arith.cmpi slt, %add3A_247, %sign3A_346 : i32
        %sign3A_348 = arith.extui %sign3A_347 : i1 to i32
        %sign3A_349 = arith.subi %sign3A_345, %sign3A_348 : i32
        %sign3A_350 = arith.constant 0 : i32
        %sign3A_351 = arith.cmpi sgt, %jit3A_341, %sign3A_350 : i32
        %sign3A_352 = arith.extui %sign3A_351 : i1 to i32
        %sign3A_353 = arith.constant 0 : i32
        %sign3A_354 = arith.cmpi slt, %jit3A_341, %sign3A_353 : i32
        %sign3A_355 = arith.extui %sign3A_354 : i1 to i32
        %sign3A_356 = arith.subi %sign3A_352, %sign3A_355 : i32
        %ne3A_357 = arith.cmpi ne, %sign3A_349, %sign3A_356 : i32
        %rem3A_358 = arith.remsi %add3A_247, %jit3A_341 : i32
        %ne3A_359 = arith.constant 0 : i32
        %ne3A_360 = arith.cmpi ne, %rem3A_358, %ne3A_359 : i32
        %and3A_361 = arith.andi %ne3A_357, %ne3A_360 : i1
        %sub3A_362 = arith.constant 1 : i32
        %sub3A_363 = arith.subi %div3A_342, %sub3A_362 : i32
        %select_n3A_364 = arith.select %and3A_361, %sub3A_363, %div3A_342 : i32
        %swap3A = arith.index_cast %select_n3A_364 : i32 to index
        %swap3A_365 = arith.constant 0 : index
        %swap3A_366 = tpu.vector_load %arg17[%swap3A, %swap3A_365] {strides = array<i32>} : memref<8x16xf32, #tpu.memory_space<vmem>>, vector<16xf32>,
        tpu.vector_store %arg17[%swap3A, %swap3A_365], %select_n3A_340 {strides = array<i32>} : memref<8x16xf32, #tpu.memory_space<vmem>>, vector<16xf32>,
        %mul3A_367 = arith.constant 20 : i32
        %mul3A_368 = arith.muli %scan3A_243, %mul3A_367 : i32
        %get3A_369 = arith.index_cast %add3A_247 : i32 to index
        %get3A_370 = arith.constant 0 : index
        %get3A_371 = tpu.vector_load %arg12[%get3A_369, %get3A_370] {strides = array<i32>} : memref<128x128xf32, #tpu.memory_space<vmem>>, vector<16xf32>,
        %get3A_372 = arith.index_cast %add3A_247 : i32 to index
        %get3A_373 = arith.constant 16 : index
        %get3A_374 = tpu.vector_load %arg12[%get3A_372, %get3A_373] {strides = array<i32>} : memref<128x128xf32, #tpu.memory_space<vmem>>, vector<16xf32>,
        %get3A_375 = arith.index_cast %add3A_247 : i32 to index
        %get3A_376 = arith.constant 32 : index
        %get3A_377 = tpu.vector_load %arg12[%get3A_375, %get3A_376] {strides = array<i32>} : memref<128x128xf32, #tpu.memory_space<vmem>>, vector<16xf32>,
        %get3A_378 = arith.index_cast %add3A_247 : i32 to index
        %get3A_379 = arith.constant 48 : index
        %get3A_380 = tpu.vector_load %arg12[%get3A_378, %get3A_379] {strides = array<i32>} : memref<128x128xf32, #tpu.memory_space<vmem>>, vector<16xf32>,
        %get3A_381 = arith.index_cast %add3A_247 : i32 to index
        %get3A_382 = arith.constant 64 : index
        %get3A_383 = tpu.vector_load %arg12[%get3A_381, %get3A_382] {strides = array<i32>} : memref<128x128xf32, #tpu.memory_space<vmem>>, vector<16xf32>,
        %get3A_384 = arith.index_cast %add3A_247 : i32 to index
        %get3A_385 = arith.constant 80 : index
        %get3A_386 = tpu.vector_load %arg12[%get3A_384, %get3A_385] {strides = array<i32>} : memref<128x128xf32, #tpu.memory_space<vmem>>, vector<16xf32>,
        %get3A_387 = arith.index_cast %add3A_247 : i32 to index
        %get3A_388 = arith.constant 96 : index
        %get3A_389 = tpu.vector_load %arg12[%get3A_387, %get3A_388] {strides = array<i32>} : memref<128x128xf32, #tpu.memory_space<vmem>>, vector<16xf32>,
        %get3A_390 = arith.index_cast %add3A_247 : i32 to index
        %get3A_391 = arith.constant 112 : index
        %get3A_392 = tpu.vector_load %arg12[%get3A_390, %get3A_391] {strides = array<i32>} : memref<128x128xf32, #tpu.memory_space<vmem>>, vector<16xf32>,
        %parallel_loop3A_393 = arith.constant 0 : i32
        %parallel_loop3A_394 = arith.constant 20 : i32
        %parallel_loop3A_395 = arith.constant 1 : i32
        %parallel_loop3A_396:2 = scf.for %parallel_loop3A_404 = %parallel_loop3A_393 to %parallel_loop3A_394 step %parallel_loop3A_395 iter_args(%parallel_loop3A_405 = %broadcast_in_dim3A_54, %parallel_loop3A_406 = %broadcast_in_dim3A_54) -> (vector<16xf32>, vector<16xf32>)  : i32 {
          %parallel_loop3A_407 = arith.addi %mul3A_368, %parallel_loop3A_404 : i32
          %parallel_loop3A_408 = arith.index_cast %parallel_loop3A_407 : i32 to index
          %parallel_loop3A_409 = arith.constant 0 : index
          %parallel_loop3A_410 = tpu.vector_load %arg16[%parallel_loop3A_408, %parallel_loop3A_409] {strides = array<i32>} : memref<80x128xf32, #tpu.memory_space<vmem>>, vector<16xf32>,
          %parallel_loop3A_411 = arith.index_cast %parallel_loop3A_407 : i32 to index
          %parallel_loop3A_412 = arith.constant 16 : index
          %parallel_loop3A_413 = tpu.vector_load %arg16[%parallel_loop3A_411, %parallel_loop3A_412] {strides = array<i32>} : memref<80x128xf32, #tpu.memory_space<vmem>>, vector<16xf32>,
          %parallel_loop3A_414 = arith.index_cast %parallel_loop3A_407 : i32 to index
          %parallel_loop3A_415 = arith.constant 32 : index
          %parallel_loop3A_416 = tpu.vector_load %arg16[%parallel_loop3A_414, %parallel_loop3A_415] {strides = array<i32>} : memref<80x128xf32, #tpu.memory_space<vmem>>, vector<16xf32>,
          %parallel_loop3A_417 = arith.index_cast %parallel_loop3A_407 : i32 to index
          %parallel_loop3A_418 = arith.constant 48 : index
          %parallel_loop3A_419 = tpu.vector_load %arg16[%parallel_loop3A_417, %parallel_loop3A_418] {strides = array<i32>} : memref<80x128xf32, #tpu.memory_space<vmem>>, vector<16xf32>,
          %parallel_loop3A_420 = arith.index_cast %parallel_loop3A_407 : i32 to index
          %parallel_loop3A_421 = arith.constant 64 : index
          %parallel_loop3A_422 = tpu.vector_load %arg16[%parallel_loop3A_420, %parallel_loop3A_421] {strides = array<i32>} : memref<80x128xf32, #tpu.memory_space<vmem>>, vector<16xf32>,
          %parallel_loop3A_423 = arith.index_cast %parallel_loop3A_407 : i32 to index
          %parallel_loop3A_424 = arith.constant 80 : index
          %parallel_loop3A_425 = tpu.vector_load %arg16[%parallel_loop3A_423, %parallel_loop3A_424] {strides = array<i32>} : memref<80x128xf32, #tpu.memory_space<vmem>>, vector<16xf32>,
          %parallel_loop3A_426 = arith.index_cast %parallel_loop3A_407 : i32 to index
          %parallel_loop3A_427 = arith.constant 96 : index
          %parallel_loop3A_428 = tpu.vector_load %arg16[%parallel_loop3A_426, %parallel_loop3A_427] {strides = array<i32>} : memref<80x128xf32, #tpu.memory_space<vmem>>, vector<16xf32>,
          %parallel_loop3A_429 = arith.index_cast %parallel_loop3A_407 : i32 to index
          %parallel_loop3A_430 = arith.constant 112 : index
          %parallel_loop3A_431 = tpu.vector_load %arg16[%parallel_loop3A_429, %parallel_loop3A_430] {strides = array<i32>} : memref<80x128xf32, #tpu.memory_space<vmem>>, vector<16xf32>,
          %parallel_loop3A_432 = arith.mulf %parallel_loop3A_410, %parallel_loop3A_410 : vector<16xf32>
          %parallel_loop3A_433 = arith.mulf %parallel_loop3A_413, %parallel_loop3A_413 : vector<16xf32>
          %parallel_loop3A_434 = arith.mulf %parallel_loop3A_416, %parallel_loop3A_416 : vector<16xf32>
          %parallel_loop3A_435 = arith.mulf %parallel_loop3A_419, %parallel_loop3A_419 : vector<16xf32>
          %parallel_loop3A_436 = arith.mulf %parallel_loop3A_422, %parallel_loop3A_422 : vector<16xf32>
          %parallel_loop3A_437 = arith.mulf %parallel_loop3A_425, %parallel_loop3A_425 : vector<16xf32>
          %parallel_loop3A_438 = arith.mulf %parallel_loop3A_428, %parallel_loop3A_428 : vector<16xf32>
          %parallel_loop3A_439 = arith.mulf %parallel_loop3A_431, %parallel_loop3A_431 : vector<16xf32>
          %parallel_loop3A_440 = arith.addf %parallel_loop3A_432, %parallel_loop3A_433 : vector<16xf32>
          %parallel_loop3A_441 = arith.addf %parallel_loop3A_434, %parallel_loop3A_435 : vector<16xf32>
          %parallel_loop3A_442 = arith.addf %parallel_loop3A_436, %parallel_loop3A_437 : vector<16xf32>
          %parallel_loop3A_443 = arith.addf %parallel_loop3A_438, %parallel_loop3A_439 : vector<16xf32>
          %parallel_loop3A_444 = arith.addf %parallel_loop3A_440, %parallel_loop3A_441 : vector<16xf32>
          %parallel_loop3A_445 = arith.addf %parallel_loop3A_442, %parallel_loop3A_443 : vector<16xf32>
          %parallel_loop3A_446 = arith.addf %parallel_loop3A_444, %parallel_loop3A_445 : vector<16xf32>
          %parallel_loop3A_447 = arith.constant true
          %parallel_loop3A_448 = vector.broadcast %parallel_loop3A_447 : i1 to vector<16xi1>
          %parallel_loop3A_449 = tpu.scan <sum>, %parallel_loop3A_446 masked %parallel_loop3A_448 : vector<16xf32>, vector<16xi1> -> vector<16xf32>
          %parallel_loop3A_450 = vector.extract %parallel_loop3A_449[15] : f32 from vector<16xf32>
          %parallel_loop3A_451 = vector.broadcast %parallel_loop3A_450 : f32 to vector<16xf32>
          %parallel_loop3A_452 = vector.bitcast %parallel_loop3A_451 : vector<16xf32> to vector<16xi32>
          %parallel_loop3A_453 = arith.constant 1 : i32
          %parallel_loop3A_454 = vector.broadcast %parallel_loop3A_453 : i32 to vector<16xi32>
          %parallel_loop3A_455 = arith.shrsi %parallel_loop3A_452, %parallel_loop3A_454 : vector<16xi32>
          %parallel_loop3A_456 = arith.constant 1595932665 : i32
          %parallel_loop3A_457 = vector.broadcast %parallel_loop3A_456 : i32 to vector<16xi32>
          %parallel_loop3A_458 = arith.subi %parallel_loop3A_457, %parallel_loop3A_455 : vector<16xi32>
          %parallel_loop3A_459 = vector.bitcast %parallel_loop3A_458 : vector<16xi32> to vector<16xf32>
          %parallel_loop3A_460 = arith.constant 0.703952252 : f32
          %parallel_loop3A_461 = vector.broadcast %parallel_loop3A_460 : f32 to vector<16xf32>
          %parallel_loop3A_462 = arith.mulf %parallel_loop3A_459, %parallel_loop3A_461 : vector<16xf32>
          %parallel_loop3A_463 = arith.mulf %parallel_loop3A_451, %parallel_loop3A_459 : vector<16xf32>
          %parallel_loop3A_464 = arith.mulf %parallel_loop3A_463, %parallel_loop3A_459 : vector<16xf32>
          %parallel_loop3A_465 = arith.constant 2.38924456 : f32
          %parallel_loop3A_466 = vector.broadcast %parallel_loop3A_465 : f32 to vector<16xf32>
          %parallel_loop3A_467 = arith.subf %parallel_loop3A_466, %parallel_loop3A_464 : vector<16xf32>
          %parallel_loop3A_468 = arith.mulf %parallel_loop3A_462, %parallel_loop3A_467 : vector<16xf32>
          %parallel_loop3A_469 = arith.constant 1.000000e+00 : f32
          %parallel_loop3A_470 = vector.broadcast %parallel_loop3A_469 : f32 to vector<16xf32>
          %parallel_loop3A_471 = arith.minimumf %parallel_loop3A_470, %parallel_loop3A_468 : vector<16xf32>
          %parallel_loop3A_472 = arith.mulf %get3A_371, %parallel_loop3A_410 : vector<16xf32>
          %parallel_loop3A_473 = arith.mulf %get3A_374, %parallel_loop3A_413 : vector<16xf32>
          %parallel_loop3A_474 = arith.mulf %get3A_377, %parallel_loop3A_416 : vector<16xf32>
          %parallel_loop3A_475 = arith.mulf %get3A_380, %parallel_loop3A_419 : vector<16xf32>
          %parallel_loop3A_476 = arith.mulf %get3A_383, %parallel_loop3A_422 : vector<16xf32>
          %parallel_loop3A_477 = arith.mulf %get3A_386, %parallel_loop3A_425 : vector<16xf32>
          %parallel_loop3A_478 = arith.mulf %get3A_389, %parallel_loop3A_428 : vector<16xf32>
          %parallel_loop3A_479 = arith.mulf %get3A_392, %parallel_loop3A_431 : vector<16xf32>
          %parallel_loop3A_480 = arith.addf %parallel_loop3A_472, %parallel_loop3A_473 : vector<16xf32>
          %parallel_loop3A_481 = arith.addf %parallel_loop3A_474, %parallel_loop3A_475 : vector<16xf32>
          %parallel_loop3A_482 = arith.addf %parallel_loop3A_476, %parallel_loop3A_477 : vector<16xf32>
          %parallel_loop3A_483 = arith.addf %parallel_loop3A_478, %parallel_loop3A_479 : vector<16xf32>
          %parallel_loop3A_484 = arith.addf %parallel_loop3A_480, %parallel_loop3A_481 : vector<16xf32>
          %parallel_loop3A_485 = arith.addf %parallel_loop3A_482, %parallel_loop3A_483 : vector<16xf32>
          %parallel_loop3A_486 = arith.addf %parallel_loop3A_484, %parallel_loop3A_485 : vector<16xf32>
          %parallel_loop3A_487 = arith.constant true
          %parallel_loop3A_488 = vector.broadcast %parallel_loop3A_487 : i1 to vector<16xi1>
          %parallel_loop3A_489 = tpu.scan <sum>, %parallel_loop3A_486 masked %parallel_loop3A_488 : vector<16xf32>, vector<16xi1> -> vector<16xf32>
          %parallel_loop3A_490 = vector.extract %parallel_loop3A_489[15] : f32 from vector<16xf32>
          %parallel_loop3A_491 = vector.broadcast %parallel_loop3A_490 : f32 to vector<16xf32>
          %parallel_loop3A_492 = arith.mulf %parallel_loop3A_491, %parallel_loop3A_471 : vector<16xf32>
          %parallel_loop3A_493 = vector.broadcast %parallel_loop3A_404 : i32 to vector<16xi32>
          %parallel_loop3A_494 = arith.cmpi eq, %iota3A, %parallel_loop3A_493 : vector<16xi32>
          %parallel_loop3A_495 = arith.select %parallel_loop3A_494, %parallel_loop3A_492, %parallel_loop3A_405 : vector<16xi1>, vector<16xf32>
          %parallel_loop3A_496 = arith.constant 16 : i32
          %parallel_loop3A_497 = arith.subi %parallel_loop3A_404, %parallel_loop3A_496 : i32
          %parallel_loop3A_498 = vector.broadcast %parallel_loop3A_497 : i32 to vector<16xi32>
          %parallel_loop3A_499 = arith.cmpi eq, %iota3A, %parallel_loop3A_498 : vector<16xi32>
          %parallel_loop3A_500 = arith.select %parallel_loop3A_499, %parallel_loop3A_492, %parallel_loop3A_406 : vector<16xi1>, vector<16xf32>
          scf.yield %parallel_loop3A_495, %parallel_loop3A_500 : vector<16xf32>, vector<16xf32>
        } {sc.loop_unroll_factor = 4 : i64, sc.parallel_access}
        %swap3A_397 = arith.index_cast %add3A_247 : i32 to index
        %swap3A_398 = arith.constant 0 : index
        %swap3A_399 = tpu.vector_load %arg18[%swap3A_397, %swap3A_398] {strides = array<i32>} : memref<128x32xf32, #tpu.memory_space<vmem>>, vector<16xf32>,
        tpu.vector_store %arg18[%swap3A_397, %swap3A_398], %parallel_loop3A_396#0 {strides = array<i32>} : memref<128x32xf32, #tpu.memory_space<vmem>>, vector<16xf32>,
        %swap3A_400 = arith.index_cast %add3A_247 : i32 to index
        %swap3A_401 = arith.constant 16 : index
        %swap3A_402 = tpu.vector_load %arg18[%swap3A_400, %swap3A_401] {strides = array<i32>} : memref<128x32xf32, #tpu.memory_space<vmem>>, vector<16xf32>,
        tpu.vector_store %arg18[%swap3A_400, %swap3A_401], %parallel_loop3A_396#1 {strides = array<i32>} : memref<128x32xf32, #tpu.memory_space<vmem>>, vector<16xf32>,
        %scan3A_403 = arith.constant 0 : i32
        scf.yield %scan3A_403 : i32
      }
      %scan3A_238 = arith.constant 4 : i32
      %convert_element_type3A_239 = arith.extui %lt3A_173 : i1 to i32
      %cond3A_240 = arith.constant 0 : i32
      %cond3A_241 = arith.cmpi ne, %convert_element_type3A_239, %cond3A_240 : i32
      scf.if %cond3A_241 {
        %add3A_243 = arith.constant 3 : i32
        %add3A_244 = arith.addi %mul3A_170, %add3A_243 : i32
        %mul3A_245 = arith.constant 2 : i32
        %mul3A_246 = arith.muli %mul3A_245, %add3A_244 : i32
        %dma_start3A_247 = arith.constant 0 : i32
        %dma_start3A_248 = arith.constant 0 : i32
        %dma_start3A_249 = tpu.memref_slice %arg15[%dma_start3A_247, %dma_start3A_248] : memref<200x128xf32, #tpu.memory_space<vmem>> -> memref<100x128xf32, #tpu.memory_space<vmem>>
        %dma_start3A_250 = arith.constant 0 : i32
        %dma_start3A_251 = tpu.memref_slice %arg10[%mul3A_246, %dma_start3A_250] : memref<64x100xi32, #tpu.memory_space<vmem>> -> memref<1x100xi32, #tpu.memory_space<vmem>>
        %dma_start3A_252 = tpu.memref_squeeze %dma_start3A_251 : memref<1x100xi32, #tpu.memory_space<vmem>> -> memref<100xi32, #tpu.memory_space<vmem>>
        %dma_start3A_253 = arith.constant 0 : i32
        %dma_start3A_254 = arith.constant 0 : i32
        %dma_start3A_255 = tpu.memref_slice %arg5[%dma_start3A_253, %dma_start3A_254] : memref<100000x128xf32, #tpu.memory_space<hbm>> -> memref<100000x128xf32, #tpu.memory_space<hbm>>
        tpu.enqueue_indirect_dma source(%dma_start3A_255 : memref<100000x128xf32, #tpu.memory_space<hbm>>) target(%dma_start3A_249 : memref<100x128xf32, #tpu.memory_space<vmem>>) offsets(%dma_start3A_252 : memref<100xi32, #tpu.memory_space<vmem>>) semaphore(%arg22 : memref<!tpu.dma_semaphore, #tpu.memory_space<semaphore_mem>>)
        %mul3A_256 = arith.constant 2 : i32
        %mul3A_257 = arith.muli %mul3A_256, %add3A_244 : i32
        %add3A_258 = arith.constant 1 : i32
        %add3A_259 = arith.addi %mul3A_257, %add3A_258 : i32
        %dma_start3A_260 = arith.constant 100 : i32
        %dma_start3A_261 = arith.constant 0 : i32
        %dma_start3A_262 = tpu.memref_slice %arg15[%dma_start3A_260, %dma_start3A_261] : memref<200x128xf32, #tpu.memory_space<vmem>> -> memref<100x128xf32, #tpu.memory_space<vmem>>
        %dma_start3A_263 = arith.constant 0 : i32
        %dma_start3A_264 = tpu.memref_slice %arg10[%add3A_259, %dma_start3A_263] : memref<64x100xi32, #tpu.memory_space<vmem>> -> memref<1x100xi32, #tpu.memory_space<vmem>>
        %dma_start3A_265 = tpu.memref_squeeze %dma_start3A_264 : memref<1x100xi32, #tpu.memory_space<vmem>> -> memref<100xi32, #tpu.memory_space<vmem>>
        %dma_start3A_266 = arith.constant 0 : i32
        %dma_start3A_267 = arith.constant 0 : i32
        %dma_start3A_268 = tpu.memref_slice %arg5[%dma_start3A_266, %dma_start3A_267] : memref<100000x128xf32, #tpu.memory_space<hbm>> -> memref<100000x128xf32, #tpu.memory_space<hbm>>
        tpu.enqueue_indirect_dma source(%dma_start3A_268 : memref<100000x128xf32, #tpu.memory_space<hbm>>) target(%dma_start3A_262 : memref<100x128xf32, #tpu.memory_space<vmem>>) offsets(%dma_start3A_265 : memref<100xi32, #tpu.memory_space<vmem>>) semaphore(%arg22 : memref<!tpu.dma_semaphore, #tpu.memory_space<semaphore_mem>>)
        %dma_start3A_269 = arith.constant 0 : i32
        %dma_start3A_270 = tpu.memref_slice %arg11[%add3A_244, %dma_start3A_269] : memref<32x80xi32, #tpu.memory_space<vmem>> -> memref<1x80xi32, #tpu.memory_space<vmem>>
        %dma_start3A_271 = tpu.memref_squeeze %dma_start3A_270 : memref<1x80xi32, #tpu.memory_space<vmem>> -> memref<80xi32, #tpu.memory_space<vmem>>
        %dma_start3A_272 = arith.constant 0 : i32
        %dma_start3A_273 = arith.constant 0 : i32
        %dma_start3A_274 = tpu.memref_slice %arg5[%dma_start3A_272, %dma_start3A_273] : memref<100000x128xf32, #tpu.memory_space<hbm>> -> memref<100000x128xf32, #tpu.memory_space<hbm>>
        tpu.enqueue_indirect_dma source(%dma_start3A_274 : memref<100000x128xf32, #tpu.memory_space<hbm>>) target(%arg16 : memref<80x128xf32, #tpu.memory_space<vmem>>) offsets(%dma_start3A_271 : memref<80xi32, #tpu.memory_space<vmem>>) semaphore(%arg23 : memref<!tpu.dma_semaphore, #tpu.memory_space<semaphore_mem>>)
      } else {
      }
      %scan3A_242 = arith.constant 0 : i32
      scf.yield %scan3A_242 : i32
    }
    %scan3A_137 = arith.constant 16 : i32
    %jit3A_138 = arith.constant 16 : i32
    %div3A_139 = arith.divsi %multiple_of3A, %jit3A_138 : i32
    %sign3A_140 = arith.constant 0 : i32
    %sign3A_141 = arith.cmpi sgt, %multiple_of3A, %sign3A_140 : i32
    %sign3A_142 = arith.extui %sign3A_141 : i1 to i32
    %sign3A_143 = arith.constant 0 : i32
    %sign3A_144 = arith.cmpi slt, %multiple_of3A, %sign3A_143 : i32
    %sign3A_145 = arith.extui %sign3A_144 : i1 to i32
    %sign3A_146 = arith.subi %sign3A_142, %sign3A_145 : i32
    %sign3A_147 = arith.constant 0 : i32
    %sign3A_148 = arith.cmpi sgt, %jit3A_138, %sign3A_147 : i32
    %sign3A_149 = arith.extui %sign3A_148 : i1 to i32
    %sign3A_150 = arith.constant 0 : i32
    %sign3A_151 = arith.cmpi slt, %jit3A_138, %sign3A_150 : i32
    %sign3A_152 = arith.extui %sign3A_151 : i1 to i32
    %sign3A_153 = arith.subi %sign3A_149, %sign3A_152 : i32
    %ne3A_154 = arith.cmpi ne, %sign3A_146, %sign3A_153 : i32
    %rem3A_155 = arith.remsi %multiple_of3A, %jit3A_138 : i32
    %ne3A_156 = arith.constant 0 : i32
    %ne3A_157 = arith.cmpi ne, %rem3A_155, %ne3A_156 : i32
    %and3A_158 = arith.andi %ne3A_154, %ne3A_157 : i1
    %sub3A_159 = arith.constant 1 : i32
    %sub3A_160 = arith.subi %div3A_139, %sub3A_159 : i32
    %select_n3A_161 = arith.select %and3A_158, %sub3A_160, %div3A_139 : i32
    %multiple_of3A_162 = tpu.assume_multiple %select_n3A_161, 8 : i32
    "tpu.region"() ({
      %run_scoped3A = tpu.sem_alloc : memref<!tpu.dma_semaphore, #tpu.memory_space<semaphore_mem>>
      %dma_start3A_167 = arith.constant 0 : i32
      %dma_start3A_168 = tpu.memref_slice %arg7[%multiple_of3A_162, %dma_start3A_167] : memref<256x16xf32, #tpu.memory_space<hbm>> -> memref<8x16xf32, #tpu.memory_space<hbm>>
      %dma_start3A_169 = arith.constant 0 : i32
      %dma_start3A_170 = tpu.memref_slice %arg7[%multiple_of3A_162, %dma_start3A_169] : memref<256x16xf32, #tpu.memory_space<hbm>> -> memref<8x16xf32, #tpu.memory_space<hbm>>
      tpu.enqueue_dma source(%arg17 : memref<8x16xf32, #tpu.memory_space<vmem>>) target(%dma_start3A_170 : memref<8x16xf32, #tpu.memory_space<hbm>>) target_semaphore(%run_scoped3A : memref<!tpu.dma_semaphore, #tpu.memory_space<semaphore_mem>>)
      %dma_wait3A_171 = arith.constant 0 : i32
      %dma_wait3A_172 = tpu.memref_slice %arg7[%multiple_of3A_162, %dma_wait3A_171] : memref<256x16xf32, #tpu.memory_space<hbm>> -> memref<8x16xf32, #tpu.memory_space<hbm>>
      %dma_wait3A_173 = arith.constant 0 : i32
      %dma_wait3A_174 = tpu.memref_slice %arg7[%multiple_of3A_162, %dma_wait3A_173] : memref<256x16xf32, #tpu.memory_space<hbm>> -> memref<8x16xf32, #tpu.memory_space<hbm>>
      tpu.wait_dma2 semaphore(%run_scoped3A : memref<!tpu.dma_semaphore, #tpu.memory_space<semaphore_mem>>) src(%arg17 : memref<8x16xf32, #tpu.memory_space<vmem>>) dst(%dma_wait3A_174 : memref<8x16xf32, #tpu.memory_space<hbm>>)
      tpu.yield
    }) : () -> ()
    "tpu.region"() ({
      %run_scoped3A = tpu.sem_alloc : memref<!tpu.dma_semaphore, #tpu.memory_space<semaphore_mem>>
      %dma_start3A_167 = arith.constant 0 : i32
      %dma_start3A_168 = tpu.memref_slice %arg8[%multiple_of3A, %dma_start3A_167] : memref<4096x32xf32, #tpu.memory_space<hbm>> -> memref<128x32xf32, #tpu.memory_space<hbm>>
      %dma_start3A_169 = arith.constant 0 : i32
      %dma_start3A_170 = tpu.memref_slice %arg8[%multiple_of3A, %dma_start3A_169] : memref<4096x32xf32, #tpu.memory_space<hbm>> -> memref<128x32xf32, #tpu.memory_space<hbm>>
      tpu.enqueue_dma source(%arg18 : memref<128x32xf32, #tpu.memory_space<vmem>>) target(%dma_start3A_170 : memref<128x32xf32, #tpu.memory_space<hbm>>) target_semaphore(%run_scoped3A : memref<!tpu.dma_semaphore, #tpu.memory_space<semaphore_mem>>)
      %dma_wait3A_171 = arith.constant 0 : i32
      %dma_wait3A_172 = tpu.memref_slice %arg8[%multiple_of3A, %dma_wait3A_171] : memref<4096x32xf32, #tpu.memory_space<hbm>> -> memref<128x32xf32, #tpu.memory_space<hbm>>
      %dma_wait3A_173 = arith.constant 0 : i32
      %dma_wait3A_174 = tpu.memref_slice %arg8[%multiple_of3A, %dma_wait3A_173] : memref<4096x32xf32, #tpu.memory_space<hbm>> -> memref<128x32xf32, #tpu.memory_space<hbm>>
      tpu.wait_dma2 semaphore(%run_scoped3A : memref<!tpu.dma_semaphore, #tpu.memory_space<semaphore_mem>>) src(%arg18 : memref<128x32xf32, #tpu.memory_space<vmem>>) dst(%dma_wait3A_174 : memref<128x32xf32, #tpu.memory_space<hbm>>)
      tpu.yield
    }) : () -> ()
    %dma_wait3A_163 = arith.constant 0 : i32
    %dma_wait3A_164 = tpu.memref_slice %arg6[%multiple_of3A, %dma_wait3A_163] : memref<4096x128xf32, #tpu.memory_space<hbm>> -> memref<128x128xf32, #tpu.memory_space<hbm>>
    %dma_wait3A_165 = arith.constant 0 : i32
    %dma_wait3A_166 = tpu.memref_slice %arg6[%multiple_of3A, %dma_wait3A_165] : memref<4096x128xf32, #tpu.memory_space<hbm>> -> memref<128x128xf32, #tpu.memory_space<hbm>>
    tpu.wait_dma2 semaphore(%arg19 : memref<!tpu.dma_semaphore, #tpu.memory_space<semaphore_mem>>) src(%arg12 : memref<128x128xf32, #tpu.memory_space<vmem>>) dst(%dma_wait3A_166 : memref<128x128xf32, #tpu.memory_space<hbm>>)
    return
  }
}

module attributes {stable_mosaic.version = 14 : i64} {
  func.func @_loss_body(%arg0: memref<4096x32xf32, #tpu.memory_space<vmem>>, %arg1: memref<4096x1xf32, #tpu.memory_space<vmem>>, %arg2: memref<1x1xf32, #tpu.memory_space<vmem>>) attributes {dimension_semantics = [], scalar_prefetch = 0 : i64, scratch_operands = 0 : i64, tpu.core_type = #tpu.core_type<tc>} {
    %get3A = arith.constant 0 : index
    %get3A_0 = arith.constant 0 : index
    %get3A_1 = vector.load %arg0[%get3A, %get3A_0] : memref<4096x32xf32, #tpu.memory_space<vmem>>, vector<4096x32xf32>
    %iota3A = tpu.iota {dimensions = array<i32: 1>} : vector<4096x32xi32>
    %lt3A = arith.constant 20 : i32
    %lt3A_2 = vector.broadcast %lt3A : i32 to vector<4096x32xi32>
    %lt3A_3 = arith.cmpi slt, %iota3A, %lt3A_2 : vector<4096x32xi32>
    %jit3A = arith.constant 0.000000e+00 : f32
    %broadcast_in_dim3A = vector.broadcast %jit3A : f32 to vector<4096x32xf32>
    %select_n3A = arith.select %lt3A_3, %get3A_1, %broadcast_in_dim3A : vector<4096x32xi1>, vector<4096x32xf32>
    %exp3A = math.exp %select_n3A : vector<4096x32xf32>
    %jit3A_4 = arith.constant 0.000000e+00 : f32
    %broadcast_in_dim3A_5 = vector.broadcast %jit3A_4 : f32 to vector<4096x32xf32>
    %select_n3A_6 = arith.select %lt3A_3, %exp3A, %broadcast_in_dim3A_5 : vector<4096x32xi1>, vector<4096x32xf32>
    %reduce_sum3A = arith.constant dense<0.000000e+00> : vector<4096xf32>
    %reduce_sum3A_7 = vector.multi_reduction <add>, %select_n3A_6, %reduce_sum3A [1] : vector<4096x32xf32> to vector<4096xf32>
    %broadcast_in_dim3A_8 = vector.shape_cast %reduce_sum3A_7 : vector<4096xf32> to vector<4096x1xf32>
    %log3A = math.log %broadcast_in_dim3A_8 : vector<4096x1xf32>
    %get3A_9 = arith.constant 0 : index
    %get3A_10 = arith.constant 0 : index
    %get3A_11 = vector.load %arg1[%get3A_9, %get3A_10] : memref<4096x1xf32, #tpu.memory_space<vmem>>, vector<4096x1xf32>
    %sub3A = arith.subf %log3A, %get3A_11 : vector<4096x1xf32>
    %reduce_sum3A_12 = vector.shape_cast %sub3A : vector<4096x1xf32> to vector<1x4096x1xf32>
    %reduce_sum3A_13 = arith.constant dense<0.000000e+00> : vector<1xf32>
    %reduce_sum3A_14 = vector.multi_reduction <add>, %reduce_sum3A_12, %reduce_sum3A_13 [1, 2] : vector<1x4096x1xf32> to vector<1xf32>
    %reduce_sum3A_15 = vector.shape_cast %reduce_sum3A_14 : vector<1xf32> to vector<1x1x1xf32>
    %reduce_sum3A_16 = vector.extract %reduce_sum3A_15[0, 0, 0] : f32 from vector<1x1x1xf32>
    %reshape3A = vector.broadcast %reduce_sum3A_16 : f32 to vector<1x1xf32>
    %swap3A = arith.constant 0 : index
    %swap3A_17 = arith.constant 0 : index
    %swap3A_18 = vector.load %arg2[%swap3A, %swap3A_17] : memref<1x1xf32, #tpu.memory_space<vmem>>, vector<1x1xf32>
    tpu.vector_store %arg2[%swap3A, %swap3A_17], %reshape3A {strides = array<i32>} : memref<1x1xf32, #tpu.memory_space<vmem>>, vector<1x1xf32>,
    return
  }
}

</mosaic_0001>

<sc_bundles>
// kernel: kernel.4.cloned.1.call-start
scs
__scs_entry_jumppad:
0x0: {  	(pc) =	sbr.rel $0x88, $3  }
0x1: {  	(tag) =	ssettag $0x0;
	lr =	simm.s32 $0x1  }
0x2: {  	[smem:$0x3F9D] =	sst lr;
	_ =	strace $0xD0000000  }
0x3: {  	_ = 	snop  }
0x4: {  	_ = 	snop  }
0x5: {  	_ = 	snop  }
0x6: {  	_ = 	snop  }
0x7: {  	_ = 	snop  }
__scs_overlays_trampoline_lowered:
0x8: {  	[smem:$0x3FAC] =	sst s0  }
0x9: {  	[smem:$0x3FAD] =	sst s1  }
0xa: {  	[smem:$0x3FAE] =	sst s2  }
0xb: {  	[smem:$0x3FAF] =	sst s3  }
0xc: {  	[smem:$0x3FB0] =	sst s4  }
0xd: {  	[smem:$0x3FB1] =	sst s5  }
0xe: {  	[smem:$0x3FB2] =	sst s6  }
0xf: {  	[smem:$0x3FB3] =	sst s7  }
0x10: {  	[smem:$0x3FB4] =	sst s8  }
0x11: {  	[smem:$0x3FB5] =	sst s9;
	s0 =	simm.s32 @!p0 $0x0  }
0x12: {  	s1 =	sld [smem:$0x3F9B];
	s0 =	simm.s32 @p0 $0x1  }
0x13: {  	[smem:$0x3FB6] =	sst s0;
	s0 =	simm.s32 @!p1 $0x0  }
0x14: {  	s2 =	sld [smem:$0x3F9A];
	s0 =	simm.s32 @p1 $0x1  }
0x15: {  	[smem:$0x3FB7] =	sst s0;
	s0 =	simm.s32 @!p2 $0x0  }
0x16: {  	s3 =	sld [smem:$0x3FDB];
	s0 =	simm.s32 @p2 $0x1  }
0x17: {  	s4 =	simm.s32 $0x1BF5;
	[smem:$0x3FB9] =	sst s0  }
0x18: {  	s0 =	sld [smem:$0x3F9C];
	_ =	swait.ge [sflag:s4], $0x0  }
0x19: {  	s7 =	sld [smem:$0x3F9D]  }
0x1a: {  	s8 =	sadd.s32 $0xFFFFE003, lr  }
0x1b: {  	s9 =	sadd.s32 $0xFFFFFEF7, lr;
	s5 =	simm.s32 $0xFFFFFFFF;
	p2 =	slt.u32 s8, $0xFFFFF086  }
0x1c: {  	p1 =	slt.u32 s9, $0xF7A;
	s5 =	simm.s32 @!p2 $0x0  }
0x1d: {  	s5 =	simm.s32 @p1 $0x1;
	p0 =	seq.s32 s7, s2  }
0x1e: {  	s7 =	smul.u32 @!p0 $0xF7A, s2;
	p2 =	seq.s32 @!p0 s5, $0x0  }
0x1f: {  	s9 =	smul.u32 $0xF7A, s1;
	s8 =	simm.s32 @!p0 $0x1BF5;
	p2 =	por !p2, p0  }
0x20: {  	[sflag:s8] =	ssyncset.s32 @!p0 $0xFFFFF086;
	s6 =	sadd.s32 @!p0 s3, s7;
	s7 =	simm.s32 @!p0 $0x108  }
0x21: {  	s3 =	sadd.s32 s3, s9;
	s6 =	sadd.s32 @!p0 $0x88, s6;
	s7 =	simm.s32 @p2 $0x1082  }
0x22: {  	[simem:s7], [sflag:s8] =	dma.local @!p0 [hbm:s6], $0xF7A  }
0x23: {  	s9 =	sor.u32 $0xD0000000, s2;
	s6 =	simm.s32 $0x108;
	_ =	swait.ge @!p0 [sflag:s8], $0x0  }
0x24: {  	s3 =	sadd.s32 $0x88, s3;
	s6 =	simm.s32 @!p1 $0x1082;
	[sflag:s4] =	ssyncset.s32 $0xFFFFF086  }
0x25: {  	[simem:s6], [sflag:s4] =	dma.local [hbm:s3], $0xF7A  }
0x26: {  	[smem:$0x3F9D] =	sst s1;
	(tag) =	ssettag s2;
	_ =	strace s9  }
0x27: {  	s1 =	sld [smem:$0x3FAD]  }
0x28: {  	s2 =	sld [smem:$0x3FAE]  }
0x29: {  	s4 =	sld [smem:$0x3FB0]  }
0x2a: {  	p0 =	seq.s32 s5, $0x0;
	s5 =	sld [smem:$0x3FB1]  }
0x2b: {  	s6 =	sld [smem:$0x3FB2]  }
0x2c: {  	s7 =	sld [smem:$0x3FB3]  }
0x2d: {  	s3 =	simm.s32 $0x108;
	s8 =	sld [smem:$0x3FB4]  }
0x2e: {  	s3 =	simm.s32 @!p0 $0x1082;
	s9 =	sld [smem:$0x3FB5]  }
0x2f: {  	lr =	sadd.s32 s0, s3;
	s0 =	sld [smem:$0x3FAC]  }
0x30: {  	s3 =	sld [smem:$0x3FAF]  }
0x31: {  	[smem:$0x3FB8] =	sst s10  }
0x32: {  	s10 =	sld [smem:$0x3FB6];
	_ =	sdelay $0x3  }
0x33: {  	p0 =	seq.s32 s10, $0x1;
	s10 =	sld [smem:$0x3FB8];
	_ =	sdelay $0x3  }
0x34: {  	[smem:$0x3FB8] =	sst s10  }
0x35: {  	s10 =	sld [smem:$0x3FB7];
	_ =	sdelay $0x3  }
0x36: {  	p1 =	seq.s32 s10, $0x1;
	s10 =	sld [smem:$0x3FB8];
	_ =	sdelay $0x3  }
0x37: {  	[smem:$0x3FB8] =	sst s10  }
0x38: {  	s10 =	sld [smem:$0x3FB9]  }
0x39: {  	_ = 	snop;
	(pc) =	sbr.ind lr, $3  }
0x3a: {  	_ = 	snop  }
0x3b: {  	_ = 	snop  }
0x3c: {  	p2 =	seq.s32 s10, $0x1;
	s10 =	sld [smem:$0x3FB8]  }
0x3d: {  	_ =	shalt  }
0x3e: {  	_ =	shalt  }
0x3f: {  	_ =	shalt  }
0x40: {  	_ =	shalt  }
0x41: {  	_ =	shalt  }
0x42: {  	_ =	shalt  }
0x43: {  	_ =	shalt  }
0x44: {  	_ =	shalt  }
0x45: {  	_ =	shalt  }
0x46: {  	_ =	shalt  }
0x47: {  	_ =	shalt  }
0x48: {  	_ =	shalt  }
0x49: {  	_ =	shalt  }
0x4a: {  	_ =	shalt  }
0x4b: {  	_ =	shalt  }
0x4c: {  	_ =	shalt  }
0x4d: {  	_ =	shalt  }
0x4e: {  	_ =	shalt  }
0x4f: {  	_ =	shalt  }
0x50: {  	_ =	shalt  }
0x51: {  	_ =	shalt  }
0x52: {  	_ =	shalt  }
0x53: {  	_ =	shalt  }
0x54: {  	_ =	shalt  }
0x55: {  	_ =	shalt  }
0x56: {  	_ =	shalt  }
0x57: {  	_ =	shalt  }
0x58: {  	_ =	shalt  }
0x59: {  	_ =	shalt  }
0x5a: {  	_ =	shalt  }
0x5b: {  	_ =	shalt  }
0x5c: {  	_ =	shalt  }
0x5d: {  	_ =	shalt  }
0x5e: {  	_ =	shalt  }
0x5f: {  	_ =	shalt  }
0x60: {  	_ =	shalt  }
0x61: {  	_ =	shalt  }
0x62: {  	_ =	shalt  }
0x63: {  	_ =	shalt  }
0x64: {  	_ =	shalt  }
0x65: {  	_ =	shalt  }
0x66: {  	_ =	shalt  }
0x67: {  	_ =	shalt  }
0x68: {  	_ =	shalt  }
0x69: {  	_ =	shalt  }
0x6a: {  	_ =	shalt  }
0x6b: {  	_ =	shalt  }
0x6c: {  	_ =	shalt  }
0x6d: {  	_ =	shalt  }
0x6e: {  	_ =	shalt  }
0x6f: {  	_ =	shalt  }
0x70: {  	_ =	shalt  }
0x71: {  	_ =	shalt  }
0x72: {  	_ =	shalt  }
0x73: {  	_ =	shalt  }
0x74: {  	_ =	shalt  }
0x75: {  	_ =	shalt  }
0x76: {  	_ =	shalt  }
0x77: {  	_ =	shalt  }
0x78: {  	_ =	shalt  }
0x79: {  	_ =	shalt  }
0x7a: {  	_ =	shalt  }
0x7b: {  	_ =	shalt  }
0x7c: {  	_ =	shalt  }
0x7d: {  	_ =	shalt  }
0x7e: {  	_ =	shalt  }
0x7f: {  	_ =	shalt  }
0x80: {  	_ =	shalt  }
0x81: {  	_ =	shalt  }
0x82: {  	_ =	shalt  }
0x83: {  	_ =	shalt  }
0x84: {  	_ =	shalt  }
0x85: {  	_ =	shalt  }
0x86: {  	_ =	shalt  }
0x87: {  	_ =	shalt  }
.Lfunc_end0:
.L_simem_size_0:
called_computation_lowered:
.L_overlay_start_0:
0x88: {  	s2 =	sld [smem:$0x3FD9]  }
0x89: {  	s3 =	sld [smem:$0x3FFE];
	_ =	sdelay $0x1  }
0x8a: {  	s1 =	srdreg.scid  }
0x8b: {  	s0 =	sand.u32 $0x1, s1  }
0x8c: {  	s14 =	sshll.u32 s0, $0xA;
	s2 =	sadd.s32 s3, s2  }
0x8d: {  	s2 =	sadd.s32 s2, s14  }
0x8e: {  	[smem:$0x3FC4] =	sst s2  }
0x8f: {  	_ = 	snop  }
0x90: {  	s2 =	sld [smem:$0x3FD0];
	_ =	sdelay $0x1  }
0x91: {  	s15 =	sld [smem:$0x3FC9]  }
0x92: {  	s5 =	simm.s32 $0xA;
	s6 =	simm.s32 $0x10;
	s4 =	sld [smem:$0x3FC6]  }
0x93: {  	[smem:s6], [sflag:s5] =	dma.local [hbm:s2], $0x1  }
0x94: {  	_ =	swait.eq [sflag:s5], $0x1  }
0x95: {  	[sflag:s5] =	ssyncset.done $0x0  }
0x96: {  	[sflag:s5] =	ssyncadd.s32 $0xFFFFFFFF  }
0x97: {  	s16 =	sld [smem:$0x11];
	(tm) =	ssettm $0x1  }
0x98: {  	s17 =	sld [smem:$0x3FFB];
	_ =	sdelay $0x3  }
0x99: {  	_ =	strace s17  }
0x9a: {  	s5 =	sld [smem:$0x3FFC];
	_ =	sdelay $0x3  }
0x9b: {  	_ =	strace s5  }
0x9c: {  	s5 =	sld [smem:$0x3FFD];
	_ =	sdelay $0x3  }
0x9d: {  	_ =	strace s5  }
0x9e: {  	_ =	strace $0x8FFFFFFF  }
0x9f: {  	s18 =	sld [smem:$0x3FDB];
	_ =	sdelay $0x1  }
0xa0: {  	s19 =	simm.s32 $_scs_section_size  }
0xa1: {  	s7 =	simm.s32 $_size__tile_overlayer_lowered;
	s8 =	simm.s32 $_tile_overlayer_lowered  }
0xa2: {  	s22 =	simm.s32 $0x1BFF;
	s21 =	sshll.u32 s8, $0x1;
	s5 =	sadd.s32 s19, s18  }
0xa3: {  	s9 =	simm.s32 $0x0;
	s20 =	sshll.u32 s7, $0x1;
	s7 =	sadd.s32 s21, s5  }
0xa4: {  	[timem:s9], [sflag:s22] =	dma.local [hbm:s7], s20  }
0xa5: {  	_ =	swait.ge [sflag:s22], s20  }
0xa6: {  	s6 =	ssub.s32 $0x0, s20;
	[sflag:s22] =	ssyncset.done $0x0  }
0xa7: {  	[sflag:s22] =	ssyncadd.s32 s6;
	_ =	sdelay $0x1  }
0xa8: {  	s23 =	simm.s32 $0x1B8B  }
0xa9: {  	_ =	swait.ge [sflag:s23], $0x1  }
0xaa: {  	[sflag:s23] =	ssyncset.done $0x0  }
0xab: {  	s25 =	simm.s32 $0x1B8E;
	s24 =	sld [smem:$0x3FFE];
	[sflag:s23] =	ssyncadd.s32 $0xFFFFFFFF  }
0xac: {  	s26 =	simm.s32 $execute0_lowered;
	[smem:$0x3FD2] =	sst s25  }
0xad: {  	s7 =	sshll.u32 s26, $0x1;
	_ =	strace $0x80000046;
	[dreg:$0x1] =	wrdreg $0xFFFFFFFF  }
0xae: {  	s28 =	simm.s32 $_size_execute0_lowered;
	s5 =	sadd.s32 s5, s7;
	[dreg:$0x0] =	wrdreg $0x0  }
0xaf: {  	s7 =	sshll.u32 s28, $0x1;
	[dreg:$0x2] =	wrdreg s5  }
0xb0: {  	[dreg:$0x3] =	wrdreg s7  }
0xb1: {  	[dreg:$0x4] =	wrdreg $0xC0  }
0xb2: {  	_ =	task [dreg:s9], $0x5FFFF  }
0xb3: {  	[dreg:$0x1] =	wrdreg $0xFFFFFFFF  }
0xb4: {  	[dreg:$0x0] =	wrdreg $0x60  }
0xb5: {  	[dreg:$0x2] =	wrdreg s15  }
0xb6: {  	[dreg:$0x3] =	wrdreg s24  }
0xb7: {  	[dreg:$0x4] =	wrdreg s4  }
0xb8: {  	[dreg:$0x5] =	wrdreg s16  }
0xb9: {  	[dreg:$0x6] =	wrdreg $0x9  }
0xba: {  	_ =	task.clear_ibuf [dreg:s9], $0x7FFFF;
	_ =	strace $0x90000046  }
0xbb: {  	s29 =	simm.s32 $0x9;
	_ =	strace $0x80000048  }
0xbc: {  	_ =	swait.ge [sflag:s29], $0x1  }
0xbd: {  	[sflag:s29] =	ssyncadd.s32 $0xFFFFFFFF  }
0xbe: {  	_ =	strace $0x90000048  }
0xbf: {  	_ =	sfence  }
0xc0: {  	s30 =	sld [smem:$0x0];
	_ =	sdelay $0x2  }
0xc1: {  	s31 =	sshll.u32 s1, $0xD;
	s1 =	sshrl.u32 s1, $0x2  }
0xc2: {  	s3 =	sand.u32 $0x4000, s31;
	s1 =	sadd.s32 s1, s30  }
0xc3: {  	s0 =	sor.u32 s3, s0;
	s1 =	sshll.u32 s1, $0x11  }
0xc4: {  	s0 =	sor.u32 s1, s0  }
0xc5: {  	s0 =	sadd.s32 $0x8F2B, s0  }
0xc6: {  	[sflag:s0] =	ssyncadd.remote.s32 $0x1  }
0xc7: {  	_ =	sfence.sel $0xFFFF  }
0xc8: {  	[dreg:$0x0] =	wrdreg $0xFFFFFFFF;
	(pc) =	sbr.abs _section_cstart, $3  }
0xc9: {  	[dreg:$0x1] =	wrdreg $0xFFFFFFFF  }
0xca: {  	_ =	task.clear_ibuf [dreg:s9], $0x2FFFF;
	_ =	strace $0x9FFFFFFF  }
0xcb: {  	(tm) =	ssettm $0x7FFFFFFF  }
tec
execute0_lowered:
.L_overlay_start_1:
0x0: {  	(tag) =	ssettag $0x1  }
0x1: {  	s0 =	rddreg [dreg:$0x0]  }
0x2: {  	s1 =	rddreg [dreg:$0x1]  }
0x3: {  	s3 =	srdreg.scid;
	s2 =	rddreg [dreg:$0x2]  }
0x4: {  	s6 =	stileid.u32;
	s5 =	rddreg [dreg:$0x3]  }
0x5: {  	s13 =	simm.s32 $0x2;
	s14 =	simm.s32 $0x3;
	s15 =	simm.s32 $0x64  }
0x6: {  	s19 =	simm.s32 $0x50;
	s22 =	simm.s32 $0xFC80;
	s28 =	simm.s32 $0x1  }
0x7: {  	s30 =	simm.s32 $0x4;
	s31 =	simm.s32 $0x5;
	s17 =	simm.s32 $0x0  }
0x8: {  	s4 =	sand.u32 $0x1, s3;
	s6 =	sshll.u32 s6, $0x8;
	s3 =	simm.s32 $0x0  }
0x9: {  	s7 =	sshll.u32 s4, $0x7;
	[smem:$0x7FF] =	sst s3;
	s4 =	ssub.s32 $0x2, s4  }
0xa: {  	s6 =	sor.u32 s7, s6;
	_ =	strace $0x80000047;
	s11 =	sshrl.u32 s4, $0x1  }
0xb: {  	s7 =	sshll.u32 s6, $0x3;
	s8 =	sshll.u32 s6, $0x2;
	s9 =	sadd.s32 s6, s1  }
0xc: {  	s10 =	sshll.u32 s6, $0x4;
	s6 =	sshrl.u32 s6, $0x3;
	s4 =	ssub.s32 s4, s11  }
0xd: {  	s11 =	simm.s32 $0x80;
	s7 =	sadd.s32 s7, s1;
	s8 =	sadd.s32 s8, s1  }
0xe: {  	s1 =	sadd.s32 s10, s1;
	s0 =	sadd.s32 s0, s6;
	s26 =	sadd.s32 s5, s10  }
.Ltmp0:
0xf: {  	s29 =	sadd.s32 $0xCC00, s9;
	[dreg:$0x5] =	wrdreg s0;
	(pc) =	sbr.rel .LBB2_1-.Ltmp0, $4  }
0x10: {  	s10 =	smax.u32 s4, $0x1;
	s6 =	simm.s32 $0x3080;
	[dreg:$0x8] =	wrdreg s26  }
0x11: {  	s24 =	sadd.s32 $0xC00, s7;
	s25 =	sadd.s32 $0x8C00, s8;
	[dreg:$0x9] =	wrdreg s29  }
0x12: {  	s9 =	sadd.s32 $0xDC00, s1;
	s26 =	simm.s32 $0x16080;
	[dreg:$0x6] =	wrdreg s24  }
0x13: {  	s0 =	simm.s32 $0x6;
	[dreg:$0x7] =	wrdreg s25;
	s24 =	simm.s32 $0x12E80  }
.LBB2_18:
0x14: {  	s1 =	rddreg [dreg:$0x9];
	s4 =	simm.s32 $0x18880  }
0x15: {  	[hbm4b:s1+s3] =	stream.linear.scatter [tilespmem:s4], [sflag:$0x6], $0x400, $0x38;
	[tilespmem:$0x1CC80] =	vst v63  }
0x16: {  	_ =	swait.ge [sflag:s0], $0x400  }
0x17: {  	[sflag:s0] =	ssyncset.done $0x0  }
0x18: {  	s29 =	simm.s32 $0x18C80;
	s17 =	sadd.s32 $0x1, s17;
	[sflag:s0] =	ssyncadd.s32 $0xFFFFFC00  }
0x19: {  	[hbm4b:s9+s3] =	stream.linear.scatter [tilespmem:s29], [sflag:$0x6], $0x4000, $0x38;
	[tilespmem:$0x1CC80] =	vst v63  }
0x1a: {  	p0 =	sne.s32 s17, s10;
	_ =	swait.ge [sflag:s0], $0x4000  }
.Ltmp1:
0x1b: {  	[sflag:s0] =	ssyncset.done $0x0;
	(pc) =	sbr.rel @!p0 .LBB2_19-.Ltmp1, $4  }
0x1c: {  	[sflag:s0] =	ssyncadd.s32 $0xFFFFC000  }
0x1d: {  	_ =	swait.ge [sflag:s28], $0x4000  }
0x1e: {  	[sflag:s28] =	ssyncset.done $0x0  }
0x1f: {  	s6 =	simm.s32 $0x3080;
	[sflag:s28] =	ssyncadd.s32 $0xFFFFC000  }
.LBB2_1:
0x20: {  	s1 =	rddreg [dreg:$0x5]  }
0x21: {  	[tilespmem:s3], [sflag:$0x1] =	stream.linear.gather [hbm4b:s1+s3], $0x80, $0x38;
	[tilespmem:$0x1CC80] =	vst v63  }
0x22: {  	s12 =	rddreg [dreg:$0x6]  }
0x23: {  	[tilespmem:s11], [sflag:$0x2] =	stream.linear.gather [hbm4b:s12+s3], $0x2000, $0x38;
	[tilespmem:$0x1CC80] =	vst v63  }
0x24: {  	s16 =	rddreg [dreg:$0x7];
	s4 =	simm.s32 $0x2080  }
0x25: {  	[tilespmem:s4], [sflag:$0x3] =	stream.linear.gather [hbm4b:s16+s3], $0x1000, $0x38;
	[tilespmem:$0x1CC80] =	vst v63  }
0x26: {  	_ =	swait.ge [sflag:s13], $0x2000  }
0x27: {  	[sflag:s13] =	ssyncset.done $0x0  }
0x28: {  	[sflag:s13] =	ssyncadd.s32 $0xFFFFE000  }
0x29: {  	_ =	swait.ge [sflag:s14], $0x1000  }
0x2a: {  	[sflag:s14] =	ssyncset.done $0x0  }
0x2b: {  	s18 =	simm.s32 $0x7080;
	[sflag:s14] =	ssyncadd.s32 $0xFFFFF000  }
0x2c: {  	[tilespmem:s18], [sflag:$0x2] =	stream.indirect.gather [hbm4b:s2+s15], $0x80, s11, s15, $0xb8;
	[tilespmem:$0x1CC80] =	vst v63  }
0x2d: {  	s20 =	simm.s32 $0x100;
	s5 =	simm.s32 $0xA280  }
0x2e: {  	[tilespmem:s5], [sflag:$0x2] =	stream.indirect.gather [hbm4b:s2+s15], $0x80, s20, s15, $0xb8;
	[tilespmem:$0x1CC80] =	vst v63  }
0x2f: {  	s21 =	simm.s32 $0xD480  }
0x30: {  	[tilespmem:s21], [sflag:$0x3] =	stream.indirect.gather [hbm4b:s2+s19], $0x80, s4, s19, $0xb8;
	[tilespmem:$0x1CC80] =	vst v63  }
0x31: {  	s23 =	simm.s32 $0x180  }
0x32: {  	[tilespmem:s22], [sflag:$0x4] =	stream.indirect.gather [hbm4b:s2+s15], $0x80, s23, s15, $0xb8;
	[tilespmem:$0x1CC80] =	vst v63  }
0x33: {  	s25 =	simm.s32 $0x200  }
0x34: {  	[tilespmem:s24], [sflag:$0x4] =	stream.indirect.gather [hbm4b:s2+s15], $0x80, s25, s15, $0xb8;
	[tilespmem:$0x1CC80] =	vst v63  }
0x35: {  	s29 =	simm.s32 $0x2100  }
0x36: {  	[tilespmem:s26], [sflag:$0x5] =	stream.indirect.gather [hbm4b:s2+s19], $0x80, s29, s19, $0xb8;
	[tilespmem:$0x1CC80] =	vst v63  }
0x37: {  	_ =	swait.ge [sflag:s28], $0x80  }
0x38: {  	[sflag:s28] =	ssyncset.done $0x0  }
0x39: {  	[sflag:s28] =	ssyncadd.s32 $0xFFFFFF80  }
0x3a: {  	[tilespmem:s6], [sflag:$0x1] =	stream.indirect.gather [hbm4b:s2+s11], $0x80, s3, s11, $0xb8;
	[tilespmem:$0x1CC80] =	vst v63  }
0x3b: {  	_ =	swait.ge [sflag:s28], $0x4000  }
0x3c: {  	[sflag:s28] =	ssyncset.done $0x0  }
0x3d: {  	s12 =	simm.s32 $0x3180;
	[sflag:s28] =	ssyncadd.s32 $0xFFFFC000  }
0x3e: {  	v15 =	vld [tilespmem:s12+$0x80]  }
0x3f: {  	v16 =	vld [tilespmem:s12+$0x90]  }
0x40: {  	v21 =	vld [tilespmem:s12+$0xA0]  }
0x41: {  	v17 =	vld [tilespmem:s12+$0xB0]  }
0x42: {  	v20 =	vld [tilespmem:s12+$0xC0]  }
0x43: {  	v14 =	vld [tilespmem:s12+$0xD0]  }
0x44: {  	v0 =	vld [tilespmem:s12+$0xFFFFFF90]  }
0x45: {  	v18 =	vld [tilespmem:s12+$0xE0]  }
0x46: {  	v13 =	vld [tilespmem:s12+$0xF0]  }
0x47: {  	v45 =	vld [tilespmem:s12+$0xFFFFFF10]  }
0x48: {  	v47 =	vld [tilespmem:s12+$0xFFFFFF20]  }
0x49: {  	v44 =	vld [tilespmem:s12+$0xFFFFFF80];
	[tilespmem:$0x1FF60] =	vst v0  }
0x4a: {  	v9 =	vld [tilespmem:s12+$0xFFFFFFA0];
	_ =	sdelay $0x4  }
0x4b: {  	[tilespmem:$0x1FF70] =	vst v9  }
0x4c: {  	v12 =	vld [tilespmem:s12+$0xFFFFFFB0];
	_ =	sdelay $0x4  }
0x4d: {  	[tilespmem:$0x1FF80] =	vst v12  }
0x4e: {  	v10 =	vld [tilespmem:s12+$0xFFFFFFC0];
	_ =	sdelay $0x4  }
0x4f: {  	[tilespmem:$0x1FF90] =	vst v10  }
0x50: {  	v11 =	vld [tilespmem:s12+$0xFFFFFFD0];
	_ =	sdelay $0x4  }
0x51: {  	[tilespmem:$0x1FFA0] =	vst v11  }
0x52: {  	v19 =	vld [tilespmem:s12+$0xFFFFFFE0];
	_ =	sdelay $0x4  }
0x53: {  	[tilespmem:$0x1FFB0] =	vst v19  }
0x54: {  	v22 =	vld [tilespmem:s12+$0xFFFFFFF0];
	_ =	sdelay $0x2  }
0x55: {  	v1 =	vmul.f32 v15, v15;
	v2 =	vmul.f32 v16, v16  }
0x56: {  	v3 =	vmul.f32 v21, v21;
	v4 =	vmul.f32 v17, v17  }
0x57: {  	v5 =	vmul.f32 v20, v20;
	v6 =	vmul.f32 v14, v14;
	[tilespmem:$0x1FFC0] =	vst v22  }
0x58: {  	v1 =	vadd.f32 v2, v1;
	v50 =	vld [tilespmem:s12+$0xFFFFFF30]  }
0x59: {  	v2 =	vadd.f32 v4, v3;
	v3 =	vadd.f32 v6, v5;
	v6 =	vmul.f32 v12, v12;
	v12 =	vld [tilespmem:s12+$0x10]  }
0x5a: {  	v48 =	vld [tilespmem:s12+$0xFFFFFF40]  }
0x5b: {  	v49 =	vld [tilespmem:s12+$0xFFFFFF50]  }
0x5c: {  	v51 =	vld [tilespmem:s12+$0xFFFFFF60]  }
0x5d: {  	v7 =	vmul.f32 v18, v18;
	v8 =	vmul.f32 v13, v13;
	v52 =	vld [tilespmem:s12+$0xFFFFFF70]  }
0x5e: {  	v46 =	vld [tilespmem:s12+$0x0];
	[tilespmem:$0x1FFD0] =	vst v12  }
0x5f: {  	v4 =	vadd.f32 v8, v7;
	v8 =	vmul.f32 v19, v19;
	v19 =	vld [tilespmem:s12+$0x20];
	_ =	sdelay $0x2  }
0x60: {  	v1 =	vadd.f32 v2, v1;
	v2 =	vadd.f32 v4, v3;
	_ =	sdelay $0x1  }
0x61: {  	v3 =	vmul.f32 v44, v44;
	v4 =	vmul.f32 v0, v0;
	v1 =	vadd.f32 v2, v1;
	[tilespmem:$0x1FFE0] =	vst v19  }
0x62: {  	v5 =	vmul.f32 v9, v9;
	v2 =	vmul.f32 v10, v10;
	v24 =	vld [tilespmem:s12+$0x30]  }
0x63: {  	(xrf2) =	vadd.scan.msk.f32 $0xffff, v1;
	v7 =	vmul.f32 v11, v11;
	v9 =	vmul.f32 v22, v22  }
0x64: {  	v1 =	vadd.f32 v4, v3;
	v3 =	vadd.f32 v6, v5  }
0x65: {  	v2 =	vadd.f32 v7, v2;
	v4 =	vadd.f32 v9, v8;
	_ =	sdelay $0x1  }
0x66: {  	v1 =	vadd.f32 v3, v1;
	v4 =	vadd.f32 v4, v2;
	[tilespmem:$0x1FFF0] =	vst v24  }
0x67: {  	v0 =	vld [tilespmem:s12+$0x40]  }
0x68: {  	v1 =	vadd.f32 v4, v1;
	v4 =	vmul.f32 v47, v47;
	v40 =	vld [tilespmem:s12+$0x50]  }
0x69: {  	v6 =	vmul.f32 v45, v45;
	v5 =	vmul.f32 v50, v50;
	v8 =	vld [tilespmem:s12+$0x60]  }
0x6a: {  	v7 =	vmul.f32 v48, v48;
	v9 =	vmul.f32 v49, v49;
	v43 =	vld [tilespmem:s12+$0xFFFFFF00]  }
0x6b: {  	v10 =	vmul.f32 v51, v51;
	v11 =	vmul.f32 v52, v52;
	v2 =	vld [tilespmem:s12+$0x70]  }
0x6c: {  	v12 =	vmul.f32 v12, v12;
	(xrf2) =	vadd.scan.msk.f32 $0xffff, v1;
	v22 =	vadd.f32 v5, v4;
	v5 =	vmul.f32 v46, v46;
	v4, _, _ =	vpop (xrf2)  }
0x6d: {  	s1 =	simm.s32 $0x3380;
	v7 =	vadd.f32 v9, v7;
	v25 =	vbroadcast v4, $0xF;
	v23 =	vmul.f32 v19, v19  }
0x6e: {  	v10 =	vadd.f32 v11, v10;
	v24 =	vmul.f32 v24, v24;
	v53 =	vld [tilespmem:s1+$0xF0];
	v26 =	vmul.f32 v0, v0  }
0x6f: {  	v27 =	vadd.f32 v12, v5;
	v1 =	vld [tilespmem:s1+$0x80];
	v12 =	vmul.f32 v40, v40;
	v11 =	vmul.f32 v43, v43  }
0x70: {  	v28 =	vshra.s32 v25, $0x1;
	v4 =	vld [tilespmem:s1+$0x90];
	v29 =	vmul.f32 v8, v8;
	v30 =	vmul.f32 v2, v2  }
0x71: {  	v9 =	vld [tilespmem:s1+$0xB0];
	v23 =	vadd.f32 v24, v23;
	v24 =	vsub.s32 $0x5F1FFFF9, v28;
	v6 =	vadd.f32 v6, v11  }
0x72: {  	v25 =	vmul.f32 v24, v25;
	v11 =	vld [tilespmem:s1+$0xC0];
	v26 =	vadd.f32 v12, v26;
	v28 =	vadd.f32 v30, v29  }
0x73: {  	v7 =	vadd.f32 v10, v7;
	v12 =	vld [tilespmem:s1+$0xD0];
	v30 =	vmul.f32 v53, v53;
	v6 =	vadd.f32 v22, v6  }
0x74: {  	v5 =	vld [tilespmem:s1+$0xA0];
	v22 =	vadd.f32 v23, v27;
	v23 =	vmul.f32 v24, v25;
	v25 =	vadd.f32 v28, v26  }
0x75: {  	v10 =	vld [tilespmem:s1+$0xE0];
	v24 =	vmul.f32 $7.039522520e-01, v24;
	v27 =	vmul.f32 v4, v4  }
0x76: {  	v26, _, _ =	vpop (xrf2);
	v6 =	vadd.f32 v7, v6;
	v22 =	vadd.f32 v25, v22;
	v25 =	vmul.f32 v9, v9  }
0x77: {  	v23 =	vsub.f32 $2.389244560e+00, v23;
	v7 =	vbroadcast v26, $0xF;
	v26 =	vmul.f32 v1, v1  }
0x78: {  	v28 =	vmul.f32 v11, v11;
	v29 =	vmul.f32 v12, v12  }
0x79: {  	(xrf2) =	vadd.scan.msk.f32 $0xffff, v6;
	v6 =	vmul.f32 v5, v5;
	v23 =	vmul.f32 v23, v24  }
0x7a: {  	(xrf2) =	vadd.scan.msk.f32 $0xffff, v22;
	v22 =	vmul.f32 v10, v10;
	v24 =	vadd.f32 v27, v26;
	v26 =	vadd.f32 v29, v28  }
0x7b: {  	v42 =	vld [tilespmem:s1+$0xFFFFFF20];
	v25 =	vadd.f32 v25, v6;
	v6 =	vshra.s32 v7, $0x1;
	v23 =	vmin.f32 v23, $1.000000000e+00  }
0x7c: {  	v19 =	vmovc v2;
	v2 =	vld [tilespmem:s1+$0xFFFFFF30];
	v22 =	vadd.f32 v30, v22;
	v36 =	vmul.f32 v23, v13;
	v38 =	vmul.f32 v23, v15  }
0x7d: {  	v27 =	vsub.s32 $0x5F1FFFF9, v6;
	v15 =	vld [tilespmem:s1+$0xFFFFFF50];
	v41 =	vmul.f32 v23, v16;
	v54 =	vmul.f32 v23, v21  }
0x7e: {  	v16 =	vld [tilespmem:s1+$0xFFFFFF60];
	v55 =	vmul.f32 v23, v17;
	v28 =	vmul.f32 v27, v7  }
0x7f: {  	v56 =	vmul.f32 v23, v20;
	v17 =	vld [tilespmem:s1+$0xFFFFFF70];
	v24 =	vadd.f32 v25, v24;
	v22 =	vadd.f32 v22, v26  }
0x80: {  	v58 =	vmul.f32 v23, v18;
	v18 =	vld [tilespmem:s1+$0xFFFFFFA0];
	v26 =	vmul.f32 v27, v28  }
0x81: {  	v57 =	vmul.f32 v23, v14;
	v23 =	vmul.f32 v42, v42;
	v7 =	vld [tilespmem:s1+$0xFFFFFF40];
	v22 =	vadd.f32 v22, v24  }
0x82: {  	v3 =	vld [tilespmem:s1+$0xFFFFFF80];
	v25 =	vmul.f32 $7.039522520e-01, v27;
	v21 =	vsub.f32 $2.389244560e+00, v26;
	v26 =	vmul.f32 v2, v2  }
0x83: {  	v13 =	vld [tilespmem:s1+$0xFFFFFF90];
	[tilespmem:$0x1FF50] =	vst v2;
	v29 =	vmul.f32 v15, v15;
	v61 =	vmul.f32 v16, v16;
	v20, _, _ =	vpop (xrf2);
	(xrf2) =	vadd.scan.msk.f32 $0xffff, v22  }
0x84: {  	v14 =	vld [tilespmem:s1+$0xFFFFFFC0];
	v62 =	vmul.f32 v17, v17;
	v24 =	vbroadcast v20, $0xF;
	v20, _, _ =	vpop (xrf2)  }
0x85: {  	v59 =	vmul.f32 v21, v25;
	v22 =	vld [tilespmem:s1+$0xFFFFFFB0];
	v25 =	vbroadcast v20, $0xF  }
0x86: {  	v34 =	vmul.f32 v18, v18;
	v30 =	vmul.f32 v7, v7;
	v21 =	vshra.s32 v24, $0x1  }
0x87: {  	v39 =	vadd.f32 v26, v23;
	v26 =	vld [tilespmem:s1+$0xFFFFFFE0];
	v27 =	vsub.s32 $0x5F1FFFF9, v21;
	v60 =	vshra.s32 v25, $0x1  }
0x88: {  	v23 =	vmul.f32 v3, v3;
	v60 =	vsub.s32 $0x5F1FFFF9, v60;
	v63 =	vmul.f32 v27, v24;
	v24 =	vld [tilespmem:s1+$0xFFFFFFD0]  }
0x89: {  	v33 =	vmul.f32 v14, v14;
	v28 =	vmul.f32 v60, v25;
	v25 =	vld [tilespmem:s1+$0xFFFFFFF0]  }
0x8a: {  	v35 =	vmul.f32 v22, v22;
	v21 =	vmovc v3;
	v3 =	vadd.f32 v29, v30;
	v29 =	vmul.f32 v13, v13  }
0x8b: {  	v61 =	vadd.f32 v62, v61;
	v2 =	vmul.f32 $7.039522520e-01, v27;
	v30 =	vmul.f32 v27, v63  }
0x8c: {  	v32 =	vmul.f32 v26, v26;
	v62 =	vadd.f32 v35, v34;
	v37 =	vadd.f32 v29, v23  }
0x8d: {  	v29 =	vmul.f32 v60, v28;
	v34 =	vsub.f32 $2.389244560e+00, v30;
	v27, _, _ =	vpop (xrf2);
	v30 =	vmul.f32 v24, v24  }
0x8e: {  	[tilespmem:s12+$0x90] =	vst v41;
	v41 =	vmin.f32 v59, $1.000000000e+00;
	v63 =	vbroadcast v27, $0xF;
	v31 =	vmul.f32 v25, v25  }
0x8f: {  	[tilespmem:s12+$0xF0] =	vst v36;
	v60 =	vmul.f32 $7.039522520e-01, v60;
	v35 =	vsub.f32 $2.389244560e+00, v29;
	v29 =	vld [tilespmem:s1+$0x20];
	v34 =	vmul.f32 v34, v2  }
0x90: {  	[tilespmem:s12+$0x80] =	vst v38;
	v36 =	vadd.f32 v30, v33;
	v30 =	vld [tilespmem:s1+$0x30];
	v33 =	vshra.s32 v63, $0x1;
	v32 =	vadd.f32 v31, v32  }
0x91: {  	[tilespmem:s12+$0xA0] =	vst v54;
	v37 =	vadd.f32 v62, v37;
	v2 =	vmul.f32 v35, v60;
	v31 =	vld [tilespmem:s1+$0x60];
	v38 =	vsub.s32 $0x5F1FFFF9, v33  }
0x92: {  	[tilespmem:s12+$0xB0] =	vst v55;
	v59 =	vmin.f32 v34, $1.000000000e+00;
	v60 =	vmul.f32 v38, v63;
	v36 =	vadd.f32 v32, v36;
	v32 =	vld [tilespmem:s1+$0x70]  }
0x93: {  	[tilespmem:s12+$0xC0] =	vst v56;
	v44 =	vmul.f32 v41, v44;
	v43 =	vmul.f32 v59, v43  }
0x94: {  	[tilespmem:s12+$0xD0] =	vst v57;
	v45 =	vmul.f32 v59, v45;
	v54 =	vmul.f32 v38, v60;
	v37 =	vadd.f32 v36, v37  }
0x95: {  	[tilespmem:s12+$0xE0] =	vst v58;
	v3 =	vadd.f32 v61, v3;
	v60 =	vmul.f32 v29, v29;
	v61 =	vmul.f32 v30, v30  }
0x96: {  	[tilespmem:s12+$0xFFFFFF80] =	vst v44;
	v56 =	vmul.f32 v59, v50;
	(xrf2) =	vadd.scan.msk.f32 $0xffff, v37;
	v37 =	vmul.f32 v59, v47  }
0x97: {  	[tilespmem:s12+$0xFFFFFF00] =	vst v43;
	v36 =	vadd.f32 v61, v60;
	v47 =	vmul.f32 v31, v31;
	v60 =	vmul.f32 v32, v32  }
0x98: {  	[tilespmem:s12+$0xFFFFFF10] =	vst v45  }
0x99: {  	[tilespmem:s12+$0xFFFFFF30] =	vst v56;
	v47 =	vadd.f32 v60, v47;
	v60 =	vmul.f32 v59, v48  }
0x9a: {  	v28 =	vld [tilespmem:s1+$0x10];
	[tilespmem:s12+$0xFFFFFF20] =	vst v37  }
0x9b: {  	v27 =	vld [tilespmem:s1+$0x0];
	[tilespmem:s12+$0xFFFFFF40] =	vst v60  }
0x9c: {  	v38 =	vmul.f32 $7.039522520e-01, v38;
	v61 =	vsub.f32 $2.389244560e+00, v54;
	v6 =	vld [tilespmem:$0x1FF60]  }
0x9d: {  	v34 =	vld [tilespmem:s1+$0x50]  }
0x9e: {  	v33 =	vld [tilespmem:s1+$0x40];
	v58 =	vmul.f32 v61, v38;
	v61 =	vmul.f32 v59, v49  }
0x9f: {  	v23 =	vld [tilespmem:s1+$0xFFFFFF10]  }
0xa0: {  	v35 =	vld [tilespmem:s1+$0xFFFFFF00];
	v63 =	vmul.f32 v28, v28;
	[tilespmem:s12+$0xFFFFFF50] =	vst v61  }
0xa1: {  	v62 =	vmul.f32 v27, v27;
	v60 =	vmul.f32 v41, v6;
	v6 =	vld [tilespmem:$0x1FF70];
	_ =	sdelay $0x1  }
0xa2: {  	v55 =	vadd.f32 v63, v62;
	v63 =	vmul.f32 v34, v34;
	v62 =	vmul.f32 v33, v33;
	_ =	sdelay $0x1  }
0xa3: {  	v44 =	vadd.f32 v63, v62;
	v62 =	vmul.f32 v23, v23  }
0xa4: {  	v63 =	vmul.f32 v35, v35;
	v61 =	vmul.f32 v41, v6;
	v6 =	vld [tilespmem:$0x1FF80];
	_ =	sdelay $0x1  }
0xa5: {  	v57 =	vadd.f32 v62, v63;
	v62 =	vmul.f32 v59, v51  }
0xa6: {  	v63 =	vmul.f32 v59, v52  }
0xa7: {  	[tilespmem:s12+$0xFFFFFF60] =	vst v62  }
0xa8: {  	v54 =	vmul.f32 v41, v6;
	v6 =	vld [tilespmem:$0x1FF90];
	[tilespmem:s12+$0xFFFFFF70] =	vst v63  }
0xa9: {  	v39 =	vadd.f32 v39, v57;
	v57 =	vmin.f32 v2, $1.000000000e+00;
	v2 =	vld [tilespmem:$0x1FFA0];
	_ =	sdelay $0x3  }
0xaa: {  	v49 =	vmin.f32 v58, $1.000000000e+00  }
0xab: {  	v62 =	vmul.f32 v49, v53;
	v53 =	vmul.f32 v41, v2;
	v2 =	vld [tilespmem:$0x1FFB0];
	_ =	sdelay $0x2  }
0xac: {  	v36 =	vadd.f32 v36, v55;
	v43 =	vadd.f32 v47, v44  }
0xad: {  	v3 =	vadd.f32 v3, v39;
	[tilespmem:s1+$0xF0] =	vst v62  }
0xae: {  	v58 =	vmul.f32 v41, v6;
	v6 =	vld [tilespmem:$0x1FFC0];
	[tilespmem:s12+$0xFFFFFF90] =	vst v60;
	v50 =	vmul.f32 v41, v2;
	v2 =	vadd.f32 v43, v36  }
0xaf: {  	v63, _, _ =	vpop (xrf2);
	(xrf2) =	vadd.scan.msk.f32 $0xffff, v3;
	v3 =	vld [tilespmem:$0x1FFD0];
	[tilespmem:s12+$0xFFFFFFA0] =	vst v61  }
0xb0: {  	(xrf2) =	vadd.scan.msk.f32 $0xffff, v2;
	v2 =	vld [tilespmem:$0x1FFE0];
	_ =	sdelay $0x4  }
0xb1: {  	v47 =	vmul.f32 v57, v2;
	v2 =	vld [tilespmem:$0x1FFF0];
	_ =	sdelay $0x2  }
0xb2: {  	v46 =	vmul.f32 v57, v46  }
0xb3: {  	v48 =	vmul.f32 v41, v6;
	v41 =	vbroadcast v63, $0xF  }
0xb4: {  	s5 =	simm.s32 $0x3580;
	s4 =	simm.s32 $0x4;
	v45 =	vmul.f32 v57, v3;
	v44 =	vmul.f32 v57, v2  }
.LBB2_2:
0xb5: {  	v52 =	vmul.f32 v57, v0;
	v0 =	vmov v24;
	_ =	sdelay $0x2  }
0xb6: {  	[tilespmem:$0x1FEF0] =	vst v0;
	v0 =	vmov v26  }
0xb7: {  	[tilespmem:s12+$0xFFFFFFD0] =	vst v53  }
0xb8: {  	[tilespmem:s12+$0xFFFFFFE0] =	vst v50  }
0xb9: {  	[tilespmem:$0x1FF00] =	vst v0;
	v0 =	vmov v27  }
0xba: {  	[tilespmem:s12+$0x10] =	vst v45  }
0xbb: {  	[tilespmem:s12+$0x20] =	vst v47  }
0xbc: {  	v51 =	vld [tilespmem:s5+$0x80];
	[tilespmem:$0x1FF10] =	vst v0;
	v0 =	vmov v28  }
0xbd: {  	v55 =	vmul.f32 v57, v40;
	v24 =	vld [tilespmem:s5+$0x90];
	v37 =	vshra.s32 v41, $0x1;
	[tilespmem:s12+$0xFFFFFFB0] =	vst v54  }
0xbe: {  	v56 =	vmul.f32 v57, v8;
	v57 =	vmul.f32 v57, v19;
	v36 =	vld [tilespmem:s5+$0xE0];
	[tilespmem:s12+$0xFFFFFFC0] =	vst v58;
	v2 =	vsub.s32 $0x5F1FFFF9, v37  }
0xbf: {  	v60 =	vmul.f32 v49, v12;
	v43 =	vld [tilespmem:s5+$0xF0];
	v3 =	vmul.f32 v2, v41;
	[tilespmem:$0x1FF20] =	vst v0;
	v0 =	vmov v29  }
0xc0: {  	v20 =	vmovc v13;
	v13 =	vmov v31;
	v31 =	vmul.f32 v49, v10;
	[tilespmem:s12+$0xFFFFFFF0] =	vst v48;
	v58 =	vmul.f32 v49, v11;
	v26 =	vld [tilespmem:s5+$0xA0]  }
0xc1: {  	[tilespmem:s12+$0x0] =	vst v46;
	v54 =	vmul.f32 $7.039522520e-01, v2;
	v37 =	vmovc v14;
	v14 =	vmovc v18;
	v18 =	vmov v33;
	v33 =	vld [tilespmem:s5+$0xD0];
	v2 =	vmul.f32 v2, v3  }
0xc2: {  	v41 =	vmov v25;
	v25 =	vld [tilespmem:s5+$0xB0];
	[tilespmem:$0x1FF30] =	vst v0;
	v0 =	vmov v30;
	v30 =	vmul.f32 v49, v5;
	v5, _, _ =	vpop (xrf2)  }
0xc3: {  	[tilespmem:s12+$0x30] =	vst v44;
	v27 =	vmul.f32 v49, v1;
	v1 =	vmovc v51;
	v2 =	vsub.f32 $2.389244560e+00, v2;
	v29 =	vld [tilespmem:s5+$0xC0];
	v59 =	vbroadcast v5, $0xF  }
0xc4: {  	[tilespmem:s12+$0x60] =	vst v56;
	v56 =	vmul.f32 v43, v43;
	v39 =	vmul.f32 v51, v1  }
0xc5: {  	[tilespmem:s12+$0x40] =	vst v52;
	v28 =	vmul.f32 v49, v4;
	v2 =	vmul.f32 v2, v54;
	v54 =	vld [tilespmem:s5+$0xFFFFFF30];
	v10 =	vshra.s32 v59, $0x1  }
0xc6: {  	v4 =	vmovc v24;
	v12 =	vmov v33;
	[tilespmem:$0x1FF40] =	vst v0;
	v0 =	vmov v34;
	v34 =	vmul.f32 v49, v9;
	v49 =	vld [tilespmem:s5+$0xFFFFFF20]  }
0xc7: {  	v45 =	vld [tilespmem:s5+$0xFFFFFF40];
	[tilespmem:s12+$0x50] =	vst v55;
	v24 =	vmul.f32 v24, v4;
	v33 =	vmul.f32 v33, v12;
	v5 =	vmovc v26;
	v9 =	vmov v25  }
0xc8: {  	v47 =	vld [tilespmem:s5+$0xFFFFFF60];
	v11 =	vmovc v29;
	v26 =	vmul.f32 v26, v5;
	v61 =	vsub.s32 $0x5F1FFFF9, v10;
	v25 =	vmul.f32 v25, v9;
	v10 =	vmovc v36  }
0xc9: {  	v46 =	vld [tilespmem:s5+$0xFFFFFF50];
	[tilespmem:s12+$0x70] =	vst v57;
	s12 =	smov.u32 s1;
	v29 =	vmul.f32 v29, v11;
	v40 =	vmul.f32 v36, v10  }
0xca: {  	v48 =	vld [tilespmem:s5+$0xFFFFFF70];
	v24 =	vadd.f32 v24, v39;
	[tilespmem:s12+$0x90] =	vst v28;
	v28 =	vmul.f32 v54, v54;
	v25 =	vadd.f32 v25, v26  }
0xcb: {  	v52 =	vld [tilespmem:s5+$0xFFFFFFB0];
	[tilespmem:s12+$0x80] =	vst v27;
	v38, _, _ =	vpop (xrf2);
	v27 =	vadd.f32 v33, v29;
	v26 =	vmul.f32 v49, v49;
	v29 =	vadd.f32 v56, v40  }
0xcc: {  	v19 =	vmovc v32;
	v57 =	vld [tilespmem:s5+$0xFFFFFF80];
	v44 =	vmin.f32 v2, $1.000000000e+00;
	v32 =	vbroadcast v38, $0xF;
	v24 =	vadd.f32 v25, v24  }
0xcd: {  	v55 =	vld [tilespmem:s5+$0xFFFFFFA0];
	[tilespmem:s12+$0xA0] =	vst v30;
	v30 =	vmul.f32 v45, v45;
	v63 =	vadd.f32 v28, v26;
	v25 =	vadd.f32 v29, v27  }
0xce: {  	v51 =	vld [tilespmem:s5+$0xFFFFFF90];
	v26 =	vshra.s32 v32, $0x1;
	v28 =	vmul.f32 v47, v47;
	v27 =	vmul.f32 v46, v46  }
0xcf: {  	v56 =	vld [tilespmem:s5+$0xFFFFFFC0];
	v33 =	vsub.s32 $0x5F1FFFF9, v26;
	v26 =	vmul.f32 v48, v48;
	v25 =	vadd.f32 v25, v24  }
0xd0: {  	v8 =	vmov v42;
	v39 =	vmul.f32 v52, v52;
	v42 =	vmul.f32 v44, v21;
	v24 =	vld [tilespmem:s5+$0xFFFFFFD0]  }
0xd1: {  	v29 =	vmul.f32 v61, v59;
	v27 =	vadd.f32 v27, v30;
	v28 =	vadd.f32 v26, v28;
	v26 =	vld [tilespmem:s5+$0xFFFFFFE0];
	(xrf2) =	vadd.scan.msk.f32 $0xffff, v25  }
0xd2: {  	[tilespmem:s12+$0xE0] =	vst v31;
	v38 =	vmul.f32 v55, v55;
	v31 =	vmul.f32 v33, v32;
	v25 =	vld [tilespmem:s5+$0xFFFFFFF0]  }
0xd3: {  	[tilespmem:s12+$0xC0] =	vst v58;
	v36 =	vmul.f32 v51, v51;
	v29 =	vmul.f32 v61, v29;
	v58 =	vadd.f32 v28, v27;
	v27 =	vld [tilespmem:s5+$0x0]  }
0xd4: {  	[tilespmem:s12+$0xB0] =	vst v34;
	v34 =	vadd.f32 v39, v38;
	v30 =	vmul.f32 v57, v57;
	v31 =	vmul.f32 v33, v31;
	v28 =	vld [tilespmem:s5+$0x10]  }
0xd5: {  	v53 =	vmovc v35;
	[tilespmem:s12+$0xD0] =	vst v60;
	v35 =	vmul.f32 $7.039522520e-01, v61;
	v3 =	vmul.f32 $7.039522520e-01, v33;
	v60 =	vsub.f32 $2.389244560e+00, v29;
	v29 =	vld [tilespmem:s5+$0x20]  }
0xd6: {  	v40 =	vmul.f32 v56, v56;
	v32 =	vadd.f32 v36, v30;
	v30 =	vld [tilespmem:s5+$0x30];
	v2 =	vsub.f32 $2.389244560e+00, v31  }
0xd7: {  	v33 =	vld [tilespmem:s5+$0x40];
	v35 =	vmul.f32 v60, v35;
	v61 =	vmul.f32 v26, v26  }
0xd8: {  	v38 =	vadd.f32 v34, v32;
	v34 =	vld [tilespmem:s5+$0x50];
	v31 =	vmul.f32 v24, v24;
	v2 =	vmul.f32 v2, v3  }
0xd9: {  	v32 =	vld [tilespmem:s5+$0x70];
	v36 =	vmul.f32 v25, v25;
	v39 =	vmul.f32 v27, v27  }
0xda: {  	v59 =	vadd.f32 v31, v40;
	v31 =	vld [tilespmem:s5+$0x60];
	v60 =	vmul.f32 v28, v28;
	v3 =	vmul.f32 v29, v29  }
0xdb: {  	v40 =	vmin.f32 v35, $1.000000000e+00;
	v6 =	vmul.f32 v30, v30;
	v36 =	vadd.f32 v36, v61;
	v61, _, _ =	vpop (xrf2)  }
0xdc: {  	v50 =	vld [tilespmem:s5+$0xFFFFFF10];
	v21 =	vmovc v57;
	v57 =	vmin.f32 v2, $1.000000000e+00;
	v39 =	vadd.f32 v60, v39;
	v60 =	vbroadcast v61, $0xF  }
0xdd: {  	v35 =	vld [tilespmem:s5+$0xFFFFFF00];
	v2 =	vmul.f32 v34, v34;
	v3 =	vadd.f32 v6, v3;
	v36 =	vadd.f32 v36, v59  }
0xde: {  	[tilespmem:s12+$0xFFFFFF80] =	vst v42;
	v42 =	vmul.f32 v32, v32;
	v61 =	vmul.f32 v33, v33;
	v6 =	vshra.s32 v60, $0x1  }
0xdf: {  	v36 =	vadd.f32 v36, v38;
	v38 =	vmul.f32 v31, v31;
	v6 =	vsub.s32 $0x5F1FFFF9, v6  }
0xe0: {  	v59 =	vmul.f32 v6, v60  }
0xe1: {  	v62 =	vmul.f32 v50, v50;
	v2 =	vadd.f32 v2, v61;
	v38 =	vadd.f32 v42, v38  }
0xe2: {  	v3 =	vadd.f32 v3, v39;
	v60 =	vmul.f32 v35, v35;
	v39 =	vmul.f32 v6, v59  }
0xe3: {  	v2 =	vadd.f32 v38, v2  }
0xe4: {  	v61 =	vadd.f32 v62, v60;
	v6 =	vmul.f32 $7.039522520e-01, v6;
	v60 =	vsub.f32 $2.389244560e+00, v39;
	_ =	sdelay $0x1  }
0xe5: {  	v2 =	vadd.f32 v2, v3;
	v3 =	vmul.f32 v60, v6;
	v6 =	vmul.f32 v40, v16  }
0xe6: {  	(xrf2) =	vadd.scan.msk.f32 $0xffff, v36;
	v36 =	vmul.f32 v40, v8;
	v8 =	vmov v13;
	v13 =	vld [tilespmem:$0x1FF50]  }
0xe7: {  	[tilespmem:s12+$0xFFFFFF60] =	vst v6;
	v6 =	vld [tilespmem:$0x1FEF0];
	_ =	sdelay $0x2  }
0xe8: {  	v53 =	vmul.f32 v40, v53;
	_ =	sdelay $0x1  }
0xe9: {  	[tilespmem:s12+$0xFFFFFF00] =	vst v53;
	v62 =	vmul.f32 v40, v13;
	v61 =	vadd.f32 v63, v61;
	v53 =	vmul.f32 v44, v6;
	v6 =	vld [tilespmem:$0x1FF00];
	_ =	sdelay $0x1  }
0xea: {  	[tilespmem:s12+$0xFFFFFF30] =	vst v62;
	v62 =	vadd.f32 v58, v61;
	_ =	sdelay $0x1  }
0xeb: {  	(xrf2) =	vadd.scan.msk.f32 $0xffff, v62  }
0xec: {  	v42 =	vmul.f32 v40, v23;
	v23 =	vmov v50;
	v50 =	vmul.f32 v44, v6;
	v6, _, _ =	vpop (xrf2);
	(xrf2) =	vadd.scan.msk.f32 $0xffff, v2;
	v2 =	vld [tilespmem:$0x1FF20];
	_ =	sdelay $0x3  }
0xed: {  	v13 =	vmov v54  }
0xee: {  	[tilespmem:$0x1FF50] =	vst v13;
	v13 =	vmul.f32 v40, v7;
	v7 =	vmov v45;
	v45 =	vmul.f32 v57, v2;
	v2 =	vld [tilespmem:$0x1FF30];
	_ =	sdelay $0x1  }
0xef: {  	[tilespmem:s12+$0xFFFFFF40] =	vst v13;
	v13 =	vmul.f32 v40, v17  }
0xf0: {  	v15 =	vmul.f32 v40, v15;
	[tilespmem:s12+$0xFFFFFF10] =	vst v42  }
0xf1: {  	s4 =	sadd.s32 $0x4, s4;
	[tilespmem:s12+$0xFFFFFF70] =	vst v13;
	v13 =	vld [tilespmem:$0x1FF10]  }
0xf2: {  	p0 =	slt.u32 s4, $0x7C;
	v42 =	vmovc v49;
	v63 =	vmul.f32 v44, v20;
	v16 =	vmovc v47;
	v49 =	vmin.f32 v3, $1.000000000e+00;
	v47 =	vmul.f32 v57, v2;
	v2 =	vld [tilespmem:$0x1FF40]  }
.Ltmp2:
0xf3: {  	[tilespmem:s12+$0xFFFFFF50] =	vst v15;
	v3 =	vmul.f32 v44, v14;
	v14 =	vmul.f32 v49, v43;
	(pc) =	sbr.rel @p0 .LBB2_2-.Ltmp2, $4  }
0xf4: {  	v15 =	vmov v46;
	[tilespmem:s12+$0xFFFFFF20] =	vst v36  }
0xf5: {  	v54 =	vmul.f32 v44, v22;
	v22 =	vmovc v52;
	v40 =	vmov v0;
	v58 =	vmul.f32 v44, v37;
	[tilespmem:s12+$0xFFFFFF90] =	vst v63  }
0xf6: {  	v0 =	vmovc v18;
	v17 =	vmov v48;
	v48 =	vmul.f32 v44, v41;
	[tilespmem:s12+$0xFFFFFFA0] =	vst v3;
	v46 =	vmul.f32 v57, v13  }
0xf7: {  	s1 =	smov.u32 s5;
	v18 =	vmovc v55;
	[tilespmem:s5+$0xF0] =	vst v14;
	s5 =	sadd.s32 $0x200, s5;
	v13 =	vmovc v51;
	v14 =	vmov v56;
	v41 =	vbroadcast v6, $0xF;
	v44 =	vmul.f32 v57, v2  }
0xf8: {  	[tilespmem:s12+$0xFFFFFFB0] =	vst v54  }
0xf9: {  	[tilespmem:s12+$0xFFFFFFC0] =	vst v58  }
0xfa: {  	[tilespmem:s12+$0xFFFFFFD0] =	vst v53  }
0xfb: {  	[tilespmem:s12+$0xFFFFFFE0] =	vst v50  }
0xfc: {  	[tilespmem:s12+$0xFFFFFFF0] =	vst v48  }
0xfd: {  	v2, _, _ =	vpop (xrf2);
	[tilespmem:s12+$0x0] =	vst v46  }
0xfe: {  	[tilespmem:s12+$0x10] =	vst v45;
	v2 =	vbroadcast v2, $0xF  }
0xff: {  	v6 =	vmul.f32 v57, v0;
	[tilespmem:s12+$0x20] =	vst v47;
	v3 =	vshra.s32 v41, $0x1  }
0x100: {  	v36 =	vmul.f32 v57, v40;
	[tilespmem:s12+$0x30] =	vst v44;
	v3 =	vsub.s32 $0x5F1FFFF9, v3;
	v37 =	vshra.s32 v2, $0x1  }
0x101: {  	v8 =	vmul.f32 v57, v8;
	[tilespmem:s12+$0x40] =	vst v6;
	v38 =	vmul.f32 v3, v41;
	v37 =	vsub.s32 $0x5F1FFFF9, v37  }
0x102: {  	v58 =	vmul.f32 v57, v19;
	[tilespmem:s12+$0x50] =	vst v36;
	v2 =	vmul.f32 v37, v2  }
0x103: {  	v1 =	vmul.f32 v49, v1;
	[tilespmem:s12+$0x60] =	vst v8;
	v59 =	vmul.f32 v3, v38  }
0x104: {  	v4 =	vmul.f32 v49, v4;
	[tilespmem:s12+$0x70] =	vst v58;
	v2 =	vmul.f32 v37, v2  }
0x105: {  	v5 =	vmul.f32 v49, v5;
	[tilespmem:s1+$0x80] =	vst v1;
	v3 =	vmul.f32 $7.039522520e-01, v3;
	v60 =	vsub.f32 $2.389244560e+00, v59  }
0x106: {  	v61 =	vmul.f32 v49, v9;
	[tilespmem:s1+$0x90] =	vst v4;
	v62 =	vmul.f32 $7.039522520e-01, v37;
	v2 =	vsub.f32 $2.389244560e+00, v2  }
0x107: {  	v63 =	vmul.f32 v49, v11;
	[tilespmem:s1+$0xA0] =	vst v5;
	v3 =	vmul.f32 v60, v3  }
0x108: {  	v19 =	vmul.f32 v49, v12;
	[tilespmem:s1+$0xB0] =	vst v61;
	v20 =	vmul.f32 v2, v62  }
0x109: {  	v36 =	vmul.f32 v49, v10;
	[tilespmem:s1+$0xC0] =	vst v63;
	v3 =	vmin.f32 v3, $1.000000000e+00  }
0x10a: {  	[tilespmem:s1+$0xD0] =	vst v19;
	v37 =	vmul.f32 v3, v21;
	v1 =	vmin.f32 v20, $1.000000000e+00  }
0x10b: {  	[tilespmem:s1+$0xE0] =	vst v36;
	v38 =	vmul.f32 v1, v35  }
0x10c: {  	v39, _, _ =	vpop (xrf2);
	[tilespmem:s1+$0xFFFFFF80] =	vst v37;
	v40 =	vmul.f32 v1, v23  }
0x10d: {  	v5 =	vbroadcast v39, $0xF;
	v41 =	vmul.f32 v1, v42;
	[tilespmem:s1+$0xFFFFFF00] =	vst v38  }
0x10e: {  	v45 =	vmul.f32 v1, v7;
	v42 =	vld [tilespmem:$0x1FF50];
	[tilespmem:s1+$0xFFFFFF10] =	vst v40  }
0x10f: {  	v44 =	vshra.s32 v5, $0x1;
	v46 =	vmul.f32 v1, v15;
	[tilespmem:s1+$0xFFFFFF20] =	vst v41  }
0x110: {  	v4 =	vsub.s32 $0x5F1FFFF9, v44;
	v47 =	vmul.f32 v1, v16;
	[tilespmem:s1+$0xFFFFFF40] =	vst v45  }
0x111: {  	v5 =	vmul.f32 v4, v5;
	v49 =	vmul.f32 v3, v13;
	[tilespmem:s1+$0xFFFFFF50] =	vst v46  }
0x112: {  	v50 =	vmul.f32 v3, v18;
	[tilespmem:s1+$0xFFFFFF60] =	vst v47  }
0x113: {  	v48 =	vmul.f32 v4, v5;
	v53 =	vmul.f32 v3, v22;
	[tilespmem:s1+$0xFFFFFF90] =	vst v49  }
0x114: {  	v52 =	vmul.f32 $7.039522520e-01, v4;
	v54 =	vmul.f32 v3, v14;
	[tilespmem:s1+$0xFFFFFFA0] =	vst v50  }
0x115: {  	v51 =	vsub.f32 $2.389244560e+00, v48;
	[tilespmem:s1+$0xFFFFFFB0] =	vst v53;
	v43 =	vmul.f32 v1, v42;
	v1 =	vmul.f32 v1, v17  }
0x116: {  	v55 =	vmul.f32 v3, v24;
	[tilespmem:s1+$0xFFFFFFC0] =	vst v54  }
0x117: {  	v56 =	vmul.f32 v3, v26;
	[tilespmem:s1+$0xFFFFFF70] =	vst v1;
	v1 =	vmul.f32 v51, v52  }
0x118: {  	v3 =	vmul.f32 v3, v25;
	[tilespmem:s1+$0xFFFFFFD0] =	vst v55  }
0x119: {  	[tilespmem:s1+$0xFFFFFFE0] =	vst v56;
	v1 =	vmin.f32 v1, $1.000000000e+00  }
0x11a: {  	[tilespmem:s1+$0xFFFFFFF0] =	vst v3;
	v57 =	vmul.f32 v1, v27  }
0x11b: {  	[tilespmem:s1+$0xFFFFFF30] =	vst v43;
	v58 =	vmul.f32 v1, v28  }
0x11c: {  	v59 =	vmul.f32 v1, v29;
	[tilespmem:s1+$0x0] =	vst v57  }
0x11d: {  	v60 =	vmul.f32 v1, v30;
	[tilespmem:s1+$0x10] =	vst v58  }
0x11e: {  	v61 =	vmul.f32 v1, v33;
	[tilespmem:s1+$0x20] =	vst v59  }
0x11f: {  	v62 =	vmul.f32 v1, v34;
	[tilespmem:s1+$0x30] =	vst v60  }
0x120: {  	v63 =	vmul.f32 v1, v31;
	[tilespmem:s1+$0x40] =	vst v61  }
0x121: {  	v1 =	vmul.f32 v1, v32;
	[tilespmem:s1+$0x50] =	vst v62  }
0x122: {  	[tilespmem:s1+$0x60] =	vst v63  }
0x123: {  	[tilespmem:s1+$0x70] =	vst v1  }
0x124: {  	s20 =	simm.s32 $0x0;
	s1 =	rddreg [dreg:$0x8]  }
0x125: {  	[hbm4b:s1+s20] =	stream.linear.scatter [tilespmem:s6], [sflag:$0x1], $0x4000, $0x38;
	[tilespmem:$0x1CC80] =	vst v63  }
.LBB2_4:
0x126: {  	_ =	swait.ge [sflag:s13], $0x3200  }
0x127: {  	[sflag:s13] =	ssyncset.done $0x0  }
0x128: {  	[sflag:s13] =	ssyncadd.s32 $0xFFFFCE00  }
0x129: {  	_ =	swait.ge [sflag:s13], $0x3200  }
0x12a: {  	[sflag:s13] =	ssyncset.done $0x0  }
0x12b: {  	[sflag:s13] =	ssyncadd.s32 $0xFFFFCE00  }
0x12c: {  	s1 =	sshll.u32 s20, $0x8;
	s23 =	sshll.u32 s20, $0x3;
	_ =	swait.ge [sflag:s14], $0x2800  }
0x12d: {  	s25 =	simm.s32 $0x71C0;
	s16 =	simm.s32 $0x0;
	[sflag:s14] =	ssyncset.done $0x0  }
0x12e: {  	s21 =	sand.u32 $0xE00, s1;
	s1 =	simm.s32 $0xD580;
	[sflag:s14] =	ssyncadd.s32 $0xFFFFD800  }
.LBB2_5:
0x12f: {  	v1 =	vld [tilespmem:s25+$0x30]  }
0x130: {  	v2 =	vld [tilespmem:s25+$0x20]  }
0x131: {  	v3 =	vld [tilespmem:s25+$0x10]  }
0x132: {  	v4 =	vld [tilespmem:s25+$0x0]  }
0x133: {  	v36 =	vld [tilespmem:s25+$0xFFFFFFB0]  }
0x134: {  	v15 =	vld [tilespmem:s25+$0xFFFFFFA0]  }
0x135: {  	v5 =	vld [tilespmem:s25+$0xFFFFFF90]  }
0x136: {  	v12 =	vld [tilespmem:s25+$0xFFFFFF80]  }
0x137: {  	v11 =	vld [tilespmem:s25+$0xFFFFFF60]  }
0x138: {  	v6 =	vld [tilespmem:s25+$0xFFFFFEC0]  }
0x139: {  	v7 =	vld [tilespmem:s25+$0xFFFFFF30]  }
0x13a: {  	v39 =	vld [tilespmem:s25+$0xFFFFFF20]  }
0x13b: {  	v41 =	vld [tilespmem:s25+$0xFFFFFF00]  }
0x13c: {  	v8 =	vld [tilespmem:s25+$0xFFFFFF10]  }
0x13d: {  	v38 =	vld [tilespmem:s25+$0xFFFFFEF0];
	v13 =	vmul.f32 v3, v3  }
0x13e: {  	v9 =	vld [tilespmem:s25+$0xFFFFFEE0];
	v14 =	vmul.f32 v4, v4;
	v16 =	vmul.f32 v15, v15  }
0x13f: {  	v17 =	vld [tilespmem:s25+$0xFFFFFED0];
	v18 =	vmul.f32 v5, v5;
	v19 =	vmul.f32 v12, v12  }
0x140: {  	v10 =	vld [tilespmem:s25+$0xFFFFFF70];
	v23 =	vmul.f32 v39, v39;
	v22 =	vmul.f32 v41, v41  }
0x141: {  	v40 =	vld [tilespmem:s25+$0xFFFFFF40];
	v24 =	vmul.f32 v8, v8;
	v25 =	vmul.f32 v6, v6  }
0x142: {  	v37 =	vld [tilespmem:s25+$0xFFFFFF50];
	v27 =	vmul.f32 v38, v38;
	v28 =	vmul.f32 v36, v36  }
0x143: {  	v21 =	vld [tilespmem:s25+$0xFFFFFFF0];
	v26 =	vadd.f32 v13, v14;
	v13 =	vmul.f32 v9, v9;
	v14 =	vmul.f32 v7, v7  }
0x144: {  	v32 =	vld [tilespmem:s25+$0xFFFFFFE0];
	v19 =	vadd.f32 v18, v19;
	v18 =	vmul.f32 v17, v17;
	v24 =	vadd.f32 v24, v22  }
0x145: {  	v34 =	vld [tilespmem:s25+$0xFFFFFFC0];
	v20 =	vmul.f32 v11, v11;
	v16 =	vadd.f32 v28, v16;
	v14 =	vadd.f32 v14, v23  }
0x146: {  	v22 =	vld [tilespmem:s25+$0xFFFFFFD0];
	v28 =	vmul.f32 v40, v40;
	v18 =	vadd.f32 v18, v25;
	v25 =	vadd.f32 v27, v13  }
0x147: {  	v23 =	vmul.f32 v37, v37;
	v27 =	vmul.f32 v10, v10;
	v13 =	vld [tilespmem:s25+$0xB0];
	v16 =	vadd.f32 v16, v19  }
0x148: {  	v29 =	vmul.f32 v2, v2;
	v24 =	vadd.f32 v14, v24;
	v14 =	vld [tilespmem:s25+$0xA0];
	v25 =	vadd.f32 v25, v18  }
0x149: {  	v30 =	vmul.f32 v21, v21;
	v27 =	vadd.f32 v27, v20;
	v23 =	vadd.f32 v23, v28;
	v20 =	vld [tilespmem:s25+$0x90]  }
0x14a: {  	v19 =	vmul.f32 v1, v1;
	v28 =	vmul.f32 v32, v32;
	v18 =	vld [tilespmem:s25+$0x80];
	v25 =	vadd.f32 v24, v25  }
0x14b: {  	v33 =	vmul.f32 v34, v34;
	v31 =	vmul.f32 v22, v22;
	v24 =	vld [tilespmem:s25+$0x70];
	v23 =	vadd.f32 v27, v23  }
0x14c: {  	v28 =	vadd.f32 v30, v28;
	v30 =	vld [tilespmem:s25+$0x60];
	(xrf2) =	vadd.scan.msk.f32 $0xffff, v25;
	v25 =	vadd.f32 v19, v29  }
0x14d: {  	v27 =	vld [tilespmem:s25+$0x50];
	v29 =	vadd.f32 v31, v33;
	v16 =	vadd.f32 v16, v23  }
0x14e: {  	v19 =	vld [tilespmem:s25+$0x40]  }
0x14f: {  	v23 =	vadd.f32 v28, v29;
	v25 =	vadd.f32 v25, v26;
	(xrf2) =	vadd.scan.msk.f32 $0xffff, v16  }
0x150: {  	v31 =	vmul.f32 v20, v20;
	v55 =	vmul.f32 v18, v18;
	v16 =	vld [tilespmem:s25+$0x130]  }
0x151: {  	v28 =	vmul.f32 v13, v13;
	v29 =	vmul.f32 v14, v14;
	v26 =	vld [tilespmem:s25+$0x120];
	v23 =	vadd.f32 v25, v23  }
0x152: {  	v35 =	vmul.f32 v30, v30;
	v42 =	vmul.f32 v24, v24;
	v33 =	vadd.f32 v31, v55;
	v31 =	vld [tilespmem:s25+$0x100]  }
0x153: {  	v44 =	vmul.f32 v27, v27;
	v25 =	vld [tilespmem:s25+$0x110];
	v43 =	vmul.f32 v19, v19;
	(xrf2) =	vadd.scan.msk.f32 $0xffff, v23  }
0x154: {  	v29 =	vadd.f32 v28, v29;
	v28 =	vld [tilespmem:s25+$0xE0]  }
0x155: {  	v35 =	vadd.f32 v42, v35;
	v23 =	vld [tilespmem:s25+$0xF0];
	v43 =	vadd.f32 v44, v43  }
0x156: {  	v57 =	vadd.f32 v29, v33;
	v33 =	vld [tilespmem:s25+$0xD0];
	v56, _, _ =	vpop (xrf2)  }
0x157: {  	v29 =	vld [tilespmem:s25+$0xC0];
	v58 =	vmul.f32 v16, v16;
	v35 =	vadd.f32 v35, v43;
	v42 =	vbroadcast v56, $0xF  }
0x158: {  	v45 =	vmul.f32 v26, v26;
	v47 =	vmul.f32 v31, v31  }
0x159: {  	v46 =	vmul.f32 v25, v25;
	v35 =	vadd.f32 v57, v35;
	v49, _, _ =	vpop (xrf2);
	v59 =	vshra.s32 v42, $0x1  }
0x15a: {  	v62 =	vmul.f32 v28, v28;
	v60 =	vbroadcast v49, $0xF;
	v43 =	vsub.s32 $0x5F1FFFF9, v59  }
0x15b: {  	v44 =	vadd.f32 v58, v45;
	v48 =	vmul.f32 v23, v23;
	(xrf2) =	vadd.scan.msk.f32 $0xffff, v35;
	v61 =	vmul.f32 v43, v42  }
0x15c: {  	v63 =	vmul.f32 v33, v33;
	v50 =	vmul.f32 v29, v29;
	v54 =	vshra.s32 v60, $0x1  }
0x15d: {  	v46 =	vadd.f32 v46, v47;
	v51, _, _ =	vpop (xrf2);
	v47 =	vsub.s32 $0x5F1FFFF9, v54;
	v35 =	vmul.f32 v43, v61  }
0x15e: {  	v49 =	vadd.f32 v63, v50;
	v55 =	vbroadcast v51, $0xF;
	v45 =	vmul.f32 v47, v60  }
0x15f: {  	v44 =	vadd.f32 v44, v46;
	v42 =	vadd.f32 v48, v62;
	v43 =	vmul.f32 $7.039522520e-01, v43  }
0x160: {  	v35 =	vsub.f32 $2.389244560e+00, v35;
	v56 =	vshra.s32 v55, $0x1;
	v45 =	vmul.f32 v47, v45  }
0x161: {  	v42 =	vadd.f32 v42, v49;
	v47 =	vmul.f32 $7.039522520e-01, v47;
	v46 =	vsub.s32 $0x5F1FFFF9, v56  }
0x162: {  	v35 =	vmul.f32 v35, v43;
	v57 =	vmul.f32 v46, v55;
	v45 =	vsub.f32 $2.389244560e+00, v45  }
0x163: {  	s4 =	sadd.s32 s23, s16;
	v44 =	vadd.f32 v44, v42;
	v51 =	vmul.f32 $7.039522520e-01, v46  }
0x164: {  	s12 =	sshll.u32 s4, $0x7;
	v48 =	vmin.f32 v35, $1.000000000e+00;
	v43 =	vmul.f32 v46, v57;
	v45 =	vmul.f32 v45, v47  }
0x165: {  	v58, _, _ =	vpop (xrf2);
	v41 =	vmul.f32 v48, v41;
	v59 =	vmul.f32 v48, v6;
	v6 =	vld [tilespmem:s12+$0x3090]  }
0x166: {  	(xrf2) =	vadd.scan.msk.f32 $0xffff, v44;
	v42 =	vbroadcast v58, $0xF;
	v39 =	vmul.f32 v48, v39  }
0x167: {  	v60 =	vmul.f32 v48, v7;
	v61 =	vmul.f32 v48, v8  }
0x168: {  	v35 =	vimm.f32 $0.0e+00;
	v49 =	vmul.f32 v48, v38;
	v63 =	vmul.f32 v48, v9  }
0x169: {  	v0 =	vld [tilespmem:s12+$0x3080];
	v47 =	vmul.f32 v48, v17;
	v43 =	vsub.f32 $2.389244560e+00, v43;
	v53 =	vadd.f32 v41, v35  }
0x16a: {  	v45 =	vmin.f32 v45, $1.000000000e+00;
	v55 =	vadd.f32 v59, v35;
	v46 =	vadd.f32 v39, v35;
	[tilespmem:$0x1FED0] =	vst v6;
	v6 =	vld [tilespmem:s12+$0x30A0]  }
0x16b: {  	v9 =	vld [tilespmem:s12+$0x30B0];
	v62 =	vshra.s32 v42, $0x1;
	v41 =	vadd.f32 v61, v35;
	v50 =	vmul.f32 v45, v40  }
0x16c: {  	v17 =	vld [tilespmem:s12+$0x30F0];
	v56 =	vmul.f32 v45, v11;
	v39 =	vadd.f32 v63, v35;
	v38 =	vmul.f32 v45, v37  }
0x16d: {  	v11 =	vld [tilespmem:s12+$0x30C0];
	v52 =	vadd.f32 v60, v35;
	v36 =	vmul.f32 v45, v36;
	v54 =	vmul.f32 v43, v51  }
0x16e: {  	v40 =	vsub.s32 $0x5F1FFFF9, v62;
	v43 =	vmul.f32 v45, v12;
	v12 =	vld [tilespmem:s12+$0x30D0];
	v51 =	vmul.f32 v45, v15  }
0x16f: {  	s18 =	simm.s32 $0x0;
	s5 =	smov.u32 s25;
	s29 =	sor.u32 $0x10, s12;
	v15 =	vld [tilespmem:s12+$0x30E0];
	v37 =	vmul.f32 $7.039522520e-01, v40;
	v44 =	vadd.f32 v56, v39;
	v39 =	vimm.f32 $0.0e+00;
	[tilespmem:$0x1FEE0] =	vst v6  }
.LBB2_6:
0x170: {  	s18 =	sadd.s32 $0x5, s18;
	v48 =	vadd.f32 v50, v55;
	v5 =	vmul.f32 v45, v5;
	v50 =	vmin.f32 v54, $1.000000000e+00;
	s5 =	sadd.s32 $0x280, s5;
	v54, _, _ =	vpop (xrf2)  }
0x171: {  	v35 =	vadd.f32 v49, v35;
	v10 =	vmul.f32 v45, v10;
	v45 =	vadd.f32 v51, v46;
	p0 =	slt.u32 s18, $0x2D  }
0x172: {  	v43 =	vadd.f32 v43, v53;
	v36 =	vadd.f32 v36, v52;
	v46 =	vbroadcast v54, $0xF  }
0x173: {  	v32 =	vmul.f32 v50, v32;
	v10 =	vadd.f32 v10, v35;
	v35 =	vmul.f32 v40, v42  }
0x174: {  	v39 =	vadd.f32 v47, v39;
	v34 =	vmul.f32 v50, v34;
	v4 =	vmul.f32 v50, v4  }
0x175: {  	v21 =	vmul.f32 v50, v21;
	v32 =	vadd.f32 v32, v44;
	v42 =	vshra.s32 v46, $0x1  }
0x176: {  	v3 =	vmul.f32 v50, v3;
	v43 =	vadd.f32 v4, v43;
	v4 =	vmul.f32 v40, v35  }
0x177: {  	v22 =	vmul.f32 v50, v22;
	v35 =	vadd.f32 v38, v39;
	v38 =	vsub.s32 $0x5F1FFFF9, v42  }
0x178: {  	v2 =	vmul.f32 v50, v2;
	v21 =	vadd.f32 v21, v10;
	v10 =	vmul.f32 v38, v46  }
0x179: {  	v22 =	vadd.f32 v22, v35;
	v35 =	vmul.f32 v50, v1;
	v4 =	vsub.f32 $2.389244560e+00, v4  }
0x17a: {  	v5 =	vadd.f32 v5, v41;
	v39 =	vadd.f32 v2, v45;
	v10 =	vmul.f32 v38, v10  }
0x17b: {  	v34 =	vadd.f32 v34, v48;
	v35 =	vadd.f32 v35, v36;
	v4 =	vmul.f32 v4, v37;
	v1 =	vld [tilespmem:s5+$0x30]  }
0x17c: {  	v41 =	vadd.f32 v3, v5;
	v5 =	vmul.f32 $7.039522520e-01, v38;
	v10 =	vsub.f32 $2.389244560e+00, v10;
	v2 =	vld [tilespmem:s5+$0x20]  }
0x17d: {  	v44 =	vmin.f32 v4, $1.000000000e+00;
	v3 =	vld [tilespmem:s5+$0x10]  }
0x17e: {  	v30 =	vmul.f32 v44, v30;
	v40 =	vmul.f32 v10, v5;
	v4 =	vld [tilespmem:s5+$0x0]  }
0x17f: {  	v24 =	vmul.f32 v44, v24;
	v20 =	vmul.f32 v44, v20;
	v36 =	vld [tilespmem:s5+$0xFFFFFFB0]  }
0x180: {  	v10 =	vmul.f32 v44, v27;
	v13 =	vmul.f32 v44, v13;
	v27 =	vadd.f32 v30, v32;
	v37 =	vld [tilespmem:s5+$0xFFFFFFA0]  }
0x181: {  	v14 =	vmul.f32 v44, v14;
	v5 =	vld [tilespmem:s5+$0xFFFFFF90];
	v30 =	vmul.f32 v2, v2  }
0x182: {  	v18 =	vmul.f32 v44, v18;
	v22 =	vadd.f32 v10, v22;
	v38 =	vld [tilespmem:s5+$0xFFFFFF80];
	v32 =	vmul.f32 v3, v3  }
0x183: {  	v13 =	vadd.f32 v13, v35;
	v35 =	vmin.f32 v40, $1.000000000e+00;
	v10 =	vld [tilespmem:s5+$0xFFFFFF70];
	v45 =	vmul.f32 v4, v4  }
0x184: {  	v20 =	vadd.f32 v20, v41;
	v14 =	vadd.f32 v14, v39;
	v31 =	vmul.f32 v35, v31;
	v40 =	vld [tilespmem:s5+$0xFFFFFF60]  }
0x185: {  	v26 =	vmul.f32 v35, v26;
	v42 =	vld [tilespmem:s5+$0xFFFFFEC0];
	v57 =	vmul.f32 v37, v37;
	v58 =	vadd.f32 v32, v45  }
0x186: {  	v19 =	vmul.f32 v44, v19;
	v18 =	vadd.f32 v18, v43;
	v41 =	vld [tilespmem:s5+$0xFFFFFF30];
	v32 =	vmul.f32 v5, v5  }
0x187: {  	v21 =	vadd.f32 v24, v21;
	v24 =	vmul.f32 v35, v25;
	v45 =	vld [tilespmem:s5+$0xFFFFFF20];
	v39 =	vmul.f32 v38, v38  }
0x188: {  	v19 =	vadd.f32 v19, v34;
	v25 =	vmul.f32 v35, v33;
	v28 =	vmul.f32 v35, v28;
	v46 =	vld [tilespmem:s5+$0xFFFFFF10]  }
0x189: {  	v23 =	vmul.f32 v35, v23;
	v53 =	vld [tilespmem:s5+$0xFFFFFF00];
	v33 =	vmul.f32 v40, v40;
	v59 =	vadd.f32 v32, v39  }
0x18a: {  	v43 =	vadd.f32 v28, v27;
	v50 =	vadd.f32 v26, v14;
	v14 =	vmul.f32 v35, v16;
	v49 =	vld [tilespmem:s5+$0xFFFFFEF0]  }
0x18b: {  	v16 =	vmul.f32 v35, v29;
	v35 =	vadd.f32 v23, v21;
	v52 =	vadd.f32 v24, v20;
	v51 =	vld [tilespmem:s5+$0xFFFFFEE0]  }
0x18c: {  	v47 =	vadd.f32 v14, v13;
	v39 =	vadd.f32 v25, v22;
	v44 =	vld [tilespmem:s5+$0xFFFFFED0];
	v20 =	vmul.f32 v45, v45  }
0x18d: {  	v56 =	vadd.f32 v31, v18;
	v55 =	vadd.f32 v16, v19;
	v48 =	vld [tilespmem:s5+$0xFFFFFF50]  }
0x18e: {  	v14 =	vmul.f32 v46, v46;
	v13 =	vmul.f32 v53, v53;
	v54 =	vld [tilespmem:s5+$0xFFFFFF40]  }
0x18f: {  	v18 =	vmul.f32 v36, v36;
	v16 =	vmul.f32 v42, v42;
	v21 =	vld [tilespmem:s5+$0xFFFFFFF0]  }
0x190: {  	v23 =	vmul.f32 v41, v41;
	v19 =	vmul.f32 v51, v51;
	v14 =	vadd.f32 v14, v13;
	v32 =	vld [tilespmem:s5+$0xFFFFFFE0]  }
0x191: {  	v18 =	vadd.f32 v18, v57;
	v24 =	vmul.f32 v49, v49;
	v13 =	vmul.f32 v44, v44;
	v22 =	vld [tilespmem:s5+$0xFFFFFFD0]  }
0x192: {  	v25 =	vmul.f32 v10, v10;
	v20 =	vadd.f32 v23, v20;
	v23 =	vmul.f32 v48, v48;
	v34 =	vld [tilespmem:s5+$0xFFFFFFC0]  }
0x193: {  	v19 =	vadd.f32 v24, v19;
	v16 =	vadd.f32 v13, v16;
	v24 =	vmul.f32 v54, v54;
	v13 =	vld [tilespmem:s5+$0xB0]  }
0x194: {  	v25 =	vadd.f32 v25, v33;
	v26 =	vadd.f32 v20, v14;
	v27 =	vmul.f32 v21, v21;
	v14 =	vld [tilespmem:s5+$0xA0]  }
0x195: {  	v16 =	vadd.f32 v19, v16;
	v19 =	vadd.f32 v23, v24;
	v23 =	vmul.f32 v32, v32;
	v20 =	vld [tilespmem:s5+$0x90]  }
0x196: {  	v31 =	vmul.f32 v1, v1;
	v28 =	vadd.f32 v18, v59;
	v29 =	vmul.f32 v22, v22;
	v18 =	vld [tilespmem:s5+$0x80]  }
0x197: {  	v16 =	vadd.f32 v26, v16;
	v19 =	vadd.f32 v25, v19;
	v25 =	vmul.f32 v34, v34;
	v24 =	vld [tilespmem:s5+$0x70]  }
0x198: {  	v23 =	vadd.f32 v27, v23;
	v26 =	vadd.f32 v31, v30;
	v30 =	vld [tilespmem:s5+$0x60];
	v31 =	vmul.f32 v13, v13  }
0x199: {  	v28 =	vadd.f32 v28, v19;
	v25 =	vadd.f32 v29, v25;
	v27 =	vld [tilespmem:s5+$0x50];
	v29 =	vmul.f32 v14, v14;
	(xrf2) =	vadd.scan.msk.f32 $0xffff, v16  }
0x19a: {  	v19 =	vld [tilespmem:s5+$0x40];
	v16 =	vmul.f32 v20, v20  }
0x19b: {  	v23 =	vadd.f32 v23, v25;
	v25 =	vadd.f32 v26, v58;
	v26 =	vmul.f32 v18, v18  }
0x19c: {  	v29 =	vadd.f32 v31, v29;
	(xrf2) =	vadd.scan.msk.f32 $0xffff, v28  }
0x19d: {  	v23 =	vadd.f32 v25, v23;
	v33 =	vadd.f32 v16, v26;
	v16 =	vld [tilespmem:s5+$0x130]  }
0x19e: {  	v57 =	vmul.f32 v24, v24;
	v28 =	vmul.f32 v30, v30;
	v26 =	vld [tilespmem:s5+$0x120]  }
0x19f: {  	v59 =	vmul.f32 v27, v27;
	v58 =	vmul.f32 v19, v19;
	v25 =	vld [tilespmem:s5+$0x110];
	(xrf2) =	vadd.scan.msk.f32 $0xffff, v23  }
0x1a0: {  	v31 =	vld [tilespmem:s5+$0x100]  }
0x1a1: {  	v57 =	vadd.f32 v57, v28;
	v58 =	vadd.f32 v59, v58;
	v23 =	vld [tilespmem:s5+$0xF0]  }
0x1a2: {  	v28 =	vld [tilespmem:s5+$0xE0];
	_ =	sdelay $0x1  }
0x1a3: {  	v59 =	vmul.f32 v16, v16;
	v57 =	vadd.f32 v57, v58;
	v58 =	vadd.f32 v29, v33  }
0x1a4: {  	v33 =	vld [tilespmem:s5+$0xD0];
	v7 =	vmul.f32 v26, v26;
	v29, _, _ =	vpop (xrf2)  }
0x1a5: {  	v61 =	vbroadcast v29, $0xF;
	v29 =	vld [tilespmem:s5+$0xC0];
	v62 =	vmul.f32 v25, v25;
	v57 =	vadd.f32 v58, v57  }
0x1a6: {  	v58 =	vmul.f32 v31, v31;
	v59 =	vadd.f32 v59, v7;
	v7 =	vmul.f32 v28, v28  }
0x1a7: {  	v63 =	vshra.s32 v61, $0x1;
	v6 =	vmul.f32 v23, v23;
	v60, _, _ =	vpop (xrf2)  }
0x1a8: {  	v63 =	vsub.s32 $0x5F1FFFF9, v63;
	v60 =	vbroadcast v60, $0xF;
	(xrf2) =	vadd.scan.msk.f32 $0xffff, v57  }
0x1a9: {  	v58 =	vadd.f32 v62, v58;
	v57 =	vmul.f32 v63, v61;
	v61 =	vmul.f32 v33, v33  }
0x1aa: {  	v62 =	vshra.s32 v60, $0x1;
	v8 =	vmul.f32 v29, v29;
	v6 =	vadd.f32 v6, v7;
	v7, _, _ =	vpop (xrf2)  }
0x1ab: {  	v57 =	vmul.f32 v63, v57;
	v62 =	vsub.s32 $0x5F1FFFF9, v62;
	v7 =	vbroadcast v7, $0xF  }
0x1ac: {  	v58 =	vadd.f32 v59, v58;
	v60 =	vmul.f32 v62, v60;
	v8 =	vadd.f32 v61, v8  }
0x1ad: {  	v59 =	vmul.f32 $7.039522520e-01, v63;
	v57 =	vsub.f32 $2.389244560e+00, v57;
	v61 =	vshra.s32 v7, $0x1  }
0x1ae: {  	v60 =	vmul.f32 v62, v60;
	v6 =	vadd.f32 v6, v8;
	v61 =	vsub.s32 $0x5F1FFFF9, v61  }
0x1af: {  	v8 =	vmul.f32 v57, v59;
	v7 =	vmul.f32 v61, v7  }
0x1b0: {  	v57 =	vmul.f32 $7.039522520e-01, v62;
	v60 =	vsub.f32 $2.389244560e+00, v60;
	v6 =	vadd.f32 v58, v6  }
0x1b1: {  	v8 =	vmin.f32 v8, $1.000000000e+00;
	v58 =	vmul.f32 $7.039522520e-01, v61;
	v7 =	vmul.f32 v61, v7  }
0x1b2: {  	v53 =	vmul.f32 v8, v53;
	v57 =	vmul.f32 v60, v57;
	v59, _, _ =	vpop (xrf2);
	(xrf2) =	vadd.scan.msk.f32 $0xffff, v6  }
0x1b3: {  	v6 =	vmul.f32 v8, v42;
	v7 =	vsub.f32 $2.389244560e+00, v7;
	v42 =	vbroadcast v59, $0xF  }
0x1b4: {  	v53 =	vadd.f32 v53, v56;
	v56 =	vmul.f32 v8, v45;
	v59 =	vmul.f32 v8, v41  }
0x1b5: {  	v45 =	vmin.f32 v57, $1.000000000e+00;
	v55 =	vadd.f32 v6, v55;
	v6 =	vmul.f32 v8, v46  }
0x1b6: {  	v49 =	vmul.f32 v8, v49;
	v46 =	vadd.f32 v56, v50;
	v56 =	vshra.s32 v42, $0x1  }
.Ltmp3:
0x1b7: {  	v51 =	vmul.f32 v8, v51;
	v50 =	vmul.f32 v45, v54;
	v41 =	vadd.f32 v6, v52;
	(pc) =	sbr.rel @p0 .LBB2_6-.Ltmp3, $4  }
0x1b8: {  	v54 =	vmul.f32 v7, v58;
	v6 =	vmul.f32 v45, v40;
	v40 =	vsub.s32 $0x5F1FFFF9, v56  }
0x1b9: {  	v7 =	vadd.f32 v51, v43;
	v43 =	vmul.f32 v45, v38;
	v51 =	vmul.f32 v45, v37  }
0x1ba: {  	v38 =	vmul.f32 v45, v48;
	v52 =	vadd.f32 v59, v47;
	v37 =	vmul.f32 $7.039522520e-01, v40  }
0x1bb: {  	v36 =	vmul.f32 v45, v36;
	v47 =	vmul.f32 v8, v44;
	v44 =	vadd.f32 v6, v7  }
0x1bc: {  	v6 =	vadd.f32 v50, v55;
	v5 =	vmul.f32 v45, v5;
	v7 =	vmin.f32 v54, $1.000000000e+00  }
0x1bd: {  	v8, _, _ =	vpop (xrf2);
	v35 =	vadd.f32 v49, v35;
	v10 =	vmul.f32 v45, v10;
	v51 =	vadd.f32 v51, v46  }
0x1be: {  	v43 =	vadd.f32 v43, v53;
	v54 =	vmul.f32 v40, v42;
	v8 =	vbroadcast v8, $0xF  }
0x1bf: {  	v36 =	vadd.f32 v36, v52;
	v32 =	vmul.f32 v7, v32;
	v34 =	vmul.f32 v7, v34  }
0x1c0: {  	v39 =	vadd.f32 v47, v39;
	v4 =	vmul.f32 v7, v4;
	v21 =	vmul.f32 v7, v21  }
0x1c1: {  	v3 =	vmul.f32 v7, v3;
	v10 =	vadd.f32 v10, v35;
	v35 =	vmul.f32 v40, v54  }
0x1c2: {  	v2 =	vmul.f32 v7, v2;
	v1 =	vmul.f32 v7, v1;
	v5 =	vadd.f32 v5, v41  }
0x1c3: {  	v32 =	vadd.f32 v32, v44;
	v55 =	vshra.s32 v8, $0x1;
	v35 =	vsub.f32 $2.389244560e+00, v35  }
0x1c4: {  	v4 =	vadd.f32 v4, v43;
	v38 =	vadd.f32 v38, v39;
	v56 =	vsub.s32 $0x5F1FFFF9, v55  }
0x1c5: {  	v10 =	vadd.f32 v21, v10;
	v8 =	vmul.f32 v56, v8;
	v21 =	vmul.f32 v35, v37  }
0x1c6: {  	v22 =	vmul.f32 v7, v22;
	v2 =	vadd.f32 v2, v51;
	v6 =	vadd.f32 v34, v6  }
0x1c7: {  	v1 =	vadd.f32 v1, v36;
	v8 =	vmul.f32 v56, v8;
	v21 =	vmin.f32 v21, $1.000000000e+00  }
0x1c8: {  	v3 =	vadd.f32 v3, v5;
	v7 =	vmul.f32 $7.039522520e-01, v56;
	v30 =	vmul.f32 v21, v30  }
0x1c9: {  	v8 =	vsub.f32 $2.389244560e+00, v8;
	v5 =	vmul.f32 v21, v27;
	v13 =	vmul.f32 v21, v13  }
0x1ca: {  	v22 =	vadd.f32 v22, v38;
	v20 =	vmul.f32 v21, v20;
	v14 =	vmul.f32 v21, v14  }
0x1cb: {  	v7 =	vmul.f32 v8, v7;
	v8 =	vmul.f32 v21, v24;
	v24 =	vadd.f32 v30, v32  }
0x1cc: {  	v18 =	vmul.f32 v21, v18;
	v5 =	vadd.f32 v5, v22;
	v1 =	vadd.f32 v13, v1  }
0x1cd: {  	v3 =	vadd.f32 v20, v3;
	v2 =	vadd.f32 v14, v2;
	v7 =	vmin.f32 v7, $1.000000000e+00  }
0x1ce: {  	v14 =	vmul.f32 v21, v19;
	v4 =	vadd.f32 v18, v4;
	v13 =	vmul.f32 v7, v26  }
0x1cf: {  	v57 =	vld [tilespmem:$0x1FED0];
	v8 =	vadd.f32 v8, v10;
	v10 =	vmul.f32 v7, v25;
	v18 =	vmul.f32 v7, v28  }
0x1d0: {  	v58 =	vld [tilespmem:$0x1FEE0];
	v6 =	vadd.f32 v14, v6;
	v14 =	vmul.f32 v7, v33;
	v19 =	vmul.f32 v7, v29  }
0x1d1: {  	v20 =	vmul.f32 v7, v23;
	v18 =	vadd.f32 v18, v24;
	v2 =	vadd.f32 v13, v2  }
0x1d2: {  	v13 =	vmul.f32 v7, v31;
	v5 =	vadd.f32 v14, v5;
	v6 =	vadd.f32 v19, v6  }
0x1d3: {  	v7 =	vmul.f32 v7, v16;
	v8 =	vadd.f32 v20, v8;
	v3 =	vadd.f32 v10, v3  }
0x1d4: {  	v4 =	vadd.f32 v13, v4;
	v6 =	vmul.f32 v6, v0;
	v5 =	vmul.f32 v5, v57  }
0x1d5: {  	v1 =	vadd.f32 v7, v1;
	v7 =	vmul.f32 v18, v58;
	v8 =	vmul.f32 v8, v9  }
0x1d6: {  	v3 =	vmul.f32 v3, v12;
	v2 =	vmul.f32 v2, v15  }
0x1d7: {  	v4 =	vmul.f32 v4, v11;
	v1 =	vmul.f32 v1, v17  }
0x1d8: {  	v5 =	vadd.f32 v5, v6;
	v6 =	vadd.f32 v8, v7  }
0x1d9: {  	v3 =	vadd.f32 v3, v4;
	v1 =	vadd.f32 v1, v2;
	_ =	sdelay $0x1  }
0x1da: {  	v59 =	vadd.f32 v6, v5;
	v1 =	vadd.f32 v1, v3;
	_ =	sdelay $0x1  }
0x1db: {  	v1 =	vadd.f32 v1, v59;
	_ =	sdelay $0x1  }
0x1dc: {  	(xrf2) =	vadd.scan.msk.f32 $0xffff, v1;
	_ =	sdelay $0x6  }
0x1dd: {  	s18 =	sshrl.u32 s21, $0x2  }
0x1de: {  	v60 =	vld [tilespmem:s18+$0x18880];
	_ =	sdelay $0x1  }
0x1df: {  	s4 =	sand.u32 $0xB, s4;
	v61, _, _ =	vpop (xrf2)  }
0x1e0: {  	v0 =	vlaneseq.u32;
	v3 =	vmov s4;
	v2 =	vbroadcast v61, $0xF  }
0x1e1: {  	vm0 =	veq.s32 v3, v0  }
0x1e2: {  	v1 =	vsel vm0, v2, v60  }
0x1e3: {  	[tilespmem:s18+$0x18880] =	vst v1  }
0x1e4: {  	v9 =	vld [tilespmem:s12+$0x3080]  }
0x1e5: {  	v6 =	vld [tilespmem:s29+$0x3080]  }
0x1e6: {  	v7 =	vld [tilespmem:s12+$0x30A0]  }
0x1e7: {  	v8 =	vld [tilespmem:s12+$0x30B0]  }
0x1e8: {  	v4 =	vld [tilespmem:s12+$0x30C0]  }
0x1e9: {  	v5 =	vld [tilespmem:s12+$0x30D0]  }
0x1ea: {  	v3 =	vld [tilespmem:s12+$0x30E0]  }
0x1eb: {  	v62 =	vld [tilespmem:s12+$0x30F0]  }
0x1ec: {  	v1 =	vld [tilespmem:s1+$0x80]  }
0x1ed: {  	v10 =	vld [tilespmem:s1+$0x90]  }
0x1ee: {  	v11 =	vld [tilespmem:s1+$0xA0]  }
0x1ef: {  	v12 =	vld [tilespmem:s1+$0xB0]  }
0x1f0: {  	v13 =	vld [tilespmem:s1+$0xC0]  }
0x1f1: {  	v14 =	vld [tilespmem:s1+$0xD0]  }
0x1f2: {  	v23 =	vld [tilespmem:s1+$0xE0]  }
0x1f3: {  	v24 =	vld [tilespmem:s1+$0xF0]  }
0x1f4: {  	v25 =	vld [tilespmem:s1+$0xFFFFFF80]  }
0x1f5: {  	v26 =	vld [tilespmem:s1+$0xFFFFFF90]  }
0x1f6: {  	v27 =	vld [tilespmem:s1+$0xFFFFFFA0]  }
0x1f7: {  	v28 =	vld [tilespmem:s1+$0xFFFFFFB0]  }
0x1f8: {  	v29 =	vld [tilespmem:s1+$0xFFFFFFC0];
	v30 =	vmul.f32 v1, v9  }
0x1f9: {  	v32 =	vld [tilespmem:s1+$0xFFFFFFD0];
	v31 =	vmul.f32 v10, v6;
	v33 =	vmul.f32 v11, v7  }
0x1fa: {  	v36 =	vld [tilespmem:s1+$0xFFFFFFE0];
	v34 =	vmul.f32 v12, v8;
	v35 =	vmul.f32 v13, v4  }
0x1fb: {  	v38 =	vld [tilespmem:s1+$0xFFFFFFF0];
	v37 =	vmul.f32 v14, v5;
	v39 =	vmul.f32 v23, v3  }
0x1fc: {  	v40 =	vmul.f32 v25, v9;
	v41 =	vmul.f32 v24, v62  }
0x1fd: {  	v42 =	vmul.f32 v26, v6;
	v43 =	vmul.f32 v27, v7  }
0x1fe: {  	v15 =	vld [tilespmem:s1+$0x0];
	v44 =	vmul.f32 v28, v8;
	v45 =	vmul.f32 v29, v4  }
0x1ff: {  	v16 =	vld [tilespmem:s1+$0x10];
	v46 =	vmul.f32 v32, v5;
	v47 =	vmul.f32 v36, v3  }
0x200: {  	v63 =	vimm.f32 $0.0e+00;
	s4 =	simm.s32 $0x0;
	v19 =	vld [tilespmem:s1+$0x20];
	v48 =	vmul.f32 v38, v62;
	v49 =	vmul.f32 v1, v1  }
0x201: {  	v2 =	vmov s4;
	v21 =	vld [tilespmem:s1+$0x30];
	v10 =	vmul.f32 v10, v10;
	v50 =	vmul.f32 v11, v11  }
0x202: {  	s5 =	simm.s32 $0x3;
	vm0 =	veq.s32 v2, v0;
	v51 =	vmul.f32 v12, v12;
	v53 =	vmul.f32 v13, v13  }
0x203: {  	s7 =	simm.s32 $0xFFFFFFF3;
	v54 =	vmul.f32 v14, v14;
	v55 =	vmul.f32 v23, v23;
	v14 =	vmov s5  }
0x204: {  	s6 =	simm.s32 $0x2;
	v56 =	vmul.f32 v15, v15;
	v57 =	vmul.f32 v24, v24;
	v11 =	vmov s7  }
0x205: {  	v58 =	vmul.f32 v16, v16;
	v59 =	vmul.f32 v19, v19;
	v13 =	vmov s6  }
0x206: {  	s8 =	simm.s32 $0xFFFFFFF2;
	[tilespmem:$0x1FEA0] =	vst v3;
	v60 =	vmul.f32 v21, v21;
	v30 =	vadd.f32 v31, v30;
	v31 =	vadd.f32 v34, v33  }
0x207: {  	[tilespmem:$0x1FEB0] =	vst v62;
	v12 =	vmov s8;
	v37 =	vadd.f32 v37, v35;
	v39 =	vadd.f32 v41, v39  }
0x208: {  	v23 =	vmul.f32 v25, v25;
	v17 =	vld [tilespmem:s1+$0x40];
	v40 =	vadd.f32 v42, v40;
	v41 =	vadd.f32 v44, v43  }
0x209: {  	v24 =	vmul.f32 v26, v26;
	v18 =	vld [tilespmem:s1+$0x50];
	[tilespmem:$0x1FEC0] =	vst v63;
	v0 =	vadd.f32 v46, v45;
	v1 =	vadd.f32 v48, v47  }
0x20a: {  	v36 =	vmul.f32 v36, v36;
	v22 =	vld [tilespmem:s1+$0x60];
	v10 =	vadd.f32 v10, v49;
	v2 =	vadd.f32 v51, v50  }
0x20b: {  	v38 =	vmul.f32 v38, v38;
	v20 =	vld [tilespmem:s1+$0x70];
	v54 =	vadd.f32 v54, v53;
	v57 =	vadd.f32 v57, v55  }
0x20c: {  	v25 =	vld [tilespmem:s1+$0xFFFFFF00];
	v35 =	vmul.f32 v29, v29;
	v29 =	vadd.f32 v31, v30;
	v30 =	vadd.f32 v39, v37  }
0x20d: {  	v33 =	vmul.f32 v27, v27;
	v26 =	vld [tilespmem:s1+$0xFFFFFF10];
	v39 =	vadd.f32 v58, v56;
	v44 =	vadd.f32 v41, v40  }
0x20e: {  	v34 =	vmul.f32 v28, v28;
	v27 =	vld [tilespmem:s1+$0xFFFFFF20];
	v45 =	vadd.f32 v1, v0;
	v41 =	vadd.f32 v60, v59  }
0x20f: {  	v28 =	vld [tilespmem:s1+$0xFFFFFF30];
	v37 =	vmul.f32 v32, v32;
	v47 =	vadd.f32 v2, v10;
	v48 =	vadd.f32 v57, v54  }
0x210: {  	v31 =	vld [tilespmem:s1+$0xFFFFFF60];
	v10 =	vimm.f32 $0.0e+00;
	v61 =	vmul.f32 v17, v17;
	v62 =	vmul.f32 v18, v18  }
0x211: {  	v32 =	vld [tilespmem:s1+$0xFFFFFF70];
	v58 =	vadd.f32 v30, v29;
	v52 =	vmul.f32 v22, v22;
	v63 =	vmul.f32 v20, v20  }
0x212: {  	v29 =	vld [tilespmem:s1+$0xFFFFFF40];
	v45 =	vadd.f32 v45, v44;
	v40 =	vmul.f32 v25, v25;
	v43 =	vmul.f32 v26, v26  }
0x213: {  	s5 =	simm.s32 $0x4;
	s6 =	smov.u32 s1;
	v30 =	vld [tilespmem:s1+$0xFFFFFF50];
	v44 =	vmul.f32 v27, v27;
	v42 =	vadd.f32 v62, v61;
	(xrf2) =	vadd.scan.msk.f32 $0xffff, v58;
	v46 =	vadd.f32 v63, v52  }
.LBB2_8:
0x214: {  	v15 =	vmul.f32 v15, v9  }
0x215: {  	v16 =	vmul.f32 v16, v6;
	v19 =	vmul.f32 v19, v7  }
0x216: {  	v23 =	vadd.f32 v24, v23;
	v21 =	vmul.f32 v21, v8;
	v17 =	vmul.f32 v17, v4  }
0x217: {  	v18 =	vmul.f32 v18, v5;
	v25 =	vmul.f32 v25, v9;
	v24 =	vadd.f32 v34, v33  }
0x218: {  	v26 =	vmul.f32 v26, v6;
	v58 =	vadd.f32 v37, v35;
	v59 =	vadd.f32 v48, v47  }
0x219: {  	s7 =	sadd.s32 $0x1, s4;
	v2 =	vlaneseq.u32;
	v39 =	vadd.f32 v41, v39;
	v61 =	vadd.f32 v46, v42  }
0x21a: {  	v40 =	vadd.f32 v43, v40;
	v36 =	vadd.f32 v38, v36;
	v47 =	vmov s7  }
0x21b: {  	vm1 =	veq.s32 v14, v2;
	vm2 =	veq.s32 v11, v2;
	vm3 =	veq.s32 v13, v2  }
0x21c: {  	v51 =	vld [tilespmem:$0x1FEA0];
	vm4 =	veq.s32 v12, v2;
	v15 =	vadd.f32 v16, v15;
	v16 =	vadd.f32 v21, v19  }
0x21d: {  	v3 =	vld [tilespmem:$0x1FEB0];
	vm5 =	veq.s32 v47, v2;
	v0 =	vadd.f32 v61, v39;
	v49 =	vmul.f32 v28, v28  }
0x21e: {  	v23 =	vadd.f32 v24, v23;
	v57 =	vmul.f32 v29, v29;
	v60 =	vmul.f32 v30, v30  }
0x21f: {  	s6 =	sadd.s32 $0x200, s6;
	(xrf2) =	vadd.scan.msk.f32 $0xffff, v45;
	s7 =	sadd.s32 $0xFFFFFFF1, s4;
	v24 =	vadd.f32 v36, v58;
	v62 =	vmul.f32 v31, v31;
	v63 =	vmul.f32 v32, v32  }
0x220: {  	(xrf2) =	vadd.scan.msk.f32 $0xffff, v59;
	v58 =	vmov s7;
	v61 =	vld [tilespmem:s6+$0xE0];
	v28 =	vmul.f32 v28, v8;
	v59 =	vmul.f32 v29, v4  }
0x221: {  	v29 =	vld [tilespmem:s6+$0xD0];
	v30 =	vmul.f32 v30, v5;
	v15 =	vadd.f32 v16, v15;
	vm6 =	veq.s32 v58, v2  }
0x222: {  	v45 =	vadd.f32 v24, v23;
	v23 =	vld [tilespmem:s6+$0x80];
	v54 =	vmul.f32 v22, v51;
	v55 =	vmul.f32 v20, v3  }
0x223: {  	v24 =	vld [tilespmem:s6+$0x90];
	v21 =	vmul.f32 v31, v51;
	v43 =	vadd.f32 v49, v44;
	v33 =	vadd.f32 v60, v57  }
0x224: {  	v22 =	vld [tilespmem:s6+$0xA0];
	v31 =	vmul.f32 v32, v3;
	v44 =	vadd.f32 v63, v62;
	v62 =	vadd.f32 v18, v17  }
0x225: {  	s8 =	sadd.s32 $0xFFFFFFF0, s4;
	v20 =	vld [tilespmem:s6+$0xB0];
	v57 =	vmul.f32 v27, v7;
	v18 =	vadd.f32 v55, v54;
	v46 =	vadd.f32 v43, v40  }
0x226: {  	v60 =	vmov s8;
	v33 =	vadd.f32 v44, v33;
	v44 =	vadd.f32 v26, v25  }
0x227: {  	v41 =	vld [tilespmem:s6+$0xFFFFFF90];
	(xrf2) =	vadd.scan.msk.f32 $0xffff, v0;
	v36 =	vadd.f32 v28, v57;
	v58 =	vmul.f32 v61, v61;
	v16 =	vadd.f32 v18, v62  }
0x228: {  	v27 =	vld [tilespmem:s6+$0xC0];
	v18 =	vadd.f32 v30, v59;
	v35 =	vmul.f32 v29, v5;
	v29 =	vmul.f32 v29, v29  }
0x229: {  	v63 =	vld [tilespmem:s6+$0xF0];
	v39, _, _ =	vpop (xrf2);
	(xrf2) =	vadd.scan.msk.f32 $0xffff, v45;
	v45 =	vadd.f32 v31, v21;
	v26 =	vmul.f32 v23, v9;
	v28 =	vmul.f32 v24, v6  }
0x22a: {  	v42 =	vld [tilespmem:s6+$0xFFFFFFA0];
	v33 =	vadd.f32 v33, v46;
	v30 =	vmul.f32 v22, v7;
	v31 =	vmul.f32 v20, v8  }
0x22b: {  	vm7 =	veq.s32 v60, v2;
	v25 =	vld [tilespmem:s6+$0xFFFFFF80];
	v53 =	vmul.f32 v23, v23;
	v54 =	vmul.f32 v24, v24  }
0x22c: {  	v43 =	vld [tilespmem:s6+$0xFFFFFFB0];
	v55 =	vmul.f32 v22, v22;
	v23 =	vmov s5;
	v24 =	vmul.f32 v41, v41;
	v56, _, _ =	vpop (xrf2);
	(xrf2) =	vadd.scan.msk.f32 $0xffff, v33  }
0x22d: {  	v15 =	vadd.f32 v16, v15;
	v32 =	vmul.f32 v27, v4;
	v16 =	vadd.f32 v36, v44;
	v44 =	vld [tilespmem:s6+$0xFFFFFFE0]  }
0x22e: {  	v18 =	vadd.f32 v45, v18;
	v36 =	vmul.f32 v61, v51;
	v38 =	vmul.f32 v63, v3;
	v45 =	vld [tilespmem:s6+$0xFFFFFFF0]  }
0x22f: {  	v57 =	vmul.f32 v27, v27;
	v60 =	vmul.f32 v63, v63;
	v27 =	vadd.f32 v28, v26  }
0x230: {  	v33 =	vmul.f32 v42, v42;
	v19, _, _ =	vpop (xrf2);
	v14 =	vadd.f32 v18, v16;
	v16 =	vbroadcast v39, $0xF;
	v39 =	vld [tilespmem:s6+$0xFFFFFFC0]  }
0x231: {  	v28 =	vadd.f32 v31, v30;
	v37 =	vmul.f32 v25, v9;
	v34 =	vmul.f32 v43, v43;
	v17, _, _ =	vpop (xrf2)  }
0x232: {  	v30 =	vadd.f32 v35, v32;
	v17 =	vbroadcast v17, $0xF;
	v51 =	vmul.f32 v44, v51  }
0x233: {  	v31 =	vadd.f32 v38, v36;
	v52 =	vmul.f32 v45, v3;
	v36 =	vmul.f32 v44, v44  }
0x234: {  	v38 =	vmul.f32 v45, v45;
	v18 =	vshra.s32 v17, $0x1;
	v21, _, _ =	vpop (xrf2);
	(xrf2) =	vadd.scan.msk.f32 $0xffff, v15;
	v15 =	vbroadcast v19, $0xF  }
0x235: {  	v35 =	vmul.f32 v39, v39;
	v18 =	vsub.s32 $0x5F1FFFF9, v18;
	v13 =	vbroadcast v21, $0xF  }
0x236: {  	v17 =	vmul.f32 v18, v17;
	v19 =	vshra.s32 v15, $0x1;
	v11, _, _ =	vpop (xrf2);
	(xrf2) =	vadd.scan.msk.f32 $0xffff, v14;
	v14 =	vbroadcast v56, $0xF  }
0x237: {  	v21 =	vshra.s32 v13, $0x1;
	v19 =	vsub.s32 $0x5F1FFFF9, v19;
	v56 =	vmul.f32 v20, v20  }
0x238: {  	v11 =	vbroadcast v11, $0xF;
	v21 =	vsub.s32 $0x5F1FFFF9, v21;
	v46 =	vmul.f32 $7.039522520e-01, v19  }
0x239: {  	v54 =	vadd.f32 v54, v53;
	v20 =	vld [tilespmem:s6+$0x70];
	v15 =	vmul.f32 v19, v15;
	v13 =	vmul.f32 v21, v13  }
0x23a: {  	v55 =	vadd.f32 v56, v55;
	v56 =	vadd.f32 v28, v27;
	v12 =	vshra.s32 v11, $0x1  }
0x23b: {  	v27 =	vld [tilespmem:s6+$0xFFFFFF20];
	v15 =	vmul.f32 v19, v15;
	v19 =	vmul.f32 $7.039522520e-01, v21;
	v12 =	vsub.s32 $0x5F1FFFF9, v12  }
0x23c: {  	v57 =	vadd.f32 v29, v57;
	v13 =	vmul.f32 v21, v13;
	v21 =	vld [tilespmem:s6+$0x30];
	v11 =	vmul.f32 v12, v11  }
0x23d: {  	v40 =	vld [tilespmem:s6+$0xFFFFFFD0];
	v48 =	vmul.f32 v18, v17;
	v18 =	vmul.f32 $7.039522520e-01, v18;
	v15 =	vsub.f32 $2.389244560e+00, v15  }
0x23e: {  	v3 =	vmul.f32 v20, v20;
	v13 =	vsub.f32 $2.389244560e+00, v13;
	v11 =	vmul.f32 v12, v11  }
0x23f: {  	v60 =	vadd.f32 v60, v58;
	v12 =	vmul.f32 $7.039522520e-01, v12;
	v15 =	vmul.f32 v15, v46  }
0x240: {  	v26 =	vld [tilespmem:s6+$0xFFFFFF10];
	v30 =	vadd.f32 v31, v30;
	v46 =	vmul.f32 v41, v6;
	v13 =	vmul.f32 v13, v19  }
0x241: {  	v47, _, _ =	vpop (xrf2);
	v44 =	vmul.f32 v27, v27;
	v11 =	vsub.f32 $2.389244560e+00, v11;
	v63 =	vmul.f32 v21, v21  }
0x242: {  	v19 =	vld [tilespmem:s6+$0x20];
	v32 =	vadd.f32 v46, v37;
	v37 =	vmul.f32 v40, v40;
	v17, _, _ =	vpop (xrf2);
	v13 =	vmin.f32 v13, $1.000000000e+00  }
0x243: {  	v49 =	vld [tilespmem:$0x1FEC0];
	v11 =	vmul.f32 v11, v12;
	v12 =	vsub.f32 $2.389244560e+00, v48;
	v17 =	vbroadcast v17, $0xF  }
0x244: {  	v13 =	vmul.f32 v13, v14;
	v14 =	vmin.f32 v15, $1.000000000e+00;
	v48 =	vmul.f32 v43, v8  }
0x245: {  	v15 =	vld [tilespmem:s6+$0x0];
	v43 =	vmul.f32 v26, v26;
	v11 =	vmin.f32 v11, $1.000000000e+00;
	v12 =	vmul.f32 v12, v18  }
0x246: {  	v22 =	vld [tilespmem:s6+$0x60];
	v52 =	vadd.f32 v52, v51;
	v11 =	vmul.f32 v11, v17;
	v17 =	vbroadcast v47, $0xF  }
0x247: {  	v62 =	vmul.f32 v19, v19;
	v47 =	vmul.f32 v42, v7;
	v12 =	vmin.f32 v12, $1.000000000e+00  }
0x248: {  	v1 =	vsel vm0, v11, v49;
	v10 =	vsel vm7, v11, v10;
	v11 =	vmul.f32 v12, v17  }
0x249: {  	s8 =	sadd.s32 $0x3, s5;
	v31 =	vadd.f32 v30, v56;
	v12 =	vmul.f32 v14, v16;
	v49 =	vmul.f32 v39, v4  }
0x24a: {  	v16 =	vld [tilespmem:s6+$0x10];
	v14 =	vmov s8;
	v59 =	vmul.f32 v15, v15;
	v1 =	vsel vm5, v13, v1  }
0x24b: {  	v18 =	vld [tilespmem:s6+$0x50];
	vm0 =	veq.s32 v23, v2;
	v2 =	vmul.f32 v22, v22;
	v1 =	vsel vm3, v11, v1  }
0x24c: {  	v17 =	vld [tilespmem:s6+$0x40];
	v23 =	vmul.f32 v25, v25;
	v41 =	vadd.f32 v48, v47;
	v50 =	vsel vm1, v12, v1  }
0x24d: {  	s8 =	sadd.s32 $0x2, s5;
	v47 =	vadd.f32 v55, v54;
	v10 =	vsel vm6, v13, v10;
	[tilespmem:$0x1FEC0] =	vst v50;
	v50 =	vmul.f32 v40, v5  }
0x24e: {  	p0 =	slt.u32 s5, $0x10;
	s7 =	sadd.s32 $0xFFFFFFF3, s5;
	v25 =	vld [tilespmem:s6+$0xFFFFFF00];
	v48 =	vadd.f32 v60, v57;
	v13 =	vmov s8;
	v10 =	vsel vm4, v11, v10  }
.Ltmp4:
0x24f: {  	v29 =	vld [tilespmem:s6+$0xFFFFFF40];
	v11 =	vmov s7;
	v61 =	vmul.f32 v16, v16;
	v42 =	vadd.f32 v50, v49;
	(pc) =	sbr.rel @p0 .LBB2_8-.Ltmp4, $4  }
0x250: {  	v28 =	vld [tilespmem:s6+$0xFFFFFF30];
	v32 =	vadd.f32 v41, v32;
	v41 =	vadd.f32 v63, v62;
	v1 =	vmul.f32 v18, v18  }
0x251: {  	v30 =	vld [tilespmem:s6+$0xFFFFFF50];
	s8 =	sadd.s32 $0xFFFFFFF2, s5;
	v0 =	vmul.f32 v17, v17;
	v39 =	vadd.f32 v61, v59;
	v61 =	vadd.f32 v52, v42  }
0x252: {  	(xrf2) =	vadd.scan.msk.f32 $0xffff, v31;
	v31 =	vld [tilespmem:s6+$0xFFFFFF60];
	v46 =	vadd.f32 v3, v2;
	v10 =	vsel vm2, v12, v10;
	v12 =	vmov s8  }
0x253: {  	s4 =	smov.u32 s5;
	s5 =	sadd.s32 $0x4, s5;
	v40 =	vmul.f32 v25, v25;
	v42 =	vadd.f32 v1, v0;
	v45 =	vadd.f32 v61, v32;
	v32 =	vld [tilespmem:s6+$0xFFFFFF70]  }
0x254: {  	v1 =	vadd.f32 v24, v23;
	v2 =	vadd.f32 v34, v33  }
0x255: {  	v63 =	vadd.f32 v37, v35;
	v49 =	vadd.f32 v48, v47  }
0x256: {  	v3 =	vmul.f32 v29, v29;
	v51 =	vadd.f32 v41, v39;
	v36 =	vadd.f32 v38, v36  }
0x257: {  	v0 =	vmul.f32 v28, v28;
	v52 =	vadd.f32 v46, v42;
	v50 =	vmul.f32 v30, v30  }
0x258: {  	v54 =	vadd.f32 v43, v40;
	v53 =	vmul.f32 v31, v31;
	v55 =	vmul.f32 v32, v32  }
0x259: {  	v56 =	vmul.f32 v15, v9;
	v1 =	vadd.f32 v2, v1;
	v0 =	vadd.f32 v0, v44  }
0x25a: {  	v16 =	vmul.f32 v16, v6;
	v3 =	vadd.f32 v50, v3;
	v57 =	vadd.f32 v55, v53  }
0x25b: {  	v19 =	vmul.f32 v19, v7;
	v23 =	vadd.f32 v36, v63;
	v34 =	vadd.f32 v52, v51  }
0x25c: {  	v21 =	vmul.f32 v21, v8;
	v60 =	vld [tilespmem:$0x1FEA0];
	(xrf2) =	vadd.scan.msk.f32 $0xffff, v45;
	v0 =	vadd.f32 v0, v54;
	v3 =	vadd.f32 v57, v3  }
0x25d: {  	v58 =	vmul.f32 v17, v4;
	v59 =	vmul.f32 v18, v5;
	(xrf2) =	vadd.scan.msk.f32 $0xffff, v49;
	v63 =	vld [tilespmem:$0x1FEB0];
	v1 =	vadd.f32 v23, v1  }
0x25e: {  	v62 =	vmul.f32 v25, v9;
	v25 =	vmul.f32 v26, v6;
	(xrf2) =	vadd.scan.msk.f32 $0xffff, v34;
	v0 =	vadd.f32 v3, v0  }
0x25f: {  	v26 =	vmul.f32 v27, v7;
	v27 =	vmul.f32 v28, v8;
	(xrf2) =	vadd.scan.msk.f32 $0xffff, v1  }
0x260: {  	v28 =	vmul.f32 v29, v4;
	v29 =	vmul.f32 v30, v5;
	(xrf2) =	vadd.scan.msk.f32 $0xffff, v0  }
0x261: {  	v2 =	vadd.f32 v16, v56;
	v61 =	vmul.f32 v22, v60;
	v31 =	vmul.f32 v31, v60  }
0x262: {  	v30 =	vadd.f32 v21, v19;
	v24 =	vmul.f32 v20, v63;
	v33 =	vmul.f32 v32, v63  }
0x263: {  	v15 =	vadd.f32 v59, v58;
	v34 =	vadd.f32 v27, v26  }
0x264: {  	v1 =	vadd.f32 v24, v61;
	v36 =	vadd.f32 v33, v31  }
0x265: {  	v35, _, _ =	vpop (xrf2);
	v3 =	vadd.f32 v25, v62;
	v0 =	vadd.f32 v29, v28  }
0x266: {  	v2 =	vadd.f32 v30, v2;
	v37, _, _ =	vpop (xrf2);
	v1 =	vadd.f32 v1, v15  }
0x267: {  	v38, _, _ =	vpop (xrf2);
	v3 =	vadd.f32 v34, v3;
	v0 =	vadd.f32 v36, v0  }
0x268: {  	s5 =	sadd.s32 $0x1, s4;
	v1 =	vadd.f32 v1, v2;
	v39, _, _ =	vpop (xrf2)  }
0x269: {  	s7 =	sadd.s32 $0xFFFFFFF1, s4;
	s8 =	sadd.s32 $0xFFFFFFF0, s4;
	v47 =	vlaneseq.u32;
	v40 =	vmov s5;
	v41, _, _ =	vpop (xrf2);
	v0 =	vadd.f32 v0, v3  }
0x26a: {  	v42 =	vmov s7;
	v46 =	vmov s8;
	v43 =	vbroadcast v38, $0xF;
	(xrf2) =	vadd.scan.msk.f32 $0xffff, v1;
	v45, _, _ =	vpop (xrf2)  }
0x26b: {  	vm1 =	veq.s32 v14, v47;
	vm2 =	veq.s32 v13, v47;
	(xrf2) =	vadd.scan.msk.f32 $0xffff, v0;
	v7 =	vbroadcast v45, $0xF  }
0x26c: {  	v49 =	vbroadcast v37, $0xF;
	v52 =	vshra.s32 v43, $0x1;
	v48 =	vbroadcast v41, $0xF  }
0x26d: {  	v4 =	vbroadcast v39, $0xF;
	v15 =	vsub.s32 $0x5F1FFFF9, v52;
	v50 =	vshra.s32 v7, $0x1  }
0x26e: {  	v54 =	vmul.f32 $7.039522520e-01, v15;
	v53 =	vshra.s32 v48, $0x1;
	v8 =	vsub.s32 $0x5F1FFFF9, v50  }
0x26f: {  	v51 =	vshra.s32 v4, $0x1;
	v16 =	vsub.s32 $0x5F1FFFF9, v53;
	v7 =	vmul.f32 v8, v7  }
0x270: {  	v1 =	vmul.f32 v15, v43;
	v14 =	vsub.s32 $0x5F1FFFF9, v51;
	v0 =	vmul.f32 v16, v48  }
0x271: {  	vm3 =	veq.s32 v40, v47;
	v4 =	vmul.f32 v14, v4;
	v7 =	vmul.f32 v8, v7  }
0x272: {  	vm4 =	veq.s32 v42, v47;
	v1 =	vmul.f32 v15, v1;
	v0 =	vmul.f32 v16, v0  }
0x273: {  	v4 =	vmul.f32 v14, v4;
	v55 =	vmul.f32 $7.039522520e-01, v8;
	v7 =	vsub.f32 $2.389244560e+00, v7  }
0x274: {  	v57 =	vmul.f32 $7.039522520e-01, v16;
	v1 =	vsub.f32 $2.389244560e+00, v1;
	v56, _, _ =	vpop (xrf2);
	v0 =	vsub.f32 $2.389244560e+00, v0  }
0x275: {  	v61 =	vld [tilespmem:$0x1FEC0];
	v14 =	vmul.f32 $7.039522520e-01, v14;
	v4 =	vsub.f32 $2.389244560e+00, v4;
	v58, _, _ =	vpop (xrf2);
	v2 =	vmul.f32 v7, v55  }
0x276: {  	vm5 =	veq.s32 v46, v47;
	v0 =	vmul.f32 v0, v57;
	v59 =	vbroadcast v58, $0xF  }
0x277: {  	v1 =	vmul.f32 v1, v54;
	v4 =	vmul.f32 v4, v14;
	v2 =	vmin.f32 v2, $1.000000000e+00  }
0x278: {  	v60 =	vbroadcast v56, $0xF;
	v0 =	vmin.f32 v0, $1.000000000e+00;
	v2 =	vmul.f32 v2, v59  }
0x279: {  	s16 =	sadd.s32 $0x1, s16;
	v44 =	vbroadcast v35, $0xF;
	v4 =	vmin.f32 v4, $1.000000000e+00;
	v0 =	vmul.f32 v0, v49  }
0x27a: {  	p0 =	sne.s32 s16, $0x4;
	v1 =	vmin.f32 v1, $1.000000000e+00;
	v3 =	vmul.f32 v4, v60;
	v6 =	vsel vm0, v2, v61  }
.Ltmp5:
0x27b: {  	v1 =	vmul.f32 v1, v44;
	v2 =	vsel vm5, v2, v10;
	v62 =	vsel vm3, v0, v6;
	(pc) =	sbr.rel @p0 .LBB2_5-.Ltmp5, $4  }
0x27c: {  	vm14 =	veq.s32 v12, v47;
	v0 =	vsel vm4, v0, v2;
	v63 =	vsel vm2, v3, v62  }
0x27d: {  	vm15 =	veq.s32 v11, v47;
	v0 =	vsel vm14, v3, v0;
	v2 =	vsel vm1, v1, v63  }
0x27e: {  	v0 =	vsel vm15, v1, v0;
	[tilespmem:s12+$0x18C80] =	vst v2  }
0x27f: {  	s25 =	sadd.s32 $0x1900, s25;
	s1 =	sadd.s32 $0xA00, s1;
	[tilespmem:s29+$0x18C80] =	vst v0  }
0x280: {  	s21 =	sshll.u32 s20, $0x1;
	p0 =	seq.s32 s20, $0xF  }
0x281: {  	s1 =	sadd.s32 @!p0 $0x2, s21  }
0x282: {  	s4 =	sshll.u32 @!p0 s1, $0x8  }
0x283: {  	s6 =	simm.s32 @!p0 $0x64;
	s4 =	sand.u32 @!p0 $0x3FFFFF00, s4  }
0x284: {  	s7 =	simm.s32 @!p0 $0x7080;
	s1 =	sshll.u32 @!p0 s1, $0x7;
	s5 =	sor.u32 @!p0 $0x80, s4  }
0x285: {  	[tilespmem:s7], [sflag:$0x2] =	stream.indirect.gather @!p0 [hbm4b:s2+s6], $0x80, s5, s6, $0xb8;
	[tilespmem:$0x1CC80] =	vst v63  }
0x286: {  	s1 =	sand.u32 @!p0 $0x3FFFFF80, s1;
	s4 =	sadd.s32 @!p0 $0x100, s4;
	s5 =	simm.s32 @!p0 $0xA280  }
0x287: {  	[tilespmem:s5], [sflag:$0x2] =	stream.indirect.gather @!p0 [hbm4b:s2+s6], $0x80, s4, s6, $0xb8;
	[tilespmem:$0x1CC80] =	vst v63  }
0x288: {  	s1 =	sadd.s32 @!p0 $0x2080, s1;
	s4 =	simm.s32 @!p0 $0x50;
	s5 =	simm.s32 @!p0 $0xD480  }
0x289: {  	[tilespmem:s5], [sflag:$0x3] =	stream.indirect.gather @!p0 [hbm4b:s2+s4], $0x80, s1, s4, $0xb8;
	[tilespmem:$0x1CC80] =	vst v63  }
0x28a: {  	_ =	swait.ge [sflag:s30], $0x3200  }
0x28b: {  	[sflag:s30] =	ssyncset.done $0x0  }
0x28c: {  	[sflag:s30] =	ssyncadd.s32 $0xFFFFCE00  }
0x28d: {  	_ =	swait.ge [sflag:s30], $0x3200  }
0x28e: {  	[sflag:s30] =	ssyncset.done $0x0  }
0x28f: {  	[sflag:s30] =	ssyncadd.s32 $0xFFFFCE00  }
0x290: {  	s20 =	sadd.s32 $0x1, s20;
	_ =	swait.ge [sflag:s31], $0x2800  }
0x291: {  	s23 =	sor.u32 $0x4, s23;
	s25 =	simm.s32 $0x16180;
	[sflag:s31] =	ssyncset.done $0x0  }
0x292: {  	s6 =	simm.s32 $0xFDC0;
	s1 =	simm.s32 $0x0;
	[sflag:s31] =	ssyncadd.s32 $0xFFFFD800  }
.LBB2_11:
0x293: {  	v1 =	vld [tilespmem:s6+$0x30]  }
0x294: {  	v2 =	vld [tilespmem:s6+$0x20]  }
0x295: {  	v3 =	vld [tilespmem:s6+$0x10]  }
0x296: {  	v4 =	vld [tilespmem:s6+$0x0]  }
0x297: {  	v36 =	vld [tilespmem:s6+$0xFFFFFFB0]  }
0x298: {  	v15 =	vld [tilespmem:s6+$0xFFFFFFA0]  }
0x299: {  	v5 =	vld [tilespmem:s6+$0xFFFFFF90]  }
0x29a: {  	v12 =	vld [tilespmem:s6+$0xFFFFFF80]  }
0x29b: {  	v11 =	vld [tilespmem:s6+$0xFFFFFF60]  }
0x29c: {  	v6 =	vld [tilespmem:s6+$0xFFFFFEC0]  }
0x29d: {  	v7 =	vld [tilespmem:s6+$0xFFFFFF30]  }
0x29e: {  	v39 =	vld [tilespmem:s6+$0xFFFFFF20]  }
0x29f: {  	v8 =	vld [tilespmem:s6+$0xFFFFFF10]  }
0x2a0: {  	v41 =	vld [tilespmem:s6+$0xFFFFFF00]  }
0x2a1: {  	v38 =	vld [tilespmem:s6+$0xFFFFFEF0];
	v0 =	vmul.f32 v3, v3  }
0x2a2: {  	v9 =	vld [tilespmem:s6+$0xFFFFFEE0];
	v13 =	vmul.f32 v4, v4;
	v14 =	vmul.f32 v15, v15  }
0x2a3: {  	v17 =	vld [tilespmem:s6+$0xFFFFFED0];
	v16 =	vmul.f32 v5, v5;
	v18 =	vmul.f32 v12, v12  }
0x2a4: {  	v40 =	vld [tilespmem:s6+$0xFFFFFF40];
	v19 =	vmul.f32 v11, v11;
	v20 =	vmul.f32 v39, v39  }
0x2a5: {  	v37 =	vld [tilespmem:s6+$0xFFFFFF50];
	v22 =	vmul.f32 v41, v41;
	v23 =	vmul.f32 v8, v8  }
0x2a6: {  	v10 =	vld [tilespmem:s6+$0xFFFFFF70];
	v24 =	vmul.f32 v6, v6;
	v25 =	vmul.f32 v7, v7  }
0x2a7: {  	v21 =	vld [tilespmem:s6+$0xFFFFFFF0];
	v26 =	vmul.f32 v38, v38;
	v27 =	vmul.f32 v36, v36;
	v0 =	vadd.f32 v0, v13  }
0x2a8: {  	v32 =	vld [tilespmem:s6+$0xFFFFFFE0];
	v13 =	vmul.f32 v9, v9;
	v16 =	vadd.f32 v16, v18;
	v18 =	vmul.f32 v17, v17  }
0x2a9: {  	v34 =	vld [tilespmem:s6+$0xFFFFFFC0];
	v28 =	vmul.f32 v40, v40;
	v23 =	vadd.f32 v23, v22;
	v20 =	vadd.f32 v25, v20  }
0x2aa: {  	v22 =	vld [tilespmem:s6+$0xFFFFFFD0];
	v25 =	vmul.f32 v37, v37;
	v18 =	vadd.f32 v18, v24;
	v24 =	vadd.f32 v26, v13  }
0x2ab: {  	v30 =	vld [tilespmem:s6+$0x60];
	v26 =	vadd.f32 v27, v14;
	v27 =	vmul.f32 v10, v10;
	v23 =	vadd.f32 v20, v23  }
0x2ac: {  	v29 =	vmul.f32 v2, v2;
	v13 =	vld [tilespmem:s6+$0xB0];
	v25 =	vadd.f32 v25, v28;
	v24 =	vadd.f32 v24, v18  }
0x2ad: {  	v14 =	vld [tilespmem:s6+$0xA0];
	v28 =	vmul.f32 v32, v32;
	v19 =	vadd.f32 v27, v19;
	v27 =	vmul.f32 v21, v21  }
0x2ae: {  	v20 =	vld [tilespmem:s6+$0x90];
	v16 =	vadd.f32 v26, v16;
	v26 =	vmul.f32 v1, v1;
	v23 =	vadd.f32 v23, v24  }
0x2af: {  	v33 =	vmul.f32 v34, v34;
	v18 =	vld [tilespmem:s6+$0x80];
	v31 =	vmul.f32 v22, v22;
	v19 =	vadd.f32 v19, v25  }
0x2b0: {  	v24 =	vld [tilespmem:s6+$0x70];
	v25 =	vadd.f32 v27, v28;
	(xrf2) =	vadd.scan.msk.f32 $0xffff, v23;
	v23 =	vadd.f32 v26, v29  }
0x2b1: {  	v27 =	vld [tilespmem:s6+$0x50];
	v26 =	vadd.f32 v31, v33;
	v16 =	vadd.f32 v16, v19  }
0x2b2: {  	v19 =	vld [tilespmem:s6+$0x40]  }
0x2b3: {  	v25 =	vadd.f32 v25, v26;
	v0 =	vadd.f32 v23, v0;
	(xrf2) =	vadd.scan.msk.f32 $0xffff, v16  }
0x2b4: {  	v58 =	vmul.f32 v30, v30;
	v28 =	vmul.f32 v14, v14  }
0x2b5: {  	v29 =	vmul.f32 v20, v20;
	v31 =	vmul.f32 v18, v18;
	v16 =	vld [tilespmem:s6+$0x130];
	v0 =	vadd.f32 v0, v25  }
0x2b6: {  	v23 =	vmul.f32 v13, v13;
	v26 =	vld [tilespmem:s6+$0x120];
	v35 =	vmul.f32 v24, v24  }
0x2b7: {  	v43 =	vmul.f32 v27, v27;
	v29 =	vadd.f32 v29, v31;
	v31 =	vld [tilespmem:s6+$0x100];
	v42 =	vmul.f32 v19, v19;
	(xrf2) =	vadd.scan.msk.f32 $0xffff, v0  }
0x2b8: {  	v25 =	vld [tilespmem:s6+$0x110];
	v33 =	vadd.f32 v35, v58  }
0x2b9: {  	v0 =	vadd.f32 v23, v28;
	v23 =	vld [tilespmem:s6+$0xF0];
	v42 =	vadd.f32 v43, v42  }
0x2ba: {  	v28 =	vld [tilespmem:s6+$0xE0];
	v60 =	vmul.f32 v16, v16;
	v59, _, _ =	vpop (xrf2)  }
0x2bb: {  	v0 =	vadd.f32 v0, v29;
	v29 =	vld [tilespmem:s6+$0xC0];
	v42 =	vadd.f32 v33, v42;
	v35 =	vbroadcast v59, $0xF  }
0x2bc: {  	v44 =	vmul.f32 v26, v26;
	v46 =	vmul.f32 v31, v31;
	v33 =	vld [tilespmem:s6+$0xD0]  }
0x2bd: {  	v45 =	vmul.f32 v25, v25;
	v0 =	vadd.f32 v0, v42;
	v48, _, _ =	vpop (xrf2);
	v61 =	vshra.s32 v35, $0x1  }
0x2be: {  	v47 =	vmul.f32 v23, v23;
	v62 =	vbroadcast v48, $0xF;
	v42 =	vsub.s32 $0x5F1FFFF9, v61  }
0x2bf: {  	v43 =	vadd.f32 v60, v44;
	v63 =	vmul.f32 v28, v28;
	(xrf2) =	vadd.scan.msk.f32 $0xffff, v0;
	v0 =	vmul.f32 v42, v35  }
0x2c0: {  	v45 =	vadd.f32 v45, v46;
	v49 =	vmul.f32 v29, v29;
	v53 =	vshra.s32 v62, $0x1  }
0x2c1: {  	v52 =	vmul.f32 v33, v33;
	v50, _, _ =	vpop (xrf2);
	v46 =	vsub.s32 $0x5F1FFFF9, v53;
	v0 =	vmul.f32 v42, v0  }
0x2c2: {  	v43 =	vadd.f32 v43, v45;
	v54 =	vbroadcast v50, $0xF;
	v44 =	vmul.f32 v46, v62  }
0x2c3: {  	v35 =	vadd.f32 v47, v63;
	v48 =	vadd.f32 v52, v49;
	v42 =	vmul.f32 $7.039522520e-01, v42  }
0x2c4: {  	v0 =	vsub.f32 $2.389244560e+00, v0;
	v55 =	vshra.s32 v54, $0x1;
	v44 =	vmul.f32 v46, v44  }
0x2c5: {  	v56 =	vadd.f32 v35, v48;
	v46 =	vmul.f32 $7.039522520e-01, v46;
	v45 =	vsub.s32 $0x5F1FFFF9, v55  }
0x2c6: {  	v0 =	vmul.f32 v0, v42;
	v47 =	vmul.f32 v45, v54;
	v44 =	vsub.f32 $2.389244560e+00, v44  }
0x2c7: {  	s4 =	sadd.s32 s23, s1;
	v56 =	vadd.f32 v43, v56;
	v48 =	vmul.f32 $7.039522520e-01, v45  }
0x2c8: {  	s12 =	sshll.u32 s4, $0x7;
	v0 =	vmin.f32 v0, $1.000000000e+00;
	v45 =	vmul.f32 v45, v47;
	v57 =	vmul.f32 v44, v46  }
0x2c9: {  	v58, _, _ =	vpop (xrf2);
	v41 =	vmul.f32 v0, v41;
	v59 =	vmul.f32 v0, v6;
	v6 =	vld [tilespmem:s12+$0x3080]  }
0x2ca: {  	(xrf2) =	vadd.scan.msk.f32 $0xffff, v56;
	v42 =	vbroadcast v58, $0xF;
	v39 =	vmul.f32 v0, v39  }
0x2cb: {  	v52 =	vmul.f32 v0, v7;
	v60 =	vmul.f32 v0, v8  }
0x2cc: {  	v35 =	vimm.f32 $0.0e+00;
	v49 =	vmul.f32 v0, v38;
	v62 =	vmul.f32 v0, v9  }
0x2cd: {  	v8 =	vld [tilespmem:s12+$0x30A0];
	v47 =	vsub.f32 $2.389244560e+00, v45;
	v45 =	vmin.f32 v57, $1.000000000e+00;
	v53 =	vadd.f32 v41, v35  }
0x2ce: {  	v55 =	vadd.f32 v59, v35;
	v46 =	vadd.f32 v39, v35;
	v61 =	vshra.s32 v42, $0x1;
	[tilespmem:$0x1FE80] =	vst v6;
	v6 =	vld [tilespmem:s12+$0x3090]  }
0x2cf: {  	v9 =	vld [tilespmem:s12+$0x30B0];
	v41 =	vadd.f32 v60, v35;
	v50 =	vmul.f32 v45, v40;
	v63 =	vmul.f32 v45, v11  }
0x2d0: {  	v11 =	vld [tilespmem:s12+$0x30C0];
	v43 =	vmul.f32 v45, v12;
	v39 =	vadd.f32 v62, v35;
	v51 =	vmul.f32 v45, v15  }
0x2d1: {  	v12 =	vld [tilespmem:s12+$0x30D0];
	v38 =	vmul.f32 v45, v37;
	v52 =	vadd.f32 v52, v35;
	v36 =	vmul.f32 v45, v36  }
0x2d2: {  	v15 =	vld [tilespmem:s12+$0x30E0];
	v54 =	vmul.f32 v47, v48;
	v40 =	vsub.s32 $0x5F1FFFF9, v61;
	v47 =	vmul.f32 v0, v17  }
0x2d3: {  	s5 =	simm.s32 $0x0;
	s16 =	smov.u32 s6;
	s29 =	sor.u32 $0x10, s12;
	v17 =	vld [tilespmem:s12+$0x30F0];
	v37 =	vmul.f32 $7.039522520e-01, v40;
	v44 =	vadd.f32 v63, v39;
	v39 =	vimm.f32 $0.0e+00;
	[tilespmem:$0x1FE90] =	vst v6  }
.LBB2_12:
0x2d4: {  	s5 =	sadd.s32 $0x5, s5;
	v0 =	vadd.f32 v50, v55;
	v5 =	vmul.f32 v45, v5;
	v48 =	vmin.f32 v54, $1.000000000e+00;
	s16 =	sadd.s32 $0x280, s16;
	v50, _, _ =	vpop (xrf2)  }
0x2d5: {  	v35 =	vadd.f32 v49, v35;
	v10 =	vmul.f32 v45, v10;
	v45 =	vadd.f32 v51, v46;
	p1 =	slt.u32 s5, $0x2D  }
0x2d6: {  	v43 =	vadd.f32 v43, v53;
	v36 =	vadd.f32 v36, v52;
	v46 =	vbroadcast v50, $0xF  }
0x2d7: {  	v32 =	vmul.f32 v48, v32;
	v10 =	vadd.f32 v10, v35;
	v35 =	vmul.f32 v40, v42  }
0x2d8: {  	v39 =	vadd.f32 v47, v39;
	v34 =	vmul.f32 v48, v34;
	v4 =	vmul.f32 v48, v4  }
0x2d9: {  	v21 =	vmul.f32 v48, v21;
	v32 =	vadd.f32 v32, v44;
	v42 =	vshra.s32 v46, $0x1  }
0x2da: {  	v3 =	vmul.f32 v48, v3;
	v43 =	vadd.f32 v4, v43;
	v4 =	vmul.f32 v40, v35  }
0x2db: {  	v22 =	vmul.f32 v48, v22;
	v35 =	vadd.f32 v38, v39;
	v38 =	vsub.s32 $0x5F1FFFF9, v42  }
0x2dc: {  	v2 =	vmul.f32 v48, v2;
	v21 =	vadd.f32 v21, v10;
	v10 =	vmul.f32 v38, v46  }
0x2dd: {  	v22 =	vadd.f32 v22, v35;
	v35 =	vmul.f32 v48, v1;
	v4 =	vsub.f32 $2.389244560e+00, v4  }
0x2de: {  	v5 =	vadd.f32 v5, v41;
	v39 =	vadd.f32 v2, v45;
	v10 =	vmul.f32 v38, v10  }
0x2df: {  	v0 =	vadd.f32 v34, v0;
	v34 =	vadd.f32 v35, v36;
	v4 =	vmul.f32 v4, v37;
	v1 =	vld [tilespmem:s16+$0x30]  }
0x2e0: {  	v35 =	vadd.f32 v3, v5;
	v5 =	vmul.f32 $7.039522520e-01, v38;
	v10 =	vsub.f32 $2.389244560e+00, v10;
	v2 =	vld [tilespmem:s16+$0x20]  }
0x2e1: {  	v44 =	vmin.f32 v4, $1.000000000e+00;
	v3 =	vld [tilespmem:s16+$0x10]  }
0x2e2: {  	v30 =	vmul.f32 v44, v30;
	v40 =	vmul.f32 v10, v5;
	v4 =	vld [tilespmem:s16+$0x0]  }
0x2e3: {  	v24 =	vmul.f32 v44, v24;
	v20 =	vmul.f32 v44, v20;
	v36 =	vld [tilespmem:s16+$0xFFFFFFB0]  }
0x2e4: {  	v10 =	vmul.f32 v44, v27;
	v13 =	vmul.f32 v44, v13;
	v27 =	vadd.f32 v30, v32;
	v37 =	vld [tilespmem:s16+$0xFFFFFFA0]  }
0x2e5: {  	v14 =	vmul.f32 v44, v14;
	v5 =	vld [tilespmem:s16+$0xFFFFFF90];
	v30 =	vmul.f32 v2, v2  }
0x2e6: {  	v18 =	vmul.f32 v44, v18;
	v22 =	vadd.f32 v10, v22;
	v38 =	vld [tilespmem:s16+$0xFFFFFF80];
	v32 =	vmul.f32 v3, v3  }
0x2e7: {  	v13 =	vadd.f32 v13, v34;
	v34 =	vmin.f32 v40, $1.000000000e+00;
	v10 =	vld [tilespmem:s16+$0xFFFFFF70];
	v41 =	vmul.f32 v4, v4  }
0x2e8: {  	v20 =	vadd.f32 v20, v35;
	v14 =	vadd.f32 v14, v39;
	v31 =	vmul.f32 v34, v31;
	v40 =	vld [tilespmem:s16+$0xFFFFFF60]  }
0x2e9: {  	v26 =	vmul.f32 v34, v26;
	v42 =	vld [tilespmem:s16+$0xFFFFFEC0];
	v57 =	vmul.f32 v37, v37;
	v58 =	vadd.f32 v32, v41  }
0x2ea: {  	v19 =	vmul.f32 v44, v19;
	v18 =	vadd.f32 v18, v43;
	v41 =	vld [tilespmem:s16+$0xFFFFFF30];
	v32 =	vmul.f32 v5, v5  }
0x2eb: {  	v21 =	vadd.f32 v24, v21;
	v24 =	vmul.f32 v34, v25;
	v45 =	vld [tilespmem:s16+$0xFFFFFF20];
	v35 =	vmul.f32 v38, v38  }
0x2ec: {  	v0 =	vadd.f32 v19, v0;
	v19 =	vmul.f32 v34, v33;
	v25 =	vmul.f32 v34, v28;
	v46 =	vld [tilespmem:s16+$0xFFFFFF10]  }
0x2ed: {  	v23 =	vmul.f32 v34, v23;
	v53 =	vld [tilespmem:s16+$0xFFFFFF00];
	v28 =	vmul.f32 v40, v40;
	v33 =	vadd.f32 v32, v35  }
0x2ee: {  	v43 =	vadd.f32 v25, v27;
	v50 =	vadd.f32 v26, v14;
	v14 =	vmul.f32 v34, v16;
	v49 =	vld [tilespmem:s16+$0xFFFFFEF0]  }
0x2ef: {  	v16 =	vmul.f32 v34, v29;
	v52 =	vadd.f32 v24, v20;
	v35 =	vadd.f32 v23, v21;
	v51 =	vld [tilespmem:s16+$0xFFFFFEE0]  }
0x2f0: {  	v39 =	vadd.f32 v19, v22;
	v47 =	vadd.f32 v14, v13;
	v44 =	vld [tilespmem:s16+$0xFFFFFED0];
	v20 =	vmul.f32 v45, v45  }
0x2f1: {  	v56 =	vadd.f32 v31, v18;
	v55 =	vadd.f32 v16, v0;
	v48 =	vld [tilespmem:s16+$0xFFFFFF50]  }
0x2f2: {  	v13 =	vmul.f32 v46, v46;
	v0 =	vmul.f32 v53, v53;
	v54 =	vld [tilespmem:s16+$0xFFFFFF40]  }
0x2f3: {  	v16 =	vmul.f32 v36, v36;
	v14 =	vmul.f32 v42, v42;
	v21 =	vld [tilespmem:s16+$0xFFFFFFF0]  }
0x2f4: {  	v19 =	vmul.f32 v41, v41;
	v18 =	vmul.f32 v51, v51;
	v0 =	vadd.f32 v13, v0;
	v32 =	vld [tilespmem:s16+$0xFFFFFFE0]  }
0x2f5: {  	v16 =	vadd.f32 v16, v57;
	v23 =	vmul.f32 v49, v49;
	v13 =	vmul.f32 v44, v44;
	v22 =	vld [tilespmem:s16+$0xFFFFFFD0]  }
0x2f6: {  	v24 =	vmul.f32 v10, v10;
	v19 =	vadd.f32 v19, v20;
	v20 =	vmul.f32 v48, v48;
	v34 =	vld [tilespmem:s16+$0xFFFFFFC0]  }
0x2f7: {  	v18 =	vadd.f32 v23, v18;
	v25 =	vadd.f32 v13, v14;
	v23 =	vmul.f32 v54, v54;
	v13 =	vld [tilespmem:s16+$0xB0]  }
0x2f8: {  	v0 =	vadd.f32 v19, v0;
	v19 =	vadd.f32 v24, v28;
	v26 =	vmul.f32 v21, v21;
	v14 =	vld [tilespmem:s16+$0xA0]  }
0x2f9: {  	v24 =	vadd.f32 v18, v25;
	v23 =	vadd.f32 v20, v23;
	v25 =	vmul.f32 v32, v32;
	v20 =	vld [tilespmem:s16+$0x90]  }
0x2fa: {  	v16 =	vadd.f32 v16, v33;
	v28 =	vmul.f32 v1, v1;
	v27 =	vmul.f32 v22, v22;
	v18 =	vld [tilespmem:s16+$0x80]  }
0x2fb: {  	v0 =	vadd.f32 v0, v24;
	v19 =	vadd.f32 v19, v23;
	v23 =	vmul.f32 v34, v34;
	v24 =	vld [tilespmem:s16+$0x70]  }
0x2fc: {  	v25 =	vadd.f32 v26, v25;
	v26 =	vadd.f32 v28, v30;
	v30 =	vld [tilespmem:s16+$0x60];
	v28 =	vmul.f32 v13, v13  }
0x2fd: {  	v16 =	vadd.f32 v16, v19;
	v23 =	vadd.f32 v27, v23;
	v27 =	vld [tilespmem:s16+$0x50];
	v29 =	vmul.f32 v14, v14;
	(xrf2) =	vadd.scan.msk.f32 $0xffff, v0  }
0x2fe: {  	v19 =	vld [tilespmem:s16+$0x40];
	v0 =	vmul.f32 v20, v20  }
0x2ff: {  	v23 =	vadd.f32 v25, v23;
	v25 =	vadd.f32 v26, v58;
	v26 =	vmul.f32 v18, v18  }
0x300: {  	v29 =	vadd.f32 v28, v29;
	(xrf2) =	vadd.scan.msk.f32 $0xffff, v16  }
0x301: {  	v23 =	vadd.f32 v25, v23;
	v0 =	vadd.f32 v0, v26;
	v16 =	vld [tilespmem:s16+$0x130]  }
0x302: {  	v33 =	vmul.f32 v24, v24;
	v28 =	vmul.f32 v30, v30;
	v26 =	vld [tilespmem:s16+$0x120]  }
0x303: {  	v58 =	vmul.f32 v27, v27;
	v57 =	vmul.f32 v19, v19;
	v25 =	vld [tilespmem:s16+$0x110];
	(xrf2) =	vadd.scan.msk.f32 $0xffff, v23  }
0x304: {  	v31 =	vld [tilespmem:s16+$0x100]  }
0x305: {  	v23 =	vld [tilespmem:s16+$0xF0]  }
0x306: {  	v33 =	vadd.f32 v33, v28;
	v57 =	vadd.f32 v58, v57  }
0x307: {  	v28 =	vld [tilespmem:s16+$0xE0];
	v58 =	vmul.f32 v16, v16  }
0x308: {  	v0 =	vadd.f32 v29, v0;
	v57 =	vadd.f32 v33, v57;
	v33 =	vld [tilespmem:s16+$0xD0];
	v6 =	vmul.f32 v26, v26;
	v29, _, _ =	vpop (xrf2)  }
0x309: {  	v60 =	vbroadcast v29, $0xF;
	v29 =	vld [tilespmem:s16+$0xC0];
	v61 =	vmul.f32 v25, v25  }
0x30a: {  	v0 =	vadd.f32 v0, v57;
	v57 =	vmul.f32 v31, v31;
	v63 =	vmul.f32 v23, v23  }
0x30b: {  	v58 =	vadd.f32 v58, v6;
	v62 =	vshra.s32 v60, $0x1;
	v59, _, _ =	vpop (xrf2)  }
0x30c: {  	v62 =	vsub.s32 $0x5F1FFFF9, v62;
	v59 =	vbroadcast v59, $0xF;
	v6 =	vmul.f32 v28, v28;
	(xrf2) =	vadd.scan.msk.f32 $0xffff, v0  }
0x30d: {  	v57 =	vadd.f32 v61, v57;
	v0 =	vmul.f32 v62, v60;
	v60 =	vmul.f32 v33, v33  }
0x30e: {  	v61 =	vshra.s32 v59, $0x1;
	v7 =	vmul.f32 v29, v29;
	v6 =	vadd.f32 v63, v6;
	v63, _, _ =	vpop (xrf2)  }
0x30f: {  	v0 =	vmul.f32 v62, v0;
	v61 =	vsub.s32 $0x5F1FFFF9, v61;
	v63 =	vbroadcast v63, $0xF  }
0x310: {  	v57 =	vadd.f32 v58, v57;
	v59 =	vmul.f32 v61, v59;
	v7 =	vadd.f32 v60, v7  }
0x311: {  	v58 =	vmul.f32 $7.039522520e-01, v62;
	v0 =	vsub.f32 $2.389244560e+00, v0;
	v60 =	vshra.s32 v63, $0x1  }
0x312: {  	v59 =	vmul.f32 v61, v59;
	v6 =	vadd.f32 v6, v7;
	v60 =	vsub.s32 $0x5F1FFFF9, v60  }
0x313: {  	v0 =	vmul.f32 v0, v58;
	v7 =	vmul.f32 v60, v63  }
0x314: {  	v58 =	vmul.f32 $7.039522520e-01, v61;
	v61 =	vsub.f32 $2.389244560e+00, v59;
	v6 =	vadd.f32 v57, v6  }
0x315: {  	v57 =	vmul.f32 $7.039522520e-01, v60;
	v0 =	vmin.f32 v0, $1.000000000e+00;
	v7 =	vmul.f32 v60, v7  }
0x316: {  	v53 =	vmul.f32 v0, v53;
	v58 =	vmul.f32 v61, v58;
	v59, _, _ =	vpop (xrf2);
	(xrf2) =	vadd.scan.msk.f32 $0xffff, v6  }
0x317: {  	v6 =	vmul.f32 v0, v42;
	v7 =	vsub.f32 $2.389244560e+00, v7;
	v42 =	vbroadcast v59, $0xF  }
0x318: {  	v53 =	vadd.f32 v53, v56;
	v56 =	vmul.f32 v0, v45;
	v59 =	vmul.f32 v0, v41  }
0x319: {  	v45 =	vmin.f32 v58, $1.000000000e+00;
	v55 =	vadd.f32 v6, v55;
	v6 =	vmul.f32 v0, v46  }
0x31a: {  	v49 =	vmul.f32 v0, v49;
	v46 =	vadd.f32 v56, v50;
	v56 =	vshra.s32 v42, $0x1  }
.Ltmp6:
0x31b: {  	v51 =	vmul.f32 v0, v51;
	v50 =	vmul.f32 v45, v54;
	v41 =	vadd.f32 v6, v52;
	(pc) =	sbr.rel @p1 .LBB2_12-.Ltmp6, $4  }
0x31c: {  	v54 =	vmul.f32 v7, v57;
	v6 =	vmul.f32 v45, v40;
	v40 =	vsub.s32 $0x5F1FFFF9, v56  }
0x31d: {  	v7 =	vadd.f32 v51, v43;
	v43 =	vmul.f32 v45, v38;
	v51 =	vmul.f32 v45, v37  }
0x31e: {  	v38 =	vmul.f32 v45, v48;
	v52 =	vadd.f32 v59, v47;
	v37 =	vmul.f32 $7.039522520e-01, v40  }
0x31f: {  	v36 =	vmul.f32 v45, v36;
	v47 =	vmul.f32 v0, v44;
	v44 =	vadd.f32 v6, v7  }
0x320: {  	v0 =	vadd.f32 v50, v55;
	v5 =	vmul.f32 v45, v5  }
0x321: {  	v6 =	vmin.f32 v54, $1.000000000e+00;
	v7, _, _ =	vpop (xrf2);
	v35 =	vadd.f32 v49, v35;
	v10 =	vmul.f32 v45, v10  }
0x322: {  	v55 =	vadd.f32 v51, v46;
	v56 =	vmul.f32 v40, v42;
	v7 =	vbroadcast v7, $0xF  }
0x323: {  	v43 =	vadd.f32 v43, v53;
	v32 =	vmul.f32 v6, v32;
	v34 =	vmul.f32 v6, v34  }
0x324: {  	v36 =	vadd.f32 v36, v52;
	v4 =	vmul.f32 v6, v4;
	v21 =	vmul.f32 v6, v21  }
0x325: {  	v3 =	vmul.f32 v6, v3;
	v22 =	vmul.f32 v6, v22;
	v57 =	vshra.s32 v7, $0x1  }
0x326: {  	v10 =	vadd.f32 v10, v35;
	v35 =	vmul.f32 v40, v56;
	v58 =	vsub.s32 $0x5F1FFFF9, v57  }
0x327: {  	v39 =	vadd.f32 v47, v39;
	v2 =	vmul.f32 v6, v2;
	v7 =	vmul.f32 v58, v7  }
0x328: {  	v1 =	vmul.f32 v6, v1;
	v5 =	vadd.f32 v5, v41;
	v35 =	vsub.f32 $2.389244560e+00, v35  }
0x329: {  	v32 =	vadd.f32 v32, v44;
	v4 =	vadd.f32 v4, v43;
	v7 =	vmul.f32 v58, v7  }
0x32a: {  	v38 =	vadd.f32 v38, v39;
	v10 =	vadd.f32 v21, v10;
	v21 =	vmul.f32 v35, v37  }
0x32b: {  	v2 =	vadd.f32 v2, v55;
	v6 =	vmul.f32 $7.039522520e-01, v58;
	v7 =	vsub.f32 $2.389244560e+00, v7  }
0x32c: {  	v0 =	vadd.f32 v34, v0;
	v1 =	vadd.f32 v1, v36;
	v21 =	vmin.f32 v21, $1.000000000e+00  }
0x32d: {  	v3 =	vadd.f32 v3, v5;
	v30 =	vmul.f32 v21, v30;
	v6 =	vmul.f32 v7, v6  }
0x32e: {  	v22 =	vadd.f32 v22, v38;
	v20 =	vmul.f32 v21, v20;
	v7 =	vmul.f32 v21, v24  }
0x32f: {  	v5 =	vmul.f32 v21, v27;
	v14 =	vmul.f32 v21, v14;
	v6 =	vmin.f32 v6, $1.000000000e+00  }
0x330: {  	v3 =	vadd.f32 v20, v3;
	v7 =	vadd.f32 v7, v10;
	v10 =	vmul.f32 v6, v25  }
0x331: {  	v13 =	vmul.f32 v21, v13;
	v2 =	vadd.f32 v14, v2;
	v14 =	vmul.f32 v21, v19  }
0x332: {  	v18 =	vmul.f32 v21, v18;
	v24 =	vadd.f32 v30, v32;
	v3 =	vadd.f32 v10, v3;
	v10 =	vld [tilespmem:$0x1FE80]  }
0x333: {  	v5 =	vadd.f32 v5, v22;
	v0 =	vadd.f32 v14, v0;
	v19 =	vmul.f32 v6, v29  }
0x334: {  	v1 =	vadd.f32 v13, v1;
	v4 =	vadd.f32 v18, v4;
	v13 =	vmul.f32 v6, v26  }
0x335: {  	v18 =	vmul.f32 v6, v28;
	v14 =	vmul.f32 v6, v33;
	v0 =	vadd.f32 v19, v0  }
0x336: {  	v20 =	vmul.f32 v6, v23;
	v2 =	vadd.f32 v13, v2;
	v13 =	vmul.f32 v6, v31  }
0x337: {  	v18 =	vadd.f32 v18, v24;
	v6 =	vmul.f32 v6, v16;
	v0 =	vmul.f32 v0, v10;
	v10 =	vld [tilespmem:$0x1FE90]  }
0x338: {  	v5 =	vadd.f32 v14, v5  }
0x339: {  	v4 =	vadd.f32 v13, v4;
	v1 =	vadd.f32 v6, v1;
	v6 =	vmul.f32 v18, v8  }
0x33a: {  	v7 =	vadd.f32 v20, v7;
	v3 =	vmul.f32 v3, v12;
	v2 =	vmul.f32 v2, v15  }
0x33b: {  	v4 =	vmul.f32 v4, v11;
	v1 =	vmul.f32 v1, v17  }
0x33c: {  	v7 =	vmul.f32 v7, v9;
	v5 =	vmul.f32 v5, v10  }
0x33d: {  	v3 =	vadd.f32 v3, v4;
	v1 =	vadd.f32 v1, v2  }
0x33e: {  	v0 =	vadd.f32 v5, v0;
	v5 =	vadd.f32 v7, v6;
	_ =	sdelay $0x1  }
0x33f: {  	v1 =	vadd.f32 v1, v3;
	v0 =	vadd.f32 v5, v0;
	_ =	sdelay $0x1  }
0x340: {  	v0 =	vadd.f32 v1, v0;
	_ =	sdelay $0x1  }
0x341: {  	(xrf2) =	vadd.scan.msk.f32 $0xffff, v0;
	_ =	sdelay $0x7  }
0x342: {  	v59 =	vld [tilespmem:s18+$0x18880];
	_ =	sdelay $0x1  }
0x343: {  	s4 =	sand.u32 $0xF, s4;
	v60, _, _ =	vpop (xrf2)  }
0x344: {  	v61 =	vmov s4;
	v3 =	vlaneseq.u32;
	v1 =	vbroadcast v60, $0xF  }
0x345: {  	vm0 =	veq.s32 v61, v3  }
0x346: {  	v0 =	vsel vm0, v1, v59  }
0x347: {  	[tilespmem:s18+$0x18880] =	vst v0  }
0x348: {  	v9 =	vld [tilespmem:s12+$0x3080]  }
0x349: {  	v6 =	vld [tilespmem:s29+$0x3080]  }
0x34a: {  	v7 =	vld [tilespmem:s12+$0x30A0]  }
0x34b: {  	v8 =	vld [tilespmem:s12+$0x30B0]  }
0x34c: {  	v17 =	vld [tilespmem:s12+$0x30C0]  }
0x34d: {  	v5 =	vld [tilespmem:s12+$0x30D0]  }
0x34e: {  	v4 =	vld [tilespmem:s12+$0x30E0]  }
0x34f: {  	v62 =	vld [tilespmem:s12+$0x30F0]  }
0x350: {  	v0 =	vld [tilespmem:s25+$0x80]  }
0x351: {  	v63 =	vld [tilespmem:s25+$0x90]  }
0x352: {  	v10 =	vld [tilespmem:s25+$0xA0]  }
0x353: {  	v11 =	vld [tilespmem:s25+$0xB0]  }
0x354: {  	v12 =	vld [tilespmem:s25+$0xC0]  }
0x355: {  	v13 =	vld [tilespmem:s25+$0xD0]  }
0x356: {  	v14 =	vld [tilespmem:s25+$0xE0]  }
0x357: {  	v23 =	vld [tilespmem:s25+$0xF0]  }
0x358: {  	v24 =	vld [tilespmem:s25+$0xFFFFFF80]  }
0x359: {  	v25 =	vld [tilespmem:s25+$0xFFFFFF90]  }
0x35a: {  	v26 =	vld [tilespmem:s25+$0xFFFFFFA0]  }
0x35b: {  	v27 =	vld [tilespmem:s25+$0xFFFFFFB0]  }
0x35c: {  	v28 =	vld [tilespmem:s25+$0xFFFFFFC0]  }
0x35d: {  	v31 =	vld [tilespmem:s25+$0xFFFFFFD0];
	v29 =	vmul.f32 v0, v9;
	v30 =	vmul.f32 v63, v6  }
0x35e: {  	v36 =	vld [tilespmem:s25+$0xFFFFFFE0];
	v32 =	vmul.f32 v10, v7;
	v33 =	vmul.f32 v11, v8  }
0x35f: {  	v38 =	vld [tilespmem:s25+$0xFFFFFFF0];
	v34 =	vmul.f32 v12, v17;
	v35 =	vmul.f32 v13, v5  }
0x360: {  	v37 =	vmul.f32 v14, v4;
	v39 =	vmul.f32 v24, v9  }
0x361: {  	v40 =	vmul.f32 v23, v62;
	v41 =	vmul.f32 v25, v6  }
0x362: {  	v42 =	vmul.f32 v26, v7;
	v43 =	vmul.f32 v27, v8  }
0x363: {  	v15 =	vld [tilespmem:s25+$0x0];
	v44 =	vmul.f32 v28, v17;
	v45 =	vmul.f32 v31, v5  }
0x364: {  	v16 =	vld [tilespmem:s25+$0x10];
	v46 =	vmul.f32 v36, v4;
	v47 =	vmul.f32 v38, v62  }
0x365: {  	s4 =	simm.s32 $0x0;
	v19 =	vld [tilespmem:s25+$0x20];
	v0 =	vmul.f32 v0, v0;
	v48 =	vmul.f32 v63, v63  }
0x366: {  	v2 =	vmov s4;
	v10 =	vmul.f32 v10, v10;
	v49 =	vmul.f32 v11, v11  }
0x367: {  	s5 =	simm.s32 $0x3;
	vm0 =	veq.s32 v2, v3;
	v51 =	vmul.f32 v12, v12;
	v52 =	vmul.f32 v13, v13  }
0x368: {  	s8 =	simm.s32 $0xFFFFFFF3;
	v53 =	vmul.f32 v14, v14;
	v14 =	vmov s5;
	v54 =	vmul.f32 v15, v15  }
0x369: {  	s7 =	simm.s32 $0x2;
	s16 =	simm.s32 $0xFFFFFFF2;
	v55 =	vmul.f32 v23, v23;
	v11 =	vmov s8;
	v56 =	vmul.f32 v16, v16  }
0x36a: {  	[tilespmem:$0x1FE50] =	vst v17;
	v57 =	vmul.f32 v19, v19;
	v13 =	vmov s7;
	v12 =	vmov s16  }
0x36b: {  	v23 =	vmul.f32 v24, v24;
	v21 =	vld [tilespmem:s25+$0x30];
	[tilespmem:$0x1FE60] =	vst v4;
	v29 =	vadd.f32 v30, v29;
	v30 =	vadd.f32 v33, v32  }
0x36c: {  	v24 =	vmul.f32 v25, v25;
	[tilespmem:$0x1FE70] =	vst v62;
	v32 =	vadd.f32 v35, v34;
	v37 =	vadd.f32 v40, v37  }
0x36d: {  	v36 =	vmul.f32 v36, v36;
	v17 =	vld [tilespmem:s25+$0x40];
	v40 =	vadd.f32 v41, v39;
	v63 =	vadd.f32 v43, v42  }
0x36e: {  	v38 =	vmul.f32 v38, v38;
	v18 =	vld [tilespmem:s25+$0x50];
	v42 =	vadd.f32 v45, v44;
	v43 =	vadd.f32 v47, v46  }
0x36f: {  	v62 =	vimm.f32 $0.0e+00;
	v22 =	vld [tilespmem:s25+$0x60];
	v0 =	vadd.f32 v48, v0;
	v10 =	vadd.f32 v49, v10  }
0x370: {  	v20 =	vld [tilespmem:s25+$0x70];
	v33 =	vmul.f32 v26, v26;
	v52 =	vadd.f32 v52, v51;
	v55 =	vadd.f32 v55, v53  }
0x371: {  	v25 =	vld [tilespmem:s25+$0xFFFFFF00];
	v34 =	vmul.f32 v27, v27;
	v39 =	vadd.f32 v56, v54;
	v29 =	vadd.f32 v30, v29  }
0x372: {  	v26 =	vld [tilespmem:s25+$0xFFFFFF10];
	v35 =	vmul.f32 v28, v28;
	v30 =	vadd.f32 v37, v32;
	v63 =	vadd.f32 v63, v40  }
0x373: {  	v27 =	vld [tilespmem:s25+$0xFFFFFF20];
	v37 =	vmul.f32 v31, v31;
	v45 =	vadd.f32 v43, v42;
	v47 =	vadd.f32 v10, v0  }
0x374: {  	v28 =	vld [tilespmem:s25+$0xFFFFFF30];
	v48 =	vadd.f32 v55, v52;
	v10 =	vimm.f32 $0.0e+00;
	v58 =	vmul.f32 v21, v21  }
0x375: {  	v31 =	vld [tilespmem:s25+$0xFFFFFF60];
	v32 =	vadd.f32 v30, v29;
	v59 =	vmul.f32 v17, v17;
	v60 =	vmul.f32 v18, v18  }
0x376: {  	v29 =	vld [tilespmem:s25+$0xFFFFFF40];
	v45 =	vadd.f32 v45, v63;
	v50 =	vmul.f32 v22, v22;
	v61 =	vmul.f32 v20, v20  }
0x377: {  	v30 =	vld [tilespmem:s25+$0xFFFFFF50];
	v40 =	vmul.f32 v25, v25;
	v43 =	vmul.f32 v26, v26;
	v41 =	vadd.f32 v58, v57  }
0x378: {  	s5 =	simm.s32 $0x4;
	s16 =	smov.u32 s25;
	v44 =	vmul.f32 v27, v27;
	(xrf2) =	vadd.scan.msk.f32 $0xffff, v32;
	v32 =	vld [tilespmem:s25+$0xFFFFFF70];
	v42 =	vadd.f32 v60, v59;
	v46 =	vadd.f32 v61, v50  }
.LBB2_14:
0x379: {  	v15 =	vmul.f32 v15, v9  }
0x37a: {  	v16 =	vmul.f32 v16, v6;
	v19 =	vmul.f32 v19, v7  }
0x37b: {  	v23 =	vadd.f32 v24, v23;
	v21 =	vmul.f32 v21, v8;
	v18 =	vmul.f32 v18, v5  }
0x37c: {  	v25 =	vmul.f32 v25, v9;
	v26 =	vmul.f32 v26, v6;
	v24 =	vadd.f32 v34, v33  }
0x37d: {  	v56 =	vmul.f32 v27, v7;
	v58 =	vadd.f32 v37, v35;
	v59 =	vadd.f32 v48, v47  }
0x37e: {  	s7 =	sadd.s32 $0x1, s4;
	v2 =	vlaneseq.u32;
	v39 =	vadd.f32 v41, v39;
	v61 =	vadd.f32 v46, v42  }
0x37f: {  	v40 =	vadd.f32 v43, v40;
	v36 =	vadd.f32 v38, v36;
	v52 =	vmov s7  }
0x380: {  	v50 =	vld [tilespmem:$0x1FE60];
	vm1 =	veq.s32 v14, v2;
	vm2 =	veq.s32 v11, v2;
	vm3 =	veq.s32 v13, v2  }
0x381: {  	v3 =	vld [tilespmem:$0x1FE70];
	vm4 =	veq.s32 v12, v2;
	v15 =	vadd.f32 v16, v15;
	v16 =	vadd.f32 v21, v19  }
0x382: {  	s16 =	sadd.s32 $0x200, s16;
	v48 =	vld [tilespmem:$0x1FE50];
	vm5 =	veq.s32 v52, v2;
	v23 =	vadd.f32 v24, v23;
	v0 =	vmul.f32 v28, v28  }
0x383: {  	s8 =	sadd.s32 $0xFFFFFFF0, s4;
	(xrf2) =	vadd.scan.msk.f32 $0xffff, v45;
	v27 =	vld [tilespmem:s16+$0xC0];
	v24 =	vadd.f32 v36, v58;
	v57 =	vmul.f32 v29, v29;
	v60 =	vmul.f32 v30, v30  }
0x384: {  	v41 =	vld [tilespmem:s16+$0xFFFFFFA0];
	(xrf2) =	vadd.scan.msk.f32 $0xffff, v59;
	v59 =	vmov s8;
	v63 =	vmul.f32 v31, v31;
	v43 =	vmul.f32 v32, v32  }
0x385: {  	v42 =	vld [tilespmem:s16+$0xFFFFFFB0];
	v28 =	vmul.f32 v28, v8;
	v15 =	vadd.f32 v16, v15;
	vm7 =	veq.s32 v59, v2  }
0x386: {  	v46 =	vadd.f32 v24, v23;
	v23 =	vld [tilespmem:s16+$0x80];
	v53 =	vmul.f32 v22, v50;
	v54 =	vmul.f32 v20, v3  }
0x387: {  	v24 =	vld [tilespmem:s16+$0x90];
	v21 =	vmul.f32 v31, v50;
	v0 =	vadd.f32 v0, v44;
	v44 =	vadd.f32 v61, v39  }
0x388: {  	s7 =	sadd.s32 $0xFFFFFFF1, s4;
	v22 =	vld [tilespmem:s16+$0xA0];
	v33 =	vadd.f32 v60, v57;
	v45 =	vadd.f32 v43, v63;
	v17 =	vmul.f32 v17, v48  }
0x389: {  	v20 =	vld [tilespmem:s16+$0xB0];
	v57 =	vmov s7;
	v58 =	vmul.f32 v29, v48;
	v60 =	vmul.f32 v30, v5  }
0x38a: {  	v61 =	vld [tilespmem:s16+$0xE0];
	v30 =	vmul.f32 v32, v3;
	v35 =	vadd.f32 v28, v56;
	v32 =	vmul.f32 v27, v48  }
0x38b: {  	v63 =	vld [tilespmem:s16+$0xF0];
	v56 =	vmul.f32 v27, v27;
	v0 =	vadd.f32 v0, v40;
	v33 =	vadd.f32 v45, v33  }
0x38c: {  	v43 =	vld [tilespmem:s16+$0xFFFFFFC0];
	v34 =	vmul.f32 v42, v42;
	v1 =	vadd.f32 v18, v17;
	v18 =	vadd.f32 v54, v53  }
0x38d: {  	(xrf2) =	vadd.scan.msk.f32 $0xffff, v44;
	v45 =	vadd.f32 v26, v25;
	v26 =	vmul.f32 v23, v9;
	v28 =	vmul.f32 v24, v6  }
0x38e: {  	v29 =	vld [tilespmem:s16+$0xD0];
	v47, _, _ =	vpop (xrf2);
	(xrf2) =	vadd.scan.msk.f32 $0xffff, v46;
	v46 =	vadd.f32 v30, v21;
	v30 =	vmul.f32 v22, v7;
	v31 =	vmul.f32 v20, v8  }
0x38f: {  	v25 =	vld [tilespmem:s16+$0xFFFFFF80];
	v0 =	vadd.f32 v33, v0;
	v53 =	vmul.f32 v24, v24;
	v54 =	vmul.f32 v22, v22  }
0x390: {  	v40 =	vld [tilespmem:s16+$0xFFFFFF90];
	v16 =	vadd.f32 v18, v1;
	v33 =	vmul.f32 v41, v41;
	v36 =	vmul.f32 v61, v50  }
0x391: {  	vm6 =	veq.s32 v57, v2;
	v44 =	vld [tilespmem:s16+$0xFFFFFFE0];
	v38 =	vmul.f32 v63, v3;
	v48 =	vmul.f32 v43, v48  }
0x392: {  	v55, _, _ =	vpop (xrf2);
	v57 =	vmul.f32 v61, v61;
	v59 =	vmul.f32 v63, v63;
	(xrf2) =	vadd.scan.msk.f32 $0xffff, v0;
	v15 =	vadd.f32 v16, v15  }
0x393: {  	v16 =	vadd.f32 v35, v45;
	v35 =	vmul.f32 v29, v5;
	v13 =	vbroadcast v55, $0xF  }
0x394: {  	v39 =	vld [tilespmem:s16+$0xFFFFFFD0];
	v0 =	vadd.f32 v60, v58;
	v55 =	vmul.f32 v20, v20;
	v29 =	vmul.f32 v29, v29  }
0x395: {  	v45 =	vld [tilespmem:s16+$0xFFFFFFF0];
	v27 =	vadd.f32 v28, v26;
	v28 =	vadd.f32 v31, v30;
	v37 =	vmul.f32 v25, v9  }
0x396: {  	v50 =	vmul.f32 v44, v50;
	v31 =	vadd.f32 v38, v36;
	v24 =	vmul.f32 v40, v40  }
0x397: {  	v26 =	vld [tilespmem:s16+$0xFFFFFF10];
	v19, _, _ =	vpop (xrf2);
	v57 =	vadd.f32 v59, v57;
	v36 =	vmul.f32 v44, v44;
	v0 =	vadd.f32 v46, v0  }
0x398: {  	v14 =	vbroadcast v19, $0xF;
	v46 =	vmul.f32 v40, v6;
	v30 =	vadd.f32 v35, v32  }
0x399: {  	v54 =	vadd.f32 v55, v54;
	v35 =	vmul.f32 v43, v43;
	v55 =	vadd.f32 v28, v27;
	v17, _, _ =	vpop (xrf2)  }
0x39a: {  	v32 =	vadd.f32 v46, v37;
	v37 =	vmul.f32 v39, v39;
	v38 =	vmul.f32 v45, v45;
	v18, _, _ =	vpop (xrf2)  }
0x39b: {  	v0 =	vadd.f32 v0, v16;
	(xrf2) =	vadd.scan.msk.f32 $0xffff, v15;
	v15 =	vbroadcast v47, $0xF;
	v47 =	vbroadcast v18, $0xF  }
0x39c: {  	v43 =	vmul.f32 v26, v26;
	v16 =	vbroadcast v17, $0xF;
	v18 =	vshra.s32 v14, $0x1;
	v11, _, _ =	vpop (xrf2)  }
0x39d: {  	v18 =	vsub.s32 $0x5F1FFFF9, v18;
	(xrf2) =	vadd.scan.msk.f32 $0xffff, v0;
	v19 =	vshra.s32 v47, $0x1;
	v11 =	vbroadcast v11, $0xF  }
0x39e: {  	v27 =	vld [tilespmem:s16+$0xFFFFFF20];
	v17 =	vshra.s32 v16, $0x1;
	v21 =	vmul.f32 $7.039522520e-01, v18;
	v19 =	vsub.s32 $0x5F1FFFF9, v19  }
0x39f: {  	v17 =	vsub.s32 $0x5F1FFFF9, v17;
	v0 =	vmul.f32 v19, v47;
	v12 =	vshra.s32 v11, $0x1  }
0x3a0: {  	v14 =	vmul.f32 v18, v14;
	v16 =	vmul.f32 v17, v16;
	v12 =	vsub.s32 $0x5F1FFFF9, v12  }
0x3a1: {  	v56 =	vadd.f32 v29, v56;
	v0 =	vmul.f32 v19, v0;
	v11 =	vmul.f32 v12, v11  }
0x3a2: {  	v30 =	vadd.f32 v31, v30;
	v14 =	vmul.f32 v18, v14;
	v18 =	vmul.f32 $7.039522520e-01, v19;
	v19 =	vld [tilespmem:s16+$0x20]  }
0x3a3: {  	v44 =	vmul.f32 v27, v27;
	v0 =	vsub.f32 $2.389244560e+00, v0;
	v11 =	vmul.f32 v12, v11  }
0x3a4: {  	v47 =	vmul.f32 v41, v7;
	v51 =	vmul.f32 v17, v16;
	v14 =	vsub.f32 $2.389244560e+00, v14  }
0x3a5: {  	v12 =	vmul.f32 $7.039522520e-01, v12;
	v0 =	vmul.f32 v0, v18;
	v11 =	vsub.f32 $2.389244560e+00, v11  }
0x3a6: {  	v20 =	vld [tilespmem:s16+$0x70];
	v31 =	vadd.f32 v30, v55;
	v17 =	vmul.f32 $7.039522520e-01, v17;
	v14 =	vmul.f32 v14, v21;
	v49, _, _ =	vpop (xrf2)  }
0x3a7: {  	v61 =	vmul.f32 v19, v19;
	v16, _, _ =	vpop (xrf2);
	v0 =	vmin.f32 v0, $1.000000000e+00;
	v11 =	vmul.f32 v11, v12  }
0x3a8: {  	v21 =	vld [tilespmem:s16+$0x30];
	v12 =	vsub.f32 $2.389244560e+00, v51;
	v16 =	vbroadcast v16, $0xF;
	v0 =	vmul.f32 v0, v13  }
0x3a9: {  	s8 =	sadd.s32 $0x3, s5;
	v13 =	vmin.f32 v14, $1.000000000e+00;
	v51 =	vmul.f32 v45, v3;
	v11 =	vmin.f32 v11, $1.000000000e+00  }
0x3aa: {  	v14 =	vmov s8;
	v12 =	vmul.f32 v12, v17;
	v11 =	vmul.f32 v11, v16  }
0x3ab: {  	v3 =	vmul.f32 v20, v20;
	v41 =	vadd.f32 v51, v50;
	v16 =	vbroadcast v49, $0xF  }
0x3ac: {  	v49 =	vmul.f32 v39, v5;
	v12 =	vmin.f32 v12, $1.000000000e+00;
	v52 =	vsel vm0, v11, v62  }
0x3ad: {  	v22 =	vld [tilespmem:s16+$0x60];
	v10 =	vsel vm7, v11, v10;
	v11 =	vmul.f32 v12, v16;
	v62 =	vmul.f32 v21, v21  }
0x3ae: {  	v18 =	vld [tilespmem:s16+$0x50];
	v40 =	vadd.f32 v49, v48;
	v48 =	vadd.f32 v57, v56;
	v1 =	vsel vm5, v0, v52  }
0x3af: {  	s8 =	sadd.s32 $0x2, s5;
	v17 =	vld [tilespmem:s16+$0x40];
	v0 =	vsel vm6, v0, v10;
	v10 =	vmul.f32 v13, v15;
	v52 =	vmul.f32 v23, v23  }
0x3b0: {  	s7 =	sadd.s32 $0xFFFFFFF3, s5;
	v16 =	vld [tilespmem:s16+$0x10];
	v23 =	vmov s5;
	v13 =	vmov s8;
	v1 =	vsel vm3, v11, v1  }
0x3b1: {  	v15 =	vld [tilespmem:s16+$0x0];
	v0 =	vsel vm4, v11, v0;
	v11 =	vmov s7;
	vm0 =	veq.s32 v23, v2  }
0x3b2: {  	v4 =	vsel vm1, v10, v1;
	v10 =	vsel vm2, v10, v0;
	v0 =	vmul.f32 v42, v8  }
0x3b3: {  	p1 =	slt.u32 s5, $0x10;
	v2 =	vmul.f32 v22, v22;
	v23 =	vmul.f32 v25, v25;
	v25 =	vld [tilespmem:s16+$0xFFFFFF00];
	v59 =	vadd.f32 v41, v40  }
.Ltmp7:
0x3b4: {  	v28 =	vld [tilespmem:s16+$0xFFFFFF30];
	v63 =	vmul.f32 v17, v17;
	v41 =	vadd.f32 v62, v61;
	v0 =	vadd.f32 v0, v47;
	(pc) =	sbr.rel @p1 .LBB2_14-.Ltmp7, $4  }
0x3b5: {  	v29 =	vld [tilespmem:s16+$0xFFFFFF40];
	v1 =	vmul.f32 v18, v18;
	v53 =	vadd.f32 v53, v52;
	v46 =	vadd.f32 v3, v2  }
0x3b6: {  	v30 =	vld [tilespmem:s16+$0xFFFFFF50];
	s8 =	sadd.s32 $0xFFFFFFF2, s5;
	v60 =	vmul.f32 v16, v16;
	v58 =	vmul.f32 v15, v15;
	v0 =	vadd.f32 v0, v32  }
0x3b7: {  	(xrf2) =	vadd.scan.msk.f32 $0xffff, v31;
	v31 =	vld [tilespmem:s16+$0xFFFFFF60];
	v12 =	vmov s8;
	v42 =	vadd.f32 v1, v63;
	v47 =	vadd.f32 v54, v53  }
0x3b8: {  	s4 =	smov.u32 s5;
	s5 =	sadd.s32 $0x4, s5;
	v62 =	vmovc v4;
	v40 =	vmul.f32 v25, v25;
	v32 =	vld [tilespmem:s16+$0xFFFFFF70];
	v39 =	vadd.f32 v60, v58;
	v45 =	vadd.f32 v59, v0  }
0x3b9: {  	v1 =	vadd.f32 v24, v23;
	v2 =	vadd.f32 v34, v33  }
0x3ba: {  	v63 =	vadd.f32 v37, v35;
	v48 =	vadd.f32 v48, v47  }
0x3bb: {  	v0 =	vmul.f32 v28, v28;
	v51 =	vadd.f32 v46, v42;
	v36 =	vadd.f32 v38, v36  }
0x3bc: {  	v3 =	vmul.f32 v29, v29;
	v50 =	vadd.f32 v41, v39;
	v49 =	vmul.f32 v30, v30  }
0x3bd: {  	v53 =	vadd.f32 v43, v40;
	v52 =	vmul.f32 v31, v31;
	v54 =	vmul.f32 v32, v32  }
0x3be: {  	v55 =	vmul.f32 v15, v9;
	v0 =	vadd.f32 v0, v44;
	v1 =	vadd.f32 v2, v1  }
0x3bf: {  	v16 =	vmul.f32 v16, v6;
	v4 =	vld [tilespmem:$0x1FE50];
	v3 =	vadd.f32 v49, v3;
	v56 =	vadd.f32 v54, v52  }
0x3c0: {  	v19 =	vmul.f32 v19, v7;
	v59 =	vld [tilespmem:$0x1FE60];
	v23 =	vadd.f32 v36, v63;
	v34 =	vadd.f32 v51, v50  }
0x3c1: {  	v21 =	vmul.f32 v21, v8;
	(xrf2) =	vadd.scan.msk.f32 $0xffff, v45;
	v0 =	vadd.f32 v0, v53;
	v3 =	vadd.f32 v56, v3  }
0x3c2: {  	v58 =	vmul.f32 v18, v5;
	v61 =	vmul.f32 v25, v9;
	(xrf2) =	vadd.scan.msk.f32 $0xffff, v48;
	v63 =	vld [tilespmem:$0x1FE70];
	v1 =	vadd.f32 v23, v1  }
0x3c3: {  	v25 =	vmul.f32 v26, v6;
	v26 =	vmul.f32 v27, v7;
	(xrf2) =	vadd.scan.msk.f32 $0xffff, v34;
	v0 =	vadd.f32 v3, v0  }
0x3c4: {  	v27 =	vmul.f32 v28, v8;
	v57 =	vmul.f32 v17, v4;
	(xrf2) =	vadd.scan.msk.f32 $0xffff, v1  }
0x3c5: {  	v60 =	vmul.f32 v22, v59;
	v28 =	vmul.f32 v29, v4;
	(xrf2) =	vadd.scan.msk.f32 $0xffff, v0  }
0x3c6: {  	v2 =	vadd.f32 v16, v55;
	v29 =	vmul.f32 v30, v5;
	v31 =	vmul.f32 v31, v59  }
0x3c7: {  	v30 =	vadd.f32 v21, v19;
	v24 =	vmul.f32 v20, v63;
	v33 =	vmul.f32 v32, v63  }
0x3c8: {  	v34 =	vadd.f32 v27, v26;
	v15 =	vadd.f32 v58, v57  }
0x3c9: {  	v1 =	vadd.f32 v24, v60;
	v36 =	vadd.f32 v33, v31  }
0x3ca: {  	v35, _, _ =	vpop (xrf2);
	v3 =	vadd.f32 v25, v61;
	v0 =	vadd.f32 v29, v28  }
0x3cb: {  	v2 =	vadd.f32 v30, v2;
	v37, _, _ =	vpop (xrf2);
	v1 =	vadd.f32 v1, v15  }
0x3cc: {  	v38, _, _ =	vpop (xrf2);
	v3 =	vadd.f32 v34, v3;
	v0 =	vadd.f32 v36, v0  }
0x3cd: {  	s5 =	sadd.s32 $0x1, s4;
	v1 =	vadd.f32 v1, v2;
	v39, _, _ =	vpop (xrf2)  }
0x3ce: {  	s8 =	sadd.s32 $0xFFFFFFF1, s4;
	s16 =	sadd.s32 $0xFFFFFFF0, s4;
	v47 =	vlaneseq.u32;
	v40 =	vmov s5;
	v41, _, _ =	vpop (xrf2);
	v0 =	vadd.f32 v0, v3  }
0x3cf: {  	v42 =	vmov s8;
	v46 =	vmov s16;
	v43 =	vbroadcast v38, $0xF;
	(xrf2) =	vadd.scan.msk.f32 $0xffff, v1;
	v45, _, _ =	vpop (xrf2)  }
0x3d0: {  	vm1 =	veq.s32 v14, v47;
	vm2 =	veq.s32 v13, v47;
	(xrf2) =	vadd.scan.msk.f32 $0xffff, v0;
	v7 =	vbroadcast v45, $0xF  }
0x3d1: {  	v49 =	vbroadcast v37, $0xF;
	v52 =	vshra.s32 v43, $0x1;
	v48 =	vbroadcast v41, $0xF  }
0x3d2: {  	v4 =	vbroadcast v39, $0xF;
	v15 =	vsub.s32 $0x5F1FFFF9, v52;
	v50 =	vshra.s32 v7, $0x1  }
0x3d3: {  	v54 =	vmul.f32 $7.039522520e-01, v15;
	v53 =	vshra.s32 v48, $0x1;
	v8 =	vsub.s32 $0x5F1FFFF9, v50  }
0x3d4: {  	v51 =	vshra.s32 v4, $0x1;
	v16 =	vsub.s32 $0x5F1FFFF9, v53;
	v7 =	vmul.f32 v8, v7  }
0x3d5: {  	v1 =	vmul.f32 v15, v43;
	v14 =	vsub.s32 $0x5F1FFFF9, v51;
	v0 =	vmul.f32 v16, v48  }
0x3d6: {  	vm3 =	veq.s32 v40, v47;
	v4 =	vmul.f32 v14, v4;
	v7 =	vmul.f32 v8, v7  }
0x3d7: {  	vm4 =	veq.s32 v42, v47;
	v1 =	vmul.f32 v15, v1;
	v0 =	vmul.f32 v16, v0  }
0x3d8: {  	v4 =	vmul.f32 v14, v4;
	v55 =	vmul.f32 $7.039522520e-01, v8;
	v7 =	vsub.f32 $2.389244560e+00, v7  }
0x3d9: {  	v57 =	vmul.f32 $7.039522520e-01, v16;
	v1 =	vsub.f32 $2.389244560e+00, v1;
	v56, _, _ =	vpop (xrf2);
	v0 =	vsub.f32 $2.389244560e+00, v0  }
0x3da: {  	v14 =	vmul.f32 $7.039522520e-01, v14;
	v4 =	vsub.f32 $2.389244560e+00, v4;
	v58, _, _ =	vpop (xrf2);
	v2 =	vmul.f32 v7, v55  }
0x3db: {  	vm5 =	veq.s32 v46, v47;
	v0 =	vmul.f32 v0, v57;
	v59 =	vbroadcast v58, $0xF  }
0x3dc: {  	v1 =	vmul.f32 v1, v54;
	v4 =	vmul.f32 v4, v14;
	v2 =	vmin.f32 v2, $1.000000000e+00  }
0x3dd: {  	v60 =	vbroadcast v56, $0xF;
	v0 =	vmin.f32 v0, $1.000000000e+00;
	v2 =	vmul.f32 v2, v59  }
0x3de: {  	s1 =	sadd.s32 $0x1, s1;
	v44 =	vbroadcast v35, $0xF;
	v4 =	vmin.f32 v4, $1.000000000e+00;
	v0 =	vmul.f32 v0, v49  }
0x3df: {  	p1 =	sne.s32 s1, $0x4;
	v1 =	vmin.f32 v1, $1.000000000e+00;
	v3 =	vmul.f32 v4, v60;
	v61 =	vsel vm0, v2, v62  }
.Ltmp8:
0x3e0: {  	v1 =	vmul.f32 v1, v44;
	v2 =	vsel vm5, v2, v10;
	v62 =	vsel vm3, v0, v61;
	(pc) =	sbr.rel @p1 .LBB2_11-.Ltmp8, $4  }
0x3e1: {  	vm14 =	veq.s32 v12, v47;
	v0 =	vsel vm4, v0, v2;
	v63 =	vsel vm2, v3, v62  }
0x3e2: {  	vm15 =	veq.s32 v11, v47;
	v0 =	vsel vm14, v3, v0;
	v2 =	vsel vm1, v1, v63  }
0x3e3: {  	v0 =	vsel vm15, v1, v0;
	[tilespmem:s12+$0x18C80] =	vst v2  }
0x3e4: {  	s6 =	sadd.s32 $0x1900, s6;
	s25 =	sadd.s32 $0xA00, s25;
	[tilespmem:s29+$0x18C80] =	vst v0  }
.Ltmp9:
0x3e5: {  	(pc) =	sbr.rel @p0 .LBB2_18-.Ltmp9, $1  }
0x3e6: {  	_ =	sdelay $0x3  }
0x3e7: {  	s1 =	sadd.s32 $0x3, s21  }
0x3e8: {  	s4 =	sshll.u32 s1, $0x8  }
0x3e9: {  	s4 =	sand.u32 $0x3FFFFF00, s4  }
0x3ea: {  	s5 =	sor.u32 $0x80, s4  }
0x3eb: {  	[tilespmem:s22], [sflag:$0x4] =	stream.indirect.gather [hbm4b:s2+s15], $0x80, s5, s15, $0xb8;
	[tilespmem:$0x1CC80] =	vst v63  }
.Ltmp10:
0x3ec: {  	s1 =	sshll.u32 s1, $0x7;
	(pc) =	sbr.rel .LBB2_4-.Ltmp10, $4  }
0x3ed: {  	s1 =	sand.u32 $0x3FFFFF80, s1;
	s4 =	sadd.s32 $0x100, s4  }
0x3ee: {  	[tilespmem:s24], [sflag:$0x4] =	stream.indirect.gather [hbm4b:s2+s15], $0x80, s4, s15, $0xb8;
	[tilespmem:$0x1CC80] =	vst v63  }
0x3ef: {  	s1 =	sadd.s32 $0x2080, s1  }
0x3f0: {  	[tilespmem:s26], [sflag:$0x5] =	stream.indirect.gather [hbm4b:s2+s19], $0x80, s1, s19, $0xb8;
	[tilespmem:$0x1CC80] =	vst v63  }
.LBB2_19:
0x3f1: {  	_ =	sfence.sel $0x180000  }
0x3f2: {  	[bflag:$0x0] =	sbarrier.arrive $0xFFFF  }
0x3f3: {  	_ =	strace $0x90000047  }
0x3f4: {  	s0 =	stileid.u32;
	[bflag:$0x2] =	sbarrier.arrive $0xFFFF  }
0x3f5: {  	p0 =	sne.s32 s0, $0x0;
	s0 =	rddreg [dreg:$0x4]  }
0x3f6: {  	s0 =	sadd.s32 @!p0 $0x100000, s0  }
0x3f7: {  	[sflag:s0] =	ssyncadd.tile.s32 @!p0 $0x1;
	_ =	shalt  }
.Lfunc_end2:
_tile_overlayer_lowered:
.L_overlay_start_2:
0x3f8: {  	(tag) =	ssettag $0x2  }
0x3f9: {  	s0 =	rddreg [dreg:$0x0];
	s2 =	stileid.u32  }
0x3fa: {  	s1 =	rddreg [dreg:$0x1];
	p0 =	sne.s32 s2, $0x0  }
0x3fb: {  	s3 =	rddreg [dreg:$0x2];
	[bflag:$0x3] =	sbarrier.arrive $0xFFFF;
	s2 =	simm.s32 @!p0 $0x1C06  }
0x3fc: {  	[timem:s3], [sflag:s2] =	dma.local @!p0 [hbm:s0], s1  }
0x3fd: {  	s0 =	simm.s32 @!p0 $0x6  }
0x3fe: {  	_ =	swait.ge @!p0 [sflag:s0], s1  }
0x3ff: {  	s1 =	ssub.s32 @!p0 $0x0, s1;
	[sflag:s0] =	ssyncset.done @!p0 $0x0  }
0x400: {  	[sflag:s0] =	ssyncadd.s32 @!p0 s1  }
0x401: {  	[bflag:$0x3] =	sbarrier.arrive $0xFFFF  }
0x402: {  	_ =	shalt  }

</sc_bundles>
